<compile_context>
chip_gen: v7x
topology: tpu7x:2x2x1
jax: 0.10.2.dev20260603
libtpu: 0.0.44.dev20260713+nightly
codegen_flags: <defaults>
</compile_context>

<pallas_src>
import functools

import jax
import jax.numpy as jnp
from jax import lax
from jax.experimental import pallas as pl
from jax.experimental.pallas import tpu as pltpu
from jax.experimental.pallas import tpu_sc as plsc

NB = 8
NC = 19
H = 512
W = 512
NW = 32
SC_ROWS = 256
R = 8
CW = 256
CHUNKS = (SC_ROWS * W) // (R * CW * NW)
TOT = NB * CHUNKS
BROWS = NC * R
LANES = 16
ACC = NC * LANES

_mesh = plsc.VectorSubcoreMesh(core_axis_name="c", subcore_axis_name="s")


@functools.partial(
    pl.kernel,
    mesh=_mesh,
    compiler_params=pltpu.CompilerParams(needs_layout_passes=False),
    out_type=jax.ShapeDtypeStruct((NW * NB * 3, ACC), jnp.float32),
    scratch_types=[
        pltpu.VMEM((2 * BROWS, CW), jnp.float32),
        pltpu.VMEM((2 * R, CW), jnp.int32),
        pltpu.VMEM((1, ACC), jnp.float32),
        pltpu.VMEM((1, ACC), jnp.float32),
        pltpu.VMEM((1, ACC), jnp.float32),
        pltpu.SemaphoreType.DMA,
        pltpu.SemaphoreType.DMA,
    ],
)
def _dice_partials(
    inp_hbm, tgt_hbm, out_hbm, buf, tbuf, acc2, acc3, stage, sem0, sem1
):
    wid = lax.axis_index("s") * 2 + lax.axis_index("c")
    lane = lax.iota(jnp.int32, LANES)
    zeros = jnp.zeros((LANES,), jnp.float32)
    ones = jnp.ones((LANES,), jnp.float32)
    zi = jnp.zeros((LANES,), jnp.int32)

    def chunk_coords(t):
        b = t // CHUNKS
        g = wid * CHUNKS + t % CHUNKS
        h0 = (g // (W // CW)) * R
        w0 = (g % (W // CW)) * CW
        return b, h0, w0

    def fire(t, sem):
        b, h0, w0 = chunk_coords(t)
        par = t % 2
        for c in range(NC):
            pltpu.make_async_copy(
                inp_hbm.at[b, c, pl.ds(h0, R), pl.ds(w0, CW)],
                buf.at[pl.ds(par * BROWS + c * R, R), :],
                sem,
            ).start()
        pltpu.make_async_copy(
            tgt_hbm.at[b, 0, pl.ds(h0, R), pl.ds(w0, CW)],
            tbuf.at[pl.ds(par * R, R), :],
            sem,
        ).start()

    def drain(t, sem):
        par = t % 2
        pltpu.make_async_copy(
            inp_hbm.at[0, 0, pl.ds(0, BROWS), pl.ds(0, CW)],
            buf.at[pl.ds(par * BROWS, BROWS), :],
            sem,
        ).wait()
        pltpu.make_async_copy(
            tgt_hbm.at[0, 0, pl.ds(0, R), pl.ds(0, CW)],
            tbuf.at[pl.ds(par * R, R), :],
            sem,
        ).wait()

    fire(0, sem0)

    def outer(t, s1):
        par = t % 2
        reset = (t % CHUNKS) == 0
        s1 = tuple(jnp.where(reset, zeros, s) for s in s1)

        @pl.when(reset)
        def _():
            for c in range(NC):
                acc2[0, pl.ds(c * LANES, LANES)] = zeros
                acc3[0, pl.ds(c * LANES, LANES)] = zeros

        @pl.when(jnp.logical_and(t + 1 < TOT, par == 0))
        def _():
            fire(t + 1, sem1)

        @pl.when(jnp.logical_and(t + 1 < TOT, par == 1))
        def _():
            fire(t + 1, sem0)

        @pl.when(par == 0)
        def _():
            drain(t, sem0)

        @pl.when(par == 1)
        def _():
            drain(t, sem1)

        vbase = par * BROWS
        tbase = par * R

        def body(i, s1):
            r = i >> 4
            j = i & 15
            col = j * LANES
            t16 = tbuf[tbase + r, pl.ds(col, LANES)]
            w16 = lane + col
            v16 = plsc.load_gather(buf, [vbase + t16 * R + r, w16])
            idx = t16 * LANES + lane
            plsc.addupdate_scatter(acc3, [zi, idx], v16)
            plsc.addupdate_scatter(acc2, [zi, idx], ones)
            return tuple(
                s1[c] + buf[vbase + c * R + r, pl.ds(col, LANES)]
                for c in range(NC)
            )

        s1 = lax.fori_loop(0, R * CW // LANES, body, s1, unroll=2)

        @pl.when((t % CHUNKS) == CHUNKS - 1)
        def _():
            for c in range(NC):
                stage[0, pl.ds(c * LANES, LANES)] = s1[c]
            b = t // CHUNKS
            row = wid * (3 * NB) + b
            pltpu.sync_copy(stage, out_hbm.at[pl.ds(row, 1), :])
            pltpu.sync_copy(acc2, out_hbm.at[pl.ds(row + NB, 1), :])
            pltpu.sync_copy(acc3, out_hbm.at[pl.ds(row + 2 * NB, 1), :])

        return s1

    lax.fori_loop(0, TOT, outer, (zeros,) * NC)


BLK_R = 64
TC_RBLKS = (H - SC_ROWS) // BLK_R


def _tc_body(x_ref, t_ref, o_ref):
    x = x_ref[0]
    t = t_ref[0, 0]
    cls = lax.broadcasted_iota(jnp.int32, (NC, 1, 1), 0)
    m = t[None] == cls
    s1 = jnp.sum(x, axis=(1, 2))
    s2 = jnp.sum(m.astype(jnp.float32), axis=(1, 2))
    s3 = jnp.sum(jnp.where(m, x, 0.0), axis=(1, 2))
    res = jnp.stack([s1, s2, s3])[:, None, :]
    b = pl.program_id(0)
    ohb = (lax.broadcasted_iota(jnp.int32, (1, NB, 1), 1) == b).astype(
        jnp.float32
    )

    @pl.when(jnp.logical_and(b == 0, pl.program_id(1) == 0))
    def _():
        o_ref[...] = jnp.zeros_like(o_ref)

    o_ref[...] += res * ohb


_tc_partials = pl.pallas_call(
    _tc_body,
    grid=(NB, TC_RBLKS),
    in_specs=[
        pl.BlockSpec(
            (1, NC, BLK_R, W),
            lambda b, r: (b, 0, SC_ROWS // BLK_R + r, 0),
        ),
        pl.BlockSpec(
            (1, 1, BLK_R, W),
            lambda b, r: (b, 0, SC_ROWS // BLK_R + r, 0),
        ),
    ],
    out_specs=pl.BlockSpec((3, NB, NC), lambda b, r: (0, 0, 0)),
    out_shape=jax.ShapeDtypeStruct((3, NB, NC), jnp.float32),
)

SCROWS3 = NW * NB * 3


def _combine_body(sc_ref, tc_ref, o_ref):
    x = sc_ref[...]
    i304 = lax.broadcasted_iota(jnp.int32, (ACC, NC), 0)
    c19 = lax.broadcasted_iota(jnp.int32, (ACC, NC), 1)
    m_lane = (i304 // LANES == c19).astype(jnp.float32)
    y = jnp.dot(x, m_lane, preferred_element_type=jnp.float32)
    j24 = lax.broadcasted_iota(jnp.int32, (3 * NB, SCROWS3), 0)
    r768 = lax.broadcasted_iota(jnp.int32, (3 * NB, SCROWS3), 1)
    m_tile = (r768 % (3 * NB) == j24).astype(jnp.float32)
    z = jnp.dot(m_tile, y, preferred_element_type=jnp.float32)
    t = tc_ref[...]
    s1 = z[0:NB] + t[0]
    s2 = z[NB:2 * NB] + t[1]
    s3 = z[2 * NB:3 * NB] + t[2]
    r = (s3 + 1.0) / (s1 + s2 + 1.0)
    o_ref[0, 0] = jnp.float32(NC) - 0.25 * jnp.sum(r)


_combine = pl.pallas_call(
    _combine_body,
    in_specs=[
        pl.BlockSpec((SCROWS3, ACC), lambda: (0, 0)),
        pl.BlockSpec((3, NB, NC), lambda: (0, 0, 0)),
    ],
    out_specs=pl.BlockSpec(memory_space=pltpu.SMEM),
    out_shape=jax.ShapeDtypeStruct((1, 1), jnp.float32),
)


def kernel(input, target):
    tgt = target.astype(jnp.int32)
    parts_sc = _dice_partials(input, tgt)
    parts_tc = _tc_partials(input, tgt)
    return _combine(parts_sc, parts_tc)[0, 0]

# --- scband reference (transcript-rebuilt; emitter-appended) ---
"""Pipeline reference for scband-multiclass-dice-loss-76218489635188 (READ-ONLY COPY).

The authoritative reference and input builder live on the scoring server;
editing this copy changes nothing except your own understanding.
"""

import jax, jax.numpy as jnp
import numpy as np

NUM_CLASSES = 19

def setup_inputs(seed: int = 0) -> dict:
    key = jax.random.key(seed)
    k1, k2 = jax.random.split(key)
    inp = jax.random.uniform(k1, (8, NUM_CLASSES, 512, 512), dtype=jnp.float32)
    target = jax.random.randint(k2, (8, 1, 512, 512), 0, NUM_CLASSES, dtype=jnp.int64)
    return {"input": inp, "target": target}

def _dice_loss(input_c, target_c):
    N = target_c.shape[0]
    smooth = 1.0
    input_flat = input_c.reshape(N, -1)
    target_flat = target_c.reshape(N, -1)
    intersection = input_flat * target_flat
    loss = 2.0 * (intersection.sum(axis=1) + smooth) / (input_flat.sum(axis=1) + target_flat.sum(axis=1) + smooth)
    loss = 1.0 - loss.sum() / N
    return loss

def reference(input, target):
    # ignore_labels = None -> num_ignore = 0
    n, _, h, w = target.shape
    num_classes = input.shape[1]
    # one_hot via scatter-overwrite along class dim (torch scatter_ dim=1 equivalent)
    b_idx = jnp.arange(n)[:, None, None]
    h_idx = jnp.arange(h)[None, :, None]
    w_idx = jnp.arange(w)[None, None, :]
    one_hot = jnp.zeros((n, num_classes, h, w), dtype=jnp.float32).at[b_idx, target[:, 0], h_idx, w_idx].set(1.0)
    total_loss = 0.0
    for i in range(num_classes):
        total_loss = total_loss + _dice_loss(input[:, i], one_hot[:, i])
    return total_loss

if __name__ == "__main__":
    import jax
    _d = setup_inputs()
    print(jax.jit(kernel)(*tuple(_d.values())))

</pallas_src>

<mosaic_0001>
#map = affine_map<(d0, d1) -> (0, 0, 0, 0)>
#map1 = affine_map<(d0, d1) -> (0, 0)>
module attributes {stable_mosaic.version = 14 : i64} {
  func.func @_dice_partials(%arg0: i32, %arg1: i32, %arg2: memref<8x19x512x512xf32, #tpu.memory_space<hbm>>, %arg3: memref<8x1x512x512xi32, #tpu.memory_space<hbm>>, %arg4: memref<768x304xf32, #tpu.memory_space<hbm>>, %arg5: memref<304x256xf32, #tpu.memory_space<vmem>>, %arg6: memref<16x256xi32, #tpu.memory_space<vmem>>, %arg7: memref<1x304xf32, #tpu.memory_space<vmem>>, %arg8: memref<1x304xf32, #tpu.memory_space<vmem>>, %arg9: memref<1x304xf32, #tpu.memory_space<vmem>>, %arg10: memref<!tpu.dma_semaphore, #tpu.memory_space<semaphore_mem>>, %arg11: memref<!tpu.dma_semaphore, #tpu.memory_space<semaphore_mem>>) attributes {dimension_semantics = [#tpu.dimension_semantics<core_parallel>, #tpu.dimension_semantics<subcore_parallel>], iteration_bounds = array<i64: 2, 16>, scalar_prefetch = 0 : i64, scratch_operands = 7 : i64, tpu.core_type = #tpu.core_type<sc_vector_subcore>, window_params = [{transform_indices = #map}, {transform_indices = #map}, {transform_indices = #map1}]} {
    %mul3A = arith.constant 2 : i32
    %mul3A_0 = arith.muli %arg1, %mul3A : i32
    %add3A = arith.addi %mul3A_0, %arg0 : i32
    %iota3A = tpu.iota {dimensions = array<i32: 0>} : vector<16xi32>
    %broadcast_in_dim3A = arith.constant 0.000000e+00 : f32
    %broadcast_in_dim3A_1 = vector.broadcast %broadcast_in_dim3A : f32 to vector<16xf32>
    %broadcast_in_dim3A_2 = arith.constant 1.000000e+00 : f32
    %broadcast_in_dim3A_3 = vector.broadcast %broadcast_in_dim3A_2 : f32 to vector<16xf32>
    %broadcast_in_dim3A_4 = arith.constant 0 : i32
    %broadcast_in_dim3A_5 = vector.broadcast %broadcast_in_dim3A_4 : i32 to vector<16xi32>
    %mul3A_6 = arith.constant 2 : i32
    %mul3A_7 = arith.muli %add3A, %mul3A_6 : i32
    %add3A_8 = arith.constant 0 : i32
    %add3A_9 = arith.addi %mul3A_7, %add3A_8 : i32
    %jit3A = arith.constant 2 : i32
    %div3A = arith.divsi %add3A_9, %jit3A : i32
    %sign3A = arith.constant 0 : i32
    %sign3A_10 = arith.cmpi sgt, %add3A_9, %sign3A : i32
    %sign3A_11 = arith.extui %sign3A_10 : i1 to i32
    %sign3A_12 = arith.constant 0 : i32
    %sign3A_13 = arith.cmpi slt, %add3A_9, %sign3A_12 : i32
    %sign3A_14 = arith.extui %sign3A_13 : i1 to i32
    %sign3A_15 = arith.subi %sign3A_11, %sign3A_14 : i32
    %sign3A_16 = arith.constant 0 : i32
    %sign3A_17 = arith.cmpi sgt, %jit3A, %sign3A_16 : i32
    %sign3A_18 = arith.extui %sign3A_17 : i1 to i32
    %sign3A_19 = arith.constant 0 : i32
    %sign3A_20 = arith.cmpi slt, %jit3A, %sign3A_19 : i32
    %sign3A_21 = arith.extui %sign3A_20 : i1 to i32
    %sign3A_22 = arith.subi %sign3A_18, %sign3A_21 : i32
    %ne3A = arith.cmpi ne, %sign3A_15, %sign3A_22 : i32
    %rem3A = arith.remsi %add3A_9, %jit3A : i32
    %ne3A_23 = arith.constant 0 : i32
    %ne3A_24 = arith.cmpi ne, %rem3A, %ne3A_23 : i32
    %and3A = arith.andi %ne3A, %ne3A_24 : i1
    %sub3A = arith.constant 1 : i32
    %sub3A_25 = arith.subi %div3A, %sub3A : i32
    %select_n3A = arith.select %and3A, %sub3A_25, %div3A : i32
    %mul3A_26 = arith.constant 8 : i32
    %mul3A_27 = arith.muli %select_n3A, %mul3A_26 : i32
    %jit3A_28 = arith.constant 2 : i32
    %eq3A = arith.constant 0 : i32
    %eq3A_29 = arith.cmpi eq, %jit3A_28, %eq3A : i32
    %jit3A_30 = arith.constant 1 : i32
    %select_n3A_31 = arith.select %eq3A_29, %jit3A_30, %jit3A_28 : i32
    %rem3A_32 = arith.remsi %add3A_9, %select_n3A_31 : i32
    %ne3A_33 = arith.constant 0 : i32
    %ne3A_34 = arith.cmpi ne, %rem3A_32, %ne3A_33 : i32
    %lt3A = arith.constant 0 : i32
    %lt3A_35 = arith.cmpi slt, %rem3A_32, %lt3A : i32
    %lt3A_36 = arith.constant 0 : i32
    %lt3A_37 = arith.cmpi slt, %select_n3A_31, %lt3A_36 : i32
    %ne3A_38 = arith.xori %lt3A_35, %lt3A_37 : i1
    %and3A_39 = arith.andi %ne3A_38, %ne3A_34 : i1
    %add3A_40 = arith.addi %rem3A_32, %select_n3A_31 : i32
    %select_n3A_41 = arith.select %and3A_39, %add3A_40, %rem3A_32 : i32
    %mul3A_42 = arith.constant 256 : i32
    %mul3A_43 = arith.muli %select_n3A_41, %mul3A_42 : i32
    %dma_start3A = arith.constant 0 : i32
    %dma_start3A_44 = arith.constant 0 : i32
    %dma_start3A_45 = arith.constant 0 : i32
    %dma_start3A_46 = arith.constant 0 : i32
    %dma_start3A_47 = tpu.memref_slice %arg5[%dma_start3A_45, %dma_start3A_46] : memref<304x256xf32, #tpu.memory_space<vmem>> -> memref<8x256xf32, #tpu.memory_space<vmem>>
    %dma_start3A_48 = tpu.memref_slice %arg2[%dma_start3A, %dma_start3A_44, %mul3A_27, %mul3A_43] : memref<8x19x512x512xf32, #tpu.memory_space<hbm>> -> memref<1x1x8x256xf32, #tpu.memory_space<hbm>>
    %dma_start3A_49 = tpu.memref_squeeze %dma_start3A_48 : memref<1x1x8x256xf32, #tpu.memory_space<hbm>> -> memref<8x256xf32, #tpu.memory_space<hbm>>
    %dma_start3A_50 = arith.constant 0 : i32
    %dma_start3A_51 = arith.constant 0 : i32
    %dma_start3A_52 = tpu.memref_slice %arg5[%dma_start3A_50, %dma_start3A_51] : memref<304x256xf32, #tpu.memory_space<vmem>> -> memref<8x256xf32, #tpu.memory_space<vmem>>
    %dma_start3A_53 = tpu.memref_slice %arg2[%dma_start3A, %dma_start3A_44, %mul3A_27, %mul3A_43] : memref<8x19x512x512xf32, #tpu.memory_space<hbm>> -> memref<1x1x8x256xf32, #tpu.memory_space<hbm>>
    %dma_start3A_54 = tpu.memref_squeeze %dma_start3A_53 : memref<1x1x8x256xf32, #tpu.memory_space<hbm>> -> memref<8x256xf32, #tpu.memory_space<hbm>>
    tpu.enqueue_dma source(%dma_start3A_54 : memref<8x256xf32, #tpu.memory_space<hbm>>) target(%dma_start3A_52 : memref<8x256xf32, #tpu.memory_space<vmem>>) target_semaphore(%arg10 : memref<!tpu.dma_semaphore, #tpu.memory_space<semaphore_mem>>)
    %dma_start3A_55 = arith.constant 0 : i32
    %dma_start3A_56 = arith.constant 1 : i32
    %dma_start3A_57 = arith.constant 8 : i32
    %dma_start3A_58 = arith.constant 0 : i32
    %dma_start3A_59 = tpu.memref_slice %arg5[%dma_start3A_57, %dma_start3A_58] : memref<304x256xf32, #tpu.memory_space<vmem>> -> memref<8x256xf32, #tpu.memory_space<vmem>>
    %dma_start3A_60 = tpu.memref_slice %arg2[%dma_start3A_55, %dma_start3A_56, %mul3A_27, %mul3A_43] : memref<8x19x512x512xf32, #tpu.memory_space<hbm>> -> memref<1x1x8x256xf32, #tpu.memory_space<hbm>>
    %dma_start3A_61 = tpu.memref_squeeze %dma_start3A_60 : memref<1x1x8x256xf32, #tpu.memory_space<hbm>> -> memref<8x256xf32, #tpu.memory_space<hbm>>
    %dma_start3A_62 = arith.constant 8 : i32
    %dma_start3A_63 = arith.constant 0 : i32
    %dma_start3A_64 = tpu.memref_slice %arg5[%dma_start3A_62, %dma_start3A_63] : memref<304x256xf32, #tpu.memory_space<vmem>> -> memref<8x256xf32, #tpu.memory_space<vmem>>
    %dma_start3A_65 = tpu.memref_slice %arg2[%dma_start3A_55, %dma_start3A_56, %mul3A_27, %mul3A_43] : memref<8x19x512x512xf32, #tpu.memory_space<hbm>> -> memref<1x1x8x256xf32, #tpu.memory_space<hbm>>
    %dma_start3A_66 = tpu.memref_squeeze %dma_start3A_65 : memref<1x1x8x256xf32, #tpu.memory_space<hbm>> -> memref<8x256xf32, #tpu.memory_space<hbm>>
    tpu.enqueue_dma source(%dma_start3A_66 : memref<8x256xf32, #tpu.memory_space<hbm>>) target(%dma_start3A_64 : memref<8x256xf32, #tpu.memory_space<vmem>>) target_semaphore(%arg10 : memref<!tpu.dma_semaphore, #tpu.memory_space<semaphore_mem>>)
    %dma_start3A_67 = arith.constant 0 : i32
    %dma_start3A_68 = arith.constant 2 : i32
    %dma_start3A_69 = arith.constant 16 : i32
    %dma_start3A_70 = arith.constant 0 : i32
    %dma_start3A_71 = tpu.memref_slice %arg5[%dma_start3A_69, %dma_start3A_70] : memref<304x256xf32, #tpu.memory_space<vmem>> -> memref<8x256xf32, #tpu.memory_space<vmem>>
    %dma_start3A_72 = tpu.memref_slice %arg2[%dma_start3A_67, %dma_start3A_68, %mul3A_27, %mul3A_43] : memref<8x19x512x512xf32, #tpu.memory_space<hbm>> -> memref<1x1x8x256xf32, #tpu.memory_space<hbm>>
    %dma_start3A_73 = tpu.memref_squeeze %dma_start3A_72 : memref<1x1x8x256xf32, #tpu.memory_space<hbm>> -> memref<8x256xf32, #tpu.memory_space<hbm>>
    %dma_start3A_74 = arith.constant 16 : i32
    %dma_start3A_75 = arith.constant 0 : i32
    %dma_start3A_76 = tpu.memref_slice %arg5[%dma_start3A_74, %dma_start3A_75] : memref<304x256xf32, #tpu.memory_space<vmem>> -> memref<8x256xf32, #tpu.memory_space<vmem>>
    %dma_start3A_77 = tpu.memref_slice %arg2[%dma_start3A_67, %dma_start3A_68, %mul3A_27, %mul3A_43] : memref<8x19x512x512xf32, #tpu.memory_space<hbm>> -> memref<1x1x8x256xf32, #tpu.memory_space<hbm>>
    %dma_start3A_78 = tpu.memref_squeeze %dma_start3A_77 : memref<1x1x8x256xf32, #tpu.memory_space<hbm>> -> memref<8x256xf32, #tpu.memory_space<hbm>>
    tpu.enqueue_dma source(%dma_start3A_78 : memref<8x256xf32, #tpu.memory_space<hbm>>) target(%dma_start3A_76 : memref<8x256xf32, #tpu.memory_space<vmem>>) target_semaphore(%arg10 : memref<!tpu.dma_semaphore, #tpu.memory_space<semaphore_mem>>)
    %dma_start3A_79 = arith.constant 0 : i32
    %dma_start3A_80 = arith.constant 3 : i32
    %dma_start3A_81 = arith.constant 24 : i32
    %dma_start3A_82 = arith.constant 0 : i32
    %dma_start3A_83 = tpu.memref_slice %arg5[%dma_start3A_81, %dma_start3A_82] : memref<304x256xf32, #tpu.memory_space<vmem>> -> memref<8x256xf32, #tpu.memory_space<vmem>>
    %dma_start3A_84 = tpu.memref_slice %arg2[%dma_start3A_79, %dma_start3A_80, %mul3A_27, %mul3A_43] : memref<8x19x512x512xf32, #tpu.memory_space<hbm>> -> memref<1x1x8x256xf32, #tpu.memory_space<hbm>>
    %dma_start3A_85 = tpu.memref_squeeze %dma_start3A_84 : memref<1x1x8x256xf32, #tpu.memory_space<hbm>> -> memref<8x256xf32, #tpu.memory_space<hbm>>
    %dma_start3A_86 = arith.constant 24 : i32
    %dma_start3A_87 = arith.constant 0 : i32
    %dma_start3A_88 = tpu.memref_slice %arg5[%dma_start3A_86, %dma_start3A_87] : memref<304x256xf32, #tpu.memory_space<vmem>> -> memref<8x256xf32, #tpu.memory_space<vmem>>
    %dma_start3A_89 = tpu.memref_slice %arg2[%dma_start3A_79, %dma_start3A_80, %mul3A_27, %mul3A_43] : memref<8x19x512x512xf32, #tpu.memory_space<hbm>> -> memref<1x1x8x256xf32, #tpu.memory_space<hbm>>
    %dma_start3A_90 = tpu.memref_squeeze %dma_start3A_89 : memref<1x1x8x256xf32, #tpu.memory_space<hbm>> -> memref<8x256xf32, #tpu.memory_space<hbm>>
    tpu.enqueue_dma source(%dma_start3A_90 : memref<8x256xf32, #tpu.memory_space<hbm>>) target(%dma_start3A_88 : memref<8x256xf32, #tpu.memory_space<vmem>>) target_semaphore(%arg10 : memref<!tpu.dma_semaphore, #tpu.memory_space<semaphore_mem>>)
    %dma_start3A_91 = arith.constant 0 : i32
    %dma_start3A_92 = arith.constant 4 : i32
    %dma_start3A_93 = arith.constant 32 : i32
    %dma_start3A_94 = arith.constant 0 : i32
    %dma_start3A_95 = tpu.memref_slice %arg5[%dma_start3A_93, %dma_start3A_94] : memref<304x256xf32, #tpu.memory_space<vmem>> -> memref<8x256xf32, #tpu.memory_space<vmem>>
    %dma_start3A_96 = tpu.memref_slice %arg2[%dma_start3A_91, %dma_start3A_92, %mul3A_27, %mul3A_43] : memref<8x19x512x512xf32, #tpu.memory_space<hbm>> -> memref<1x1x8x256xf32, #tpu.memory_space<hbm>>
    %dma_start3A_97 = tpu.memref_squeeze %dma_start3A_96 : memref<1x1x8x256xf32, #tpu.memory_space<hbm>> -> memref<8x256xf32, #tpu.memory_space<hbm>>
    %dma_start3A_98 = arith.constant 32 : i32
    %dma_start3A_99 = arith.constant 0 : i32
    %dma_start3A_100 = tpu.memref_slice %arg5[%dma_start3A_98, %dma_start3A_99] : memref<304x256xf32, #tpu.memory_space<vmem>> -> memref<8x256xf32, #tpu.memory_space<vmem>>
    %dma_start3A_101 = tpu.memref_slice %arg2[%dma_start3A_91, %dma_start3A_92, %mul3A_27, %mul3A_43] : memref<8x19x512x512xf32, #tpu.memory_space<hbm>> -> memref<1x1x8x256xf32, #tpu.memory_space<hbm>>
    %dma_start3A_102 = tpu.memref_squeeze %dma_start3A_101 : memref<1x1x8x256xf32, #tpu.memory_space<hbm>> -> memref<8x256xf32, #tpu.memory_space<hbm>>
    tpu.enqueue_dma source(%dma_start3A_102 : memref<8x256xf32, #tpu.memory_space<hbm>>) target(%dma_start3A_100 : memref<8x256xf32, #tpu.memory_space<vmem>>) target_semaphore(%arg10 : memref<!tpu.dma_semaphore, #tpu.memory_space<semaphore_mem>>)
    %dma_start3A_103 = arith.constant 0 : i32
    %dma_start3A_104 = arith.constant 5 : i32
    %dma_start3A_105 = arith.constant 40 : i32
    %dma_start3A_106 = arith.constant 0 : i32
    %dma_start3A_107 = tpu.memref_slice %arg5[%dma_start3A_105, %dma_start3A_106] : memref<304x256xf32, #tpu.memory_space<vmem>> -> memref<8x256xf32, #tpu.memory_space<vmem>>
    %dma_start3A_108 = tpu.memref_slice %arg2[%dma_start3A_103, %dma_start3A_104, %mul3A_27, %mul3A_43] : memref<8x19x512x512xf32, #tpu.memory_space<hbm>> -> memref<1x1x8x256xf32, #tpu.memory_space<hbm>>
    %dma_start3A_109 = tpu.memref_squeeze %dma_start3A_108 : memref<1x1x8x256xf32, #tpu.memory_space<hbm>> -> memref<8x256xf32, #tpu.memory_space<hbm>>
    %dma_start3A_110 = arith.constant 40 : i32
    %dma_start3A_111 = arith.constant 0 : i32
    %dma_start3A_112 = tpu.memref_slice %arg5[%dma_start3A_110, %dma_start3A_111] : memref<304x256xf32, #tpu.memory_space<vmem>> -> memref<8x256xf32, #tpu.memory_space<vmem>>
    %dma_start3A_113 = tpu.memref_slice %arg2[%dma_start3A_103, %dma_start3A_104, %mul3A_27, %mul3A_43] : memref<8x19x512x512xf32, #tpu.memory_space<hbm>> -> memref<1x1x8x256xf32, #tpu.memory_space<hbm>>
    %dma_start3A_114 = tpu.memref_squeeze %dma_start3A_113 : memref<1x1x8x256xf32, #tpu.memory_space<hbm>> -> memref<8x256xf32, #tpu.memory_space<hbm>>
    tpu.enqueue_dma source(%dma_start3A_114 : memref<8x256xf32, #tpu.memory_space<hbm>>) target(%dma_start3A_112 : memref<8x256xf32, #tpu.memory_space<vmem>>) target_semaphore(%arg10 : memref<!tpu.dma_semaphore, #tpu.memory_space<semaphore_mem>>)
    %dma_start3A_115 = arith.constant 0 : i32
    %dma_start3A_116 = arith.constant 6 : i32
    %dma_start3A_117 = arith.constant 48 : i32
    %dma_start3A_118 = arith.constant 0 : i32
    %dma_start3A_119 = tpu.memref_slice %arg5[%dma_start3A_117, %dma_start3A_118] : memref<304x256xf32, #tpu.memory_space<vmem>> -> memref<8x256xf32, #tpu.memory_space<vmem>>
    %dma_start3A_120 = tpu.memref_slice %arg2[%dma_start3A_115, %dma_start3A_116, %mul3A_27, %mul3A_43] : memref<8x19x512x512xf32, #tpu.memory_space<hbm>> -> memref<1x1x8x256xf32, #tpu.memory_space<hbm>>
    %dma_start3A_121 = tpu.memref_squeeze %dma_start3A_120 : memref<1x1x8x256xf32, #tpu.memory_space<hbm>> -> memref<8x256xf32, #tpu.memory_space<hbm>>
    %dma_start3A_122 = arith.constant 48 : i32
    %dma_start3A_123 = arith.constant 0 : i32
    %dma_start3A_124 = tpu.memref_slice %arg5[%dma_start3A_122, %dma_start3A_123] : memref<304x256xf32, #tpu.memory_space<vmem>> -> memref<8x256xf32, #tpu.memory_space<vmem>>
    %dma_start3A_125 = tpu.memref_slice %arg2[%dma_start3A_115, %dma_start3A_116, %mul3A_27, %mul3A_43] : memref<8x19x512x512xf32, #tpu.memory_space<hbm>> -> memref<1x1x8x256xf32, #tpu.memory_space<hbm>>
    %dma_start3A_126 = tpu.memref_squeeze %dma_start3A_125 : memref<1x1x8x256xf32, #tpu.memory_space<hbm>> -> memref<8x256xf32, #tpu.memory_space<hbm>>
    tpu.enqueue_dma source(%dma_start3A_126 : memref<8x256xf32, #tpu.memory_space<hbm>>) target(%dma_start3A_124 : memref<8x256xf32, #tpu.memory_space<vmem>>) target_semaphore(%arg10 : memref<!tpu.dma_semaphore, #tpu.memory_space<semaphore_mem>>)
    %dma_start3A_127 = arith.constant 0 : i32
    %dma_start3A_128 = arith.constant 7 : i32
    %dma_start3A_129 = arith.constant 56 : i32
    %dma_start3A_130 = arith.constant 0 : i32
    %dma_start3A_131 = tpu.memref_slice %arg5[%dma_start3A_129, %dma_start3A_130] : memref<304x256xf32, #tpu.memory_space<vmem>> -> memref<8x256xf32, #tpu.memory_space<vmem>>
    %dma_start3A_132 = tpu.memref_slice %arg2[%dma_start3A_127, %dma_start3A_128, %mul3A_27, %mul3A_43] : memref<8x19x512x512xf32, #tpu.memory_space<hbm>> -> memref<1x1x8x256xf32, #tpu.memory_space<hbm>>
    %dma_start3A_133 = tpu.memref_squeeze %dma_start3A_132 : memref<1x1x8x256xf32, #tpu.memory_space<hbm>> -> memref<8x256xf32, #tpu.memory_space<hbm>>
    %dma_start3A_134 = arith.constant 56 : i32
    %dma_start3A_135 = arith.constant 0 : i32
    %dma_start3A_136 = tpu.memref_slice %arg5[%dma_start3A_134, %dma_start3A_135] : memref<304x256xf32, #tpu.memory_space<vmem>> -> memref<8x256xf32, #tpu.memory_space<vmem>>
    %dma_start3A_137 = tpu.memref_slice %arg2[%dma_start3A_127, %dma_start3A_128, %mul3A_27, %mul3A_43] : memref<8x19x512x512xf32, #tpu.memory_space<hbm>> -> memref<1x1x8x256xf32, #tpu.memory_space<hbm>>
    %dma_start3A_138 = tpu.memref_squeeze %dma_start3A_137 : memref<1x1x8x256xf32, #tpu.memory_space<hbm>> -> memref<8x256xf32, #tpu.memory_space<hbm>>
    tpu.enqueue_dma source(%dma_start3A_138 : memref<8x256xf32, #tpu.memory_space<hbm>>) target(%dma_start3A_136 : memref<8x256xf32, #tpu.memory_space<vmem>>) target_semaphore(%arg10 : memref<!tpu.dma_semaphore, #tpu.memory_space<semaphore_mem>>)
    %dma_start3A_139 = arith.constant 0 : i32
    %dma_start3A_140 = arith.constant 8 : i32
    %dma_start3A_141 = arith.constant 64 : i32
    %dma_start3A_142 = arith.constant 0 : i32
    %dma_start3A_143 = tpu.memref_slice %arg5[%dma_start3A_141, %dma_start3A_142] : memref<304x256xf32, #tpu.memory_space<vmem>> -> memref<8x256xf32, #tpu.memory_space<vmem>>
    %dma_start3A_144 = tpu.memref_slice %arg2[%dma_start3A_139, %dma_start3A_140, %mul3A_27, %mul3A_43] : memref<8x19x512x512xf32, #tpu.memory_space<hbm>> -> memref<1x1x8x256xf32, #tpu.memory_space<hbm>>
    %dma_start3A_145 = tpu.memref_squeeze %dma_start3A_144 : memref<1x1x8x256xf32, #tpu.memory_space<hbm>> -> memref<8x256xf32, #tpu.memory_space<hbm>>
    %dma_start3A_146 = arith.constant 64 : i32
    %dma_start3A_147 = arith.constant 0 : i32
    %dma_start3A_148 = tpu.memref_slice %arg5[%dma_start3A_146, %dma_start3A_147] : memref<304x256xf32, #tpu.memory_space<vmem>> -> memref<8x256xf32, #tpu.memory_space<vmem>>
    %dma_start3A_149 = tpu.memref_slice %arg2[%dma_start3A_139, %dma_start3A_140, %mul3A_27, %mul3A_43] : memref<8x19x512x512xf32, #tpu.memory_space<hbm>> -> memref<1x1x8x256xf32, #tpu.memory_space<hbm>>
    %dma_start3A_150 = tpu.memref_squeeze %dma_start3A_149 : memref<1x1x8x256xf32, #tpu.memory_space<hbm>> -> memref<8x256xf32, #tpu.memory_space<hbm>>
    tpu.enqueue_dma source(%dma_start3A_150 : memref<8x256xf32, #tpu.memory_space<hbm>>) target(%dma_start3A_148 : memref<8x256xf32, #tpu.memory_space<vmem>>) target_semaphore(%arg10 : memref<!tpu.dma_semaphore, #tpu.memory_space<semaphore_mem>>)
    %dma_start3A_151 = arith.constant 0 : i32
    %dma_start3A_152 = arith.constant 9 : i32
    %dma_start3A_153 = arith.constant 72 : i32
    %dma_start3A_154 = arith.constant 0 : i32
    %dma_start3A_155 = tpu.memref_slice %arg5[%dma_start3A_153, %dma_start3A_154] : memref<304x256xf32, #tpu.memory_space<vmem>> -> memref<8x256xf32, #tpu.memory_space<vmem>>
    %dma_start3A_156 = tpu.memref_slice %arg2[%dma_start3A_151, %dma_start3A_152, %mul3A_27, %mul3A_43] : memref<8x19x512x512xf32, #tpu.memory_space<hbm>> -> memref<1x1x8x256xf32, #tpu.memory_space<hbm>>
    %dma_start3A_157 = tpu.memref_squeeze %dma_start3A_156 : memref<1x1x8x256xf32, #tpu.memory_space<hbm>> -> memref<8x256xf32, #tpu.memory_space<hbm>>
    %dma_start3A_158 = arith.constant 72 : i32
    %dma_start3A_159 = arith.constant 0 : i32
    %dma_start3A_160 = tpu.memref_slice %arg5[%dma_start3A_158, %dma_start3A_159] : memref<304x256xf32, #tpu.memory_space<vmem>> -> memref<8x256xf32, #tpu.memory_space<vmem>>
    %dma_start3A_161 = tpu.memref_slice %arg2[%dma_start3A_151, %dma_start3A_152, %mul3A_27, %mul3A_43] : memref<8x19x512x512xf32, #tpu.memory_space<hbm>> -> memref<1x1x8x256xf32, #tpu.memory_space<hbm>>
    %dma_start3A_162 = tpu.memref_squeeze %dma_start3A_161 : memref<1x1x8x256xf32, #tpu.memory_space<hbm>> -> memref<8x256xf32, #tpu.memory_space<hbm>>
    tpu.enqueue_dma source(%dma_start3A_162 : memref<8x256xf32, #tpu.memory_space<hbm>>) target(%dma_start3A_160 : memref<8x256xf32, #tpu.memory_space<vmem>>) target_semaphore(%arg10 : memref<!tpu.dma_semaphore, #tpu.memory_space<semaphore_mem>>)
    %dma_start3A_163 = arith.constant 0 : i32
    %dma_start3A_164 = arith.constant 10 : i32
    %dma_start3A_165 = arith.constant 80 : i32
    %dma_start3A_166 = arith.constant 0 : i32
    %dma_start3A_167 = tpu.memref_slice %arg5[%dma_start3A_165, %dma_start3A_166] : memref<304x256xf32, #tpu.memory_space<vmem>> -> memref<8x256xf32, #tpu.memory_space<vmem>>
    %dma_start3A_168 = tpu.memref_slice %arg2[%dma_start3A_163, %dma_start3A_164, %mul3A_27, %mul3A_43] : memref<8x19x512x512xf32, #tpu.memory_space<hbm>> -> memref<1x1x8x256xf32, #tpu.memory_space<hbm>>
    %dma_start3A_169 = tpu.memref_squeeze %dma_start3A_168 : memref<1x1x8x256xf32, #tpu.memory_space<hbm>> -> memref<8x256xf32, #tpu.memory_space<hbm>>
    %dma_start3A_170 = arith.constant 80 : i32
    %dma_start3A_171 = arith.constant 0 : i32
    %dma_start3A_172 = tpu.memref_slice %arg5[%dma_start3A_170, %dma_start3A_171] : memref<304x256xf32, #tpu.memory_space<vmem>> -> memref<8x256xf32, #tpu.memory_space<vmem>>
    %dma_start3A_173 = tpu.memref_slice %arg2[%dma_start3A_163, %dma_start3A_164, %mul3A_27, %mul3A_43] : memref<8x19x512x512xf32, #tpu.memory_space<hbm>> -> memref<1x1x8x256xf32, #tpu.memory_space<hbm>>
    %dma_start3A_174 = tpu.memref_squeeze %dma_start3A_173 : memref<1x1x8x256xf32, #tpu.memory_space<hbm>> -> memref<8x256xf32, #tpu.memory_space<hbm>>
    tpu.enqueue_dma source(%dma_start3A_174 : memref<8x256xf32, #tpu.memory_space<hbm>>) target(%dma_start3A_172 : memref<8x256xf32, #tpu.memory_space<vmem>>) target_semaphore(%arg10 : memref<!tpu.dma_semaphore, #tpu.memory_space<semaphore_mem>>)
    %dma_start3A_175 = arith.constant 0 : i32
    %dma_start3A_176 = arith.constant 11 : i32
    %dma_start3A_177 = arith.constant 88 : i32
    %dma_start3A_178 = arith.constant 0 : i32
    %dma_start3A_179 = tpu.memref_slice %arg5[%dma_start3A_177, %dma_start3A_178] : memref<304x256xf32, #tpu.memory_space<vmem>> -> memref<8x256xf32, #tpu.memory_space<vmem>>
    %dma_start3A_180 = tpu.memref_slice %arg2[%dma_start3A_175, %dma_start3A_176, %mul3A_27, %mul3A_43] : memref<8x19x512x512xf32, #tpu.memory_space<hbm>> -> memref<1x1x8x256xf32, #tpu.memory_space<hbm>>
    %dma_start3A_181 = tpu.memref_squeeze %dma_start3A_180 : memref<1x1x8x256xf32, #tpu.memory_space<hbm>> -> memref<8x256xf32, #tpu.memory_space<hbm>>
    %dma_start3A_182 = arith.constant 88 : i32
    %dma_start3A_183 = arith.constant 0 : i32
    %dma_start3A_184 = tpu.memref_slice %arg5[%dma_start3A_182, %dma_start3A_183] : memref<304x256xf32, #tpu.memory_space<vmem>> -> memref<8x256xf32, #tpu.memory_space<vmem>>
    %dma_start3A_185 = tpu.memref_slice %arg2[%dma_start3A_175, %dma_start3A_176, %mul3A_27, %mul3A_43] : memref<8x19x512x512xf32, #tpu.memory_space<hbm>> -> memref<1x1x8x256xf32, #tpu.memory_space<hbm>>
    %dma_start3A_186 = tpu.memref_squeeze %dma_start3A_185 : memref<1x1x8x256xf32, #tpu.memory_space<hbm>> -> memref<8x256xf32, #tpu.memory_space<hbm>>
    tpu.enqueue_dma source(%dma_start3A_186 : memref<8x256xf32, #tpu.memory_space<hbm>>) target(%dma_start3A_184 : memref<8x256xf32, #tpu.memory_space<vmem>>) target_semaphore(%arg10 : memref<!tpu.dma_semaphore, #tpu.memory_space<semaphore_mem>>)
    %dma_start3A_187 = arith.constant 0 : i32
    %dma_start3A_188 = arith.constant 12 : i32
    %dma_start3A_189 = arith.constant 96 : i32
    %dma_start3A_190 = arith.constant 0 : i32
    %dma_start3A_191 = tpu.memref_slice %arg5[%dma_start3A_189, %dma_start3A_190] : memref<304x256xf32, #tpu.memory_space<vmem>> -> memref<8x256xf32, #tpu.memory_space<vmem>>
    %dma_start3A_192 = tpu.memref_slice %arg2[%dma_start3A_187, %dma_start3A_188, %mul3A_27, %mul3A_43] : memref<8x19x512x512xf32, #tpu.memory_space<hbm>> -> memref<1x1x8x256xf32, #tpu.memory_space<hbm>>
    %dma_start3A_193 = tpu.memref_squeeze %dma_start3A_192 : memref<1x1x8x256xf32, #tpu.memory_space<hbm>> -> memref<8x256xf32, #tpu.memory_space<hbm>>
    %dma_start3A_194 = arith.constant 96 : i32
    %dma_start3A_195 = arith.constant 0 : i32
    %dma_start3A_196 = tpu.memref_slice %arg5[%dma_start3A_194, %dma_start3A_195] : memref<304x256xf32, #tpu.memory_space<vmem>> -> memref<8x256xf32, #tpu.memory_space<vmem>>
    %dma_start3A_197 = tpu.memref_slice %arg2[%dma_start3A_187, %dma_start3A_188, %mul3A_27, %mul3A_43] : memref<8x19x512x512xf32, #tpu.memory_space<hbm>> -> memref<1x1x8x256xf32, #tpu.memory_space<hbm>>
    %dma_start3A_198 = tpu.memref_squeeze %dma_start3A_197 : memref<1x1x8x256xf32, #tpu.memory_space<hbm>> -> memref<8x256xf32, #tpu.memory_space<hbm>>
    tpu.enqueue_dma source(%dma_start3A_198 : memref<8x256xf32, #tpu.memory_space<hbm>>) target(%dma_start3A_196 : memref<8x256xf32, #tpu.memory_space<vmem>>) target_semaphore(%arg10 : memref<!tpu.dma_semaphore, #tpu.memory_space<semaphore_mem>>)
    %dma_start3A_199 = arith.constant 0 : i32
    %dma_start3A_200 = arith.constant 13 : i32
    %dma_start3A_201 = arith.constant 104 : i32
    %dma_start3A_202 = arith.constant 0 : i32
    %dma_start3A_203 = tpu.memref_slice %arg5[%dma_start3A_201, %dma_start3A_202] : memref<304x256xf32, #tpu.memory_space<vmem>> -> memref<8x256xf32, #tpu.memory_space<vmem>>
    %dma_start3A_204 = tpu.memref_slice %arg2[%dma_start3A_199, %dma_start3A_200, %mul3A_27, %mul3A_43] : memref<8x19x512x512xf32, #tpu.memory_space<hbm>> -> memref<1x1x8x256xf32, #tpu.memory_space<hbm>>
    %dma_start3A_205 = tpu.memref_squeeze %dma_start3A_204 : memref<1x1x8x256xf32, #tpu.memory_space<hbm>> -> memref<8x256xf32, #tpu.memory_space<hbm>>
    %dma_start3A_206 = arith.constant 104 : i32
    %dma_start3A_207 = arith.constant 0 : i32
    %dma_start3A_208 = tpu.memref_slice %arg5[%dma_start3A_206, %dma_start3A_207] : memref<304x256xf32, #tpu.memory_space<vmem>> -> memref<8x256xf32, #tpu.memory_space<vmem>>
    %dma_start3A_209 = tpu.memref_slice %arg2[%dma_start3A_199, %dma_start3A_200, %mul3A_27, %mul3A_43] : memref<8x19x512x512xf32, #tpu.memory_space<hbm>> -> memref<1x1x8x256xf32, #tpu.memory_space<hbm>>
    %dma_start3A_210 = tpu.memref_squeeze %dma_start3A_209 : memref<1x1x8x256xf32, #tpu.memory_space<hbm>> -> memref<8x256xf32, #tpu.memory_space<hbm>>
    tpu.enqueue_dma source(%dma_start3A_210 : memref<8x256xf32, #tpu.memory_space<hbm>>) target(%dma_start3A_208 : memref<8x256xf32, #tpu.memory_space<vmem>>) target_semaphore(%arg10 : memref<!tpu.dma_semaphore, #tpu.memory_space<semaphore_mem>>)
    %dma_start3A_211 = arith.constant 0 : i32
    %dma_start3A_212 = arith.constant 14 : i32
    %dma_start3A_213 = arith.constant 112 : i32
    %dma_start3A_214 = arith.constant 0 : i32
    %dma_start3A_215 = tpu.memref_slice %arg5[%dma_start3A_213, %dma_start3A_214] : memref<304x256xf32, #tpu.memory_space<vmem>> -> memref<8x256xf32, #tpu.memory_space<vmem>>
    %dma_start3A_216 = tpu.memref_slice %arg2[%dma_start3A_211, %dma_start3A_212, %mul3A_27, %mul3A_43] : memref<8x19x512x512xf32, #tpu.memory_space<hbm>> -> memref<1x1x8x256xf32, #tpu.memory_space<hbm>>
    %dma_start3A_217 = tpu.memref_squeeze %dma_start3A_216 : memref<1x1x8x256xf32, #tpu.memory_space<hbm>> -> memref<8x256xf32, #tpu.memory_space<hbm>>
    %dma_start3A_218 = arith.constant 112 : i32
    %dma_start3A_219 = arith.constant 0 : i32
    %dma_start3A_220 = tpu.memref_slice %arg5[%dma_start3A_218, %dma_start3A_219] : memref<304x256xf32, #tpu.memory_space<vmem>> -> memref<8x256xf32, #tpu.memory_space<vmem>>
    %dma_start3A_221 = tpu.memref_slice %arg2[%dma_start3A_211, %dma_start3A_212, %mul3A_27, %mul3A_43] : memref<8x19x512x512xf32, #tpu.memory_space<hbm>> -> memref<1x1x8x256xf32, #tpu.memory_space<hbm>>
    %dma_start3A_222 = tpu.memref_squeeze %dma_start3A_221 : memref<1x1x8x256xf32, #tpu.memory_space<hbm>> -> memref<8x256xf32, #tpu.memory_space<hbm>>
    tpu.enqueue_dma source(%dma_start3A_222 : memref<8x256xf32, #tpu.memory_space<hbm>>) target(%dma_start3A_220 : memref<8x256xf32, #tpu.memory_space<vmem>>) target_semaphore(%arg10 : memref<!tpu.dma_semaphore, #tpu.memory_space<semaphore_mem>>)
    %dma_start3A_223 = arith.constant 0 : i32
    %dma_start3A_224 = arith.constant 15 : i32
    %dma_start3A_225 = arith.constant 120 : i32
    %dma_start3A_226 = arith.constant 0 : i32
    %dma_start3A_227 = tpu.memref_slice %arg5[%dma_start3A_225, %dma_start3A_226] : memref<304x256xf32, #tpu.memory_space<vmem>> -> memref<8x256xf32, #tpu.memory_space<vmem>>
    %dma_start3A_228 = tpu.memref_slice %arg2[%dma_start3A_223, %dma_start3A_224, %mul3A_27, %mul3A_43] : memref<8x19x512x512xf32, #tpu.memory_space<hbm>> -> memref<1x1x8x256xf32, #tpu.memory_space<hbm>>
    %dma_start3A_229 = tpu.memref_squeeze %dma_start3A_228 : memref<1x1x8x256xf32, #tpu.memory_space<hbm>> -> memref<8x256xf32, #tpu.memory_space<hbm>>
    %dma_start3A_230 = arith.constant 120 : i32
    %dma_start3A_231 = arith.constant 0 : i32
    %dma_start3A_232 = tpu.memref_slice %arg5[%dma_start3A_230, %dma_start3A_231] : memref<304x256xf32, #tpu.memory_space<vmem>> -> memref<8x256xf32, #tpu.memory_space<vmem>>
    %dma_start3A_233 = tpu.memref_slice %arg2[%dma_start3A_223, %dma_start3A_224, %mul3A_27, %mul3A_43] : memref<8x19x512x512xf32, #tpu.memory_space<hbm>> -> memref<1x1x8x256xf32, #tpu.memory_space<hbm>>
    %dma_start3A_234 = tpu.memref_squeeze %dma_start3A_233 : memref<1x1x8x256xf32, #tpu.memory_space<hbm>> -> memref<8x256xf32, #tpu.memory_space<hbm>>
    tpu.enqueue_dma source(%dma_start3A_234 : memref<8x256xf32, #tpu.memory_space<hbm>>) target(%dma_start3A_232 : memref<8x256xf32, #tpu.memory_space<vmem>>) target_semaphore(%arg10 : memref<!tpu.dma_semaphore, #tpu.memory_space<semaphore_mem>>)
    %dma_start3A_235 = arith.constant 0 : i32
    %dma_start3A_236 = arith.constant 16 : i32
    %dma_start3A_237 = arith.constant 128 : i32
    %dma_start3A_238 = arith.constant 0 : i32
    %dma_start3A_239 = tpu.memref_slice %arg5[%dma_start3A_237, %dma_start3A_238] : memref<304x256xf32, #tpu.memory_space<vmem>> -> memref<8x256xf32, #tpu.memory_space<vmem>>
    %dma_start3A_240 = tpu.memref_slice %arg2[%dma_start3A_235, %dma_start3A_236, %mul3A_27, %mul3A_43] : memref<8x19x512x512xf32, #tpu.memory_space<hbm>> -> memref<1x1x8x256xf32, #tpu.memory_space<hbm>>
    %dma_start3A_241 = tpu.memref_squeeze %dma_start3A_240 : memref<1x1x8x256xf32, #tpu.memory_space<hbm>> -> memref<8x256xf32, #tpu.memory_space<hbm>>
    %dma_start3A_242 = arith.constant 128 : i32
    %dma_start3A_243 = arith.constant 0 : i32
    %dma_start3A_244 = tpu.memref_slice %arg5[%dma_start3A_242, %dma_start3A_243] : memref<304x256xf32, #tpu.memory_space<vmem>> -> memref<8x256xf32, #tpu.memory_space<vmem>>
    %dma_start3A_245 = tpu.memref_slice %arg2[%dma_start3A_235, %dma_start3A_236, %mul3A_27, %mul3A_43] : memref<8x19x512x512xf32, #tpu.memory_space<hbm>> -> memref<1x1x8x256xf32, #tpu.memory_space<hbm>>
    %dma_start3A_246 = tpu.memref_squeeze %dma_start3A_245 : memref<1x1x8x256xf32, #tpu.memory_space<hbm>> -> memref<8x256xf32, #tpu.memory_space<hbm>>
    tpu.enqueue_dma source(%dma_start3A_246 : memref<8x256xf32, #tpu.memory_space<hbm>>) target(%dma_start3A_244 : memref<8x256xf32, #tpu.memory_space<vmem>>) target_semaphore(%arg10 : memref<!tpu.dma_semaphore, #tpu.memory_space<semaphore_mem>>)
    %dma_start3A_247 = arith.constant 0 : i32
    %dma_start3A_248 = arith.constant 17 : i32
    %dma_start3A_249 = arith.constant 136 : i32
    %dma_start3A_250 = arith.constant 0 : i32
    %dma_start3A_251 = tpu.memref_slice %arg5[%dma_start3A_249, %dma_start3A_250] : memref<304x256xf32, #tpu.memory_space<vmem>> -> memref<8x256xf32, #tpu.memory_space<vmem>>
    %dma_start3A_252 = tpu.memref_slice %arg2[%dma_start3A_247, %dma_start3A_248, %mul3A_27, %mul3A_43] : memref<8x19x512x512xf32, #tpu.memory_space<hbm>> -> memref<1x1x8x256xf32, #tpu.memory_space<hbm>>
    %dma_start3A_253 = tpu.memref_squeeze %dma_start3A_252 : memref<1x1x8x256xf32, #tpu.memory_space<hbm>> -> memref<8x256xf32, #tpu.memory_space<hbm>>
    %dma_start3A_254 = arith.constant 136 : i32
    %dma_start3A_255 = arith.constant 0 : i32
    %dma_start3A_256 = tpu.memref_slice %arg5[%dma_start3A_254, %dma_start3A_255] : memref<304x256xf32, #tpu.memory_space<vmem>> -> memref<8x256xf32, #tpu.memory_space<vmem>>
    %dma_start3A_257 = tpu.memref_slice %arg2[%dma_start3A_247, %dma_start3A_248, %mul3A_27, %mul3A_43] : memref<8x19x512x512xf32, #tpu.memory_space<hbm>> -> memref<1x1x8x256xf32, #tpu.memory_space<hbm>>
    %dma_start3A_258 = tpu.memref_squeeze %dma_start3A_257 : memref<1x1x8x256xf32, #tpu.memory_space<hbm>> -> memref<8x256xf32, #tpu.memory_space<hbm>>
    tpu.enqueue_dma source(%dma_start3A_258 : memref<8x256xf32, #tpu.memory_space<hbm>>) target(%dma_start3A_256 : memref<8x256xf32, #tpu.memory_space<vmem>>) target_semaphore(%arg10 : memref<!tpu.dma_semaphore, #tpu.memory_space<semaphore_mem>>)
    %dma_start3A_259 = arith.constant 0 : i32
    %dma_start3A_260 = arith.constant 18 : i32
    %dma_start3A_261 = arith.constant 144 : i32
    %dma_start3A_262 = arith.constant 0 : i32
    %dma_start3A_263 = tpu.memref_slice %arg5[%dma_start3A_261, %dma_start3A_262] : memref<304x256xf32, #tpu.memory_space<vmem>> -> memref<8x256xf32, #tpu.memory_space<vmem>>
    %dma_start3A_264 = tpu.memref_slice %arg2[%dma_start3A_259, %dma_start3A_260, %mul3A_27, %mul3A_43] : memref<8x19x512x512xf32, #tpu.memory_space<hbm>> -> memref<1x1x8x256xf32, #tpu.memory_space<hbm>>
    %dma_start3A_265 = tpu.memref_squeeze %dma_start3A_264 : memref<1x1x8x256xf32, #tpu.memory_space<hbm>> -> memref<8x256xf32, #tpu.memory_space<hbm>>
    %dma_start3A_266 = arith.constant 144 : i32
    %dma_start3A_267 = arith.constant 0 : i32
    %dma_start3A_268 = tpu.memref_slice %arg5[%dma_start3A_266, %dma_start3A_267] : memref<304x256xf32, #tpu.memory_space<vmem>> -> memref<8x256xf32, #tpu.memory_space<vmem>>
    %dma_start3A_269 = tpu.memref_slice %arg2[%dma_start3A_259, %dma_start3A_260, %mul3A_27, %mul3A_43] : memref<8x19x512x512xf32, #tpu.memory_space<hbm>> -> memref<1x1x8x256xf32, #tpu.memory_space<hbm>>
    %dma_start3A_270 = tpu.memref_squeeze %dma_start3A_269 : memref<1x1x8x256xf32, #tpu.memory_space<hbm>> -> memref<8x256xf32, #tpu.memory_space<hbm>>
    tpu.enqueue_dma source(%dma_start3A_270 : memref<8x256xf32, #tpu.memory_space<hbm>>) target(%dma_start3A_268 : memref<8x256xf32, #tpu.memory_space<vmem>>) target_semaphore(%arg10 : memref<!tpu.dma_semaphore, #tpu.memory_space<semaphore_mem>>)
    %dma_start3A_271 = arith.constant 0 : i32
    %dma_start3A_272 = arith.constant 0 : i32
    %dma_start3A_273 = arith.constant 0 : i32
    %dma_start3A_274 = arith.constant 0 : i32
    %dma_start3A_275 = tpu.memref_slice %arg6[%dma_start3A_273, %dma_start3A_274] : memref<16x256xi32, #tpu.memory_space<vmem>> -> memref<8x256xi32, #tpu.memory_space<vmem>>
    %dma_start3A_276 = tpu.memref_slice %arg3[%dma_start3A_271, %dma_start3A_272, %mul3A_27, %mul3A_43] : memref<8x1x512x512xi32, #tpu.memory_space<hbm>> -> memref<1x1x8x256xi32, #tpu.memory_space<hbm>>
    %dma_start3A_277 = tpu.memref_squeeze %dma_start3A_276 : memref<1x1x8x256xi32, #tpu.memory_space<hbm>> -> memref<8x256xi32, #tpu.memory_space<hbm>>
    %dma_start3A_278 = arith.constant 0 : i32
    %dma_start3A_279 = arith.constant 0 : i32
    %dma_start3A_280 = tpu.memref_slice %arg6[%dma_start3A_278, %dma_start3A_279] : memref<16x256xi32, #tpu.memory_space<vmem>> -> memref<8x256xi32, #tpu.memory_space<vmem>>
    %dma_start3A_281 = tpu.memref_slice %arg3[%dma_start3A_271, %dma_start3A_272, %mul3A_27, %mul3A_43] : memref<8x1x512x512xi32, #tpu.memory_space<hbm>> -> memref<1x1x8x256xi32, #tpu.memory_space<hbm>>
    %dma_start3A_282 = tpu.memref_squeeze %dma_start3A_281 : memref<1x1x8x256xi32, #tpu.memory_space<hbm>> -> memref<8x256xi32, #tpu.memory_space<hbm>>
    tpu.enqueue_dma source(%dma_start3A_282 : memref<8x256xi32, #tpu.memory_space<hbm>>) target(%dma_start3A_280 : memref<8x256xi32, #tpu.memory_space<vmem>>) target_semaphore(%arg10 : memref<!tpu.dma_semaphore, #tpu.memory_space<semaphore_mem>>)
    %scan3A = arith.constant 0 : i32
    %scan3A_283 = arith.constant 16 : i32
    %scan3A_284 = arith.addi %scan3A, %scan3A_283 : i32
    %scan3A_285 = arith.constant 1 : i32
    %scan3A_286:19 = scf.for %scan3A_288 = %scan3A to %scan3A_284 step %scan3A_285 iter_args(%scan3A_289 = %broadcast_in_dim3A_1, %scan3A_290 = %broadcast_in_dim3A_1, %scan3A_291 = %broadcast_in_dim3A_1, %scan3A_292 = %broadcast_in_dim3A_1, %scan3A_293 = %broadcast_in_dim3A_1, %scan3A_294 = %broadcast_in_dim3A_1, %scan3A_295 = %broadcast_in_dim3A_1, %scan3A_296 = %broadcast_in_dim3A_1, %scan3A_297 = %broadcast_in_dim3A_1, %scan3A_298 = %broadcast_in_dim3A_1, %scan3A_299 = %broadcast_in_dim3A_1, %scan3A_300 = %broadcast_in_dim3A_1, %scan3A_301 = %broadcast_in_dim3A_1, %scan3A_302 = %broadcast_in_dim3A_1, %scan3A_303 = %broadcast_in_dim3A_1, %scan3A_304 = %broadcast_in_dim3A_1, %scan3A_305 = %broadcast_in_dim3A_1, %scan3A_306 = %broadcast_in_dim3A_1, %scan3A_307 = %broadcast_in_dim3A_1) -> (vector<16xf32>, vector<16xf32>, vector<16xf32>, vector<16xf32>, vector<16xf32>, vector<16xf32>, vector<16xf32>, vector<16xf32>, vector<16xf32>, vector<16xf32>, vector<16xf32>, vector<16xf32>, vector<16xf32>, vector<16xf32>, vector<16xf32>, vector<16xf32>, vector<16xf32>, vector<16xf32>, vector<16xf32>)  : i32 {
      %jit3A_308 = arith.constant 2 : i32
      %eq3A_309 = arith.constant 0 : i32
      %eq3A_310 = arith.cmpi eq, %jit3A_308, %eq3A_309 : i32
      %jit3A_311 = arith.constant 1 : i32
      %select_n3A_312 = arith.select %eq3A_310, %jit3A_311, %jit3A_308 : i32
      %rem3A_313 = arith.remsi %scan3A_288, %select_n3A_312 : i32
      %ne3A_314 = arith.constant 0 : i32
      %ne3A_315 = arith.cmpi ne, %rem3A_313, %ne3A_314 : i32
      %lt3A_316 = arith.constant 0 : i32
      %lt3A_317 = arith.cmpi slt, %rem3A_313, %lt3A_316 : i32
      %lt3A_318 = arith.constant 0 : i32
      %lt3A_319 = arith.cmpi slt, %select_n3A_312, %lt3A_318 : i32
      %ne3A_320 = arith.xori %lt3A_317, %lt3A_319 : i1
      %and3A_321 = arith.andi %ne3A_320, %ne3A_315 : i1
      %add3A_322 = arith.addi %rem3A_313, %select_n3A_312 : i32
      %select_n3A_323 = arith.select %and3A_321, %add3A_322, %rem3A_313 : i32
      %jit3A_324 = arith.constant 2 : i32
      %eq3A_325 = arith.constant 0 : i32
      %eq3A_326 = arith.cmpi eq, %jit3A_324, %eq3A_325 : i32
      %jit3A_327 = arith.constant 1 : i32
      %select_n3A_328 = arith.select %eq3A_326, %jit3A_327, %jit3A_324 : i32
      %rem3A_329 = arith.remsi %scan3A_288, %select_n3A_328 : i32
      %ne3A_330 = arith.constant 0 : i32
      %ne3A_331 = arith.cmpi ne, %rem3A_329, %ne3A_330 : i32
      %lt3A_332 = arith.constant 0 : i32
      %lt3A_333 = arith.cmpi slt, %rem3A_329, %lt3A_332 : i32
      %lt3A_334 = arith.constant 0 : i32
      %lt3A_335 = arith.cmpi slt, %select_n3A_328, %lt3A_334 : i32
      %ne3A_336 = arith.xori %lt3A_333, %lt3A_335 : i1
      %and3A_337 = arith.andi %ne3A_336, %ne3A_331 : i1
      %add3A_338 = arith.addi %rem3A_329, %select_n3A_328 : i32
      %select_n3A_339 = arith.select %and3A_337, %add3A_338, %rem3A_329 : i32
      %eq3A_340 = arith.constant 0 : i32
      %eq3A_341 = arith.cmpi eq, %select_n3A_339, %eq3A_340 : i32
      %select_n3A_342 = arith.select %eq3A_341, %broadcast_in_dim3A_1, %scan3A_289 : vector<16xf32>
      %select_n3A_343 = arith.select %eq3A_341, %broadcast_in_dim3A_1, %scan3A_290 : vector<16xf32>
      %select_n3A_344 = arith.select %eq3A_341, %broadcast_in_dim3A_1, %scan3A_291 : vector<16xf32>
      %select_n3A_345 = arith.select %eq3A_341, %broadcast_in_dim3A_1, %scan3A_292 : vector<16xf32>
      %select_n3A_346 = arith.select %eq3A_341, %broadcast_in_dim3A_1, %scan3A_293 : vector<16xf32>
      %select_n3A_347 = arith.select %eq3A_341, %broadcast_in_dim3A_1, %scan3A_294 : vector<16xf32>
      %select_n3A_348 = arith.select %eq3A_341, %broadcast_in_dim3A_1, %scan3A_295 : vector<16xf32>
      %select_n3A_349 = arith.select %eq3A_341, %broadcast_in_dim3A_1, %scan3A_296 : vector<16xf32>
      %select_n3A_350 = arith.select %eq3A_341, %broadcast_in_dim3A_1, %scan3A_297 : vector<16xf32>
      %select_n3A_351 = arith.select %eq3A_341, %broadcast_in_dim3A_1, %scan3A_298 : vector<16xf32>
      %select_n3A_352 = arith.select %eq3A_341, %broadcast_in_dim3A_1, %scan3A_299 : vector<16xf32>
      %select_n3A_353 = arith.select %eq3A_341, %broadcast_in_dim3A_1, %scan3A_300 : vector<16xf32>
      %select_n3A_354 = arith.select %eq3A_341, %broadcast_in_dim3A_1, %scan3A_301 : vector<16xf32>
      %select_n3A_355 = arith.select %eq3A_341, %broadcast_in_dim3A_1, %scan3A_302 : vector<16xf32>
      %select_n3A_356 = arith.select %eq3A_341, %broadcast_in_dim3A_1, %scan3A_303 : vector<16xf32>
      %select_n3A_357 = arith.select %eq3A_341, %broadcast_in_dim3A_1, %scan3A_304 : vector<16xf32>
      %select_n3A_358 = arith.select %eq3A_341, %broadcast_in_dim3A_1, %scan3A_305 : vector<16xf32>
      %select_n3A_359 = arith.select %eq3A_341, %broadcast_in_dim3A_1, %scan3A_306 : vector<16xf32>
      %select_n3A_360 = arith.select %eq3A_341, %broadcast_in_dim3A_1, %scan3A_307 : vector<16xf32>
      %convert_element_type3A = arith.extui %eq3A_341 : i1 to i32
      %cond3A = arith.constant 0 : i32
      %cond3A_361 = arith.cmpi ne, %convert_element_type3A, %cond3A : i32
      scf.if %cond3A_361 {
        %swap3A = arith.constant 0 : i32
        %swap3A_423 = arith.index_cast %swap3A : i32 to index
        %swap3A_424 = arith.constant 0 : index
        %swap3A_425 = tpu.vector_load %arg7[%swap3A_423, %swap3A_424] {strides = array<i32>} : memref<1x304xf32, #tpu.memory_space<vmem>>, vector<16xf32>,
        tpu.vector_store %arg7[%swap3A_423, %swap3A_424], %broadcast_in_dim3A_1 {strides = array<i32>} : memref<1x304xf32, #tpu.memory_space<vmem>>, vector<16xf32>,
        %swap3A_426 = arith.constant 0 : i32
        %swap3A_427 = arith.index_cast %swap3A_426 : i32 to index
        %swap3A_428 = arith.constant 0 : index
        %swap3A_429 = tpu.vector_load %arg8[%swap3A_427, %swap3A_428] {strides = array<i32>} : memref<1x304xf32, #tpu.memory_space<vmem>>, vector<16xf32>,
        tpu.vector_store %arg8[%swap3A_427, %swap3A_428], %broadcast_in_dim3A_1 {strides = array<i32>} : memref<1x304xf32, #tpu.memory_space<vmem>>, vector<16xf32>,
        %swap3A_430 = arith.constant 0 : i32
        %swap3A_431 = arith.index_cast %swap3A_430 : i32 to index
        %swap3A_432 = arith.constant 16 : index
        %swap3A_433 = tpu.vector_load %arg7[%swap3A_431, %swap3A_432] {strides = array<i32>} : memref<1x304xf32, #tpu.memory_space<vmem>>, vector<16xf32>,
        tpu.vector_store %arg7[%swap3A_431, %swap3A_432], %broadcast_in_dim3A_1 {strides = array<i32>} : memref<1x304xf32, #tpu.memory_space<vmem>>, vector<16xf32>,
        %swap3A_434 = arith.constant 0 : i32
        %swap3A_435 = arith.index_cast %swap3A_434 : i32 to index
        %swap3A_436 = arith.constant 16 : index
        %swap3A_437 = tpu.vector_load %arg8[%swap3A_435, %swap3A_436] {strides = array<i32>} : memref<1x304xf32, #tpu.memory_space<vmem>>, vector<16xf32>,
        tpu.vector_store %arg8[%swap3A_435, %swap3A_436], %broadcast_in_dim3A_1 {strides = array<i32>} : memref<1x304xf32, #tpu.memory_space<vmem>>, vector<16xf32>,
        %swap3A_438 = arith.constant 0 : i32
        %swap3A_439 = arith.index_cast %swap3A_438 : i32 to index
        %swap3A_440 = arith.constant 32 : index
        %swap3A_441 = tpu.vector_load %arg7[%swap3A_439, %swap3A_440] {strides = array<i32>} : memref<1x304xf32, #tpu.memory_space<vmem>>, vector<16xf32>,
        tpu.vector_store %arg7[%swap3A_439, %swap3A_440], %broadcast_in_dim3A_1 {strides = array<i32>} : memref<1x304xf32, #tpu.memory_space<vmem>>, vector<16xf32>,
        %swap3A_442 = arith.constant 0 : i32
        %swap3A_443 = arith.index_cast %swap3A_442 : i32 to index
        %swap3A_444 = arith.constant 32 : index
        %swap3A_445 = tpu.vector_load %arg8[%swap3A_443, %swap3A_444] {strides = array<i32>} : memref<1x304xf32, #tpu.memory_space<vmem>>, vector<16xf32>,
        tpu.vector_store %arg8[%swap3A_443, %swap3A_444], %broadcast_in_dim3A_1 {strides = array<i32>} : memref<1x304xf32, #tpu.memory_space<vmem>>, vector<16xf32>,
        %swap3A_446 = arith.constant 0 : i32
        %swap3A_447 = arith.index_cast %swap3A_446 : i32 to index
        %swap3A_448 = arith.constant 48 : index
        %swap3A_449 = tpu.vector_load %arg7[%swap3A_447, %swap3A_448] {strides = array<i32>} : memref<1x304xf32, #tpu.memory_space<vmem>>, vector<16xf32>,
        tpu.vector_store %arg7[%swap3A_447, %swap3A_448], %broadcast_in_dim3A_1 {strides = array<i32>} : memref<1x304xf32, #tpu.memory_space<vmem>>, vector<16xf32>,
        %swap3A_450 = arith.constant 0 : i32
        %swap3A_451 = arith.index_cast %swap3A_450 : i32 to index
        %swap3A_452 = arith.constant 48 : index
        %swap3A_453 = tpu.vector_load %arg8[%swap3A_451, %swap3A_452] {strides = array<i32>} : memref<1x304xf32, #tpu.memory_space<vmem>>, vector<16xf32>,
        tpu.vector_store %arg8[%swap3A_451, %swap3A_452], %broadcast_in_dim3A_1 {strides = array<i32>} : memref<1x304xf32, #tpu.memory_space<vmem>>, vector<16xf32>,
        %swap3A_454 = arith.constant 0 : i32
        %swap3A_455 = arith.index_cast %swap3A_454 : i32 to index
        %swap3A_456 = arith.constant 64 : index
        %swap3A_457 = tpu.vector_load %arg7[%swap3A_455, %swap3A_456] {strides = array<i32>} : memref<1x304xf32, #tpu.memory_space<vmem>>, vector<16xf32>,
        tpu.vector_store %arg7[%swap3A_455, %swap3A_456], %broadcast_in_dim3A_1 {strides = array<i32>} : memref<1x304xf32, #tpu.memory_space<vmem>>, vector<16xf32>,
        %swap3A_458 = arith.constant 0 : i32
        %swap3A_459 = arith.index_cast %swap3A_458 : i32 to index
        %swap3A_460 = arith.constant 64 : index
        %swap3A_461 = tpu.vector_load %arg8[%swap3A_459, %swap3A_460] {strides = array<i32>} : memref<1x304xf32, #tpu.memory_space<vmem>>, vector<16xf32>,
        tpu.vector_store %arg8[%swap3A_459, %swap3A_460], %broadcast_in_dim3A_1 {strides = array<i32>} : memref<1x304xf32, #tpu.memory_space<vmem>>, vector<16xf32>,
        %swap3A_462 = arith.constant 0 : i32
        %swap3A_463 = arith.index_cast %swap3A_462 : i32 to index
        %swap3A_464 = arith.constant 80 : index
        %swap3A_465 = tpu.vector_load %arg7[%swap3A_463, %swap3A_464] {strides = array<i32>} : memref<1x304xf32, #tpu.memory_space<vmem>>, vector<16xf32>,
        tpu.vector_store %arg7[%swap3A_463, %swap3A_464], %broadcast_in_dim3A_1 {strides = array<i32>} : memref<1x304xf32, #tpu.memory_space<vmem>>, vector<16xf32>,
        %swap3A_466 = arith.constant 0 : i32
        %swap3A_467 = arith.index_cast %swap3A_466 : i32 to index
        %swap3A_468 = arith.constant 80 : index
        %swap3A_469 = tpu.vector_load %arg8[%swap3A_467, %swap3A_468] {strides = array<i32>} : memref<1x304xf32, #tpu.memory_space<vmem>>, vector<16xf32>,
        tpu.vector_store %arg8[%swap3A_467, %swap3A_468], %broadcast_in_dim3A_1 {strides = array<i32>} : memref<1x304xf32, #tpu.memory_space<vmem>>, vector<16xf32>,
        %swap3A_470 = arith.constant 0 : i32
        %swap3A_471 = arith.index_cast %swap3A_470 : i32 to index
        %swap3A_472 = arith.constant 96 : index
        %swap3A_473 = tpu.vector_load %arg7[%swap3A_471, %swap3A_472] {strides = array<i32>} : memref<1x304xf32, #tpu.memory_space<vmem>>, vector<16xf32>,
        tpu.vector_store %arg7[%swap3A_471, %swap3A_472], %broadcast_in_dim3A_1 {strides = array<i32>} : memref<1x304xf32, #tpu.memory_space<vmem>>, vector<16xf32>,
        %swap3A_474 = arith.constant 0 : i32
        %swap3A_475 = arith.index_cast %swap3A_474 : i32 to index
        %swap3A_476 = arith.constant 96 : index
        %swap3A_477 = tpu.vector_load %arg8[%swap3A_475, %swap3A_476] {strides = array<i32>} : memref<1x304xf32, #tpu.memory_space<vmem>>, vector<16xf32>,
        tpu.vector_store %arg8[%swap3A_475, %swap3A_476], %broadcast_in_dim3A_1 {strides = array<i32>} : memref<1x304xf32, #tpu.memory_space<vmem>>, vector<16xf32>,
        %swap3A_478 = arith.constant 0 : i32
        %swap3A_479 = arith.index_cast %swap3A_478 : i32 to index
        %swap3A_480 = arith.constant 112 : index
        %swap3A_481 = tpu.vector_load %arg7[%swap3A_479, %swap3A_480] {strides = array<i32>} : memref<1x304xf32, #tpu.memory_space<vmem>>, vector<16xf32>,
        tpu.vector_store %arg7[%swap3A_479, %swap3A_480], %broadcast_in_dim3A_1 {strides = array<i32>} : memref<1x304xf32, #tpu.memory_space<vmem>>, vector<16xf32>,
        %swap3A_482 = arith.constant 0 : i32
        %swap3A_483 = arith.index_cast %swap3A_482 : i32 to index
        %swap3A_484 = arith.constant 112 : index
        %swap3A_485 = tpu.vector_load %arg8[%swap3A_483, %swap3A_484] {strides = array<i32>} : memref<1x304xf32, #tpu.memory_space<vmem>>, vector<16xf32>,
        tpu.vector_store %arg8[%swap3A_483, %swap3A_484], %broadcast_in_dim3A_1 {strides = array<i32>} : memref<1x304xf32, #tpu.memory_space<vmem>>, vector<16xf32>,
        %swap3A_486 = arith.constant 0 : i32
        %swap3A_487 = arith.index_cast %swap3A_486 : i32 to index
        %swap3A_488 = arith.constant 128 : index
        %swap3A_489 = tpu.vector_load %arg7[%swap3A_487, %swap3A_488] {strides = array<i32>} : memref<1x304xf32, #tpu.memory_space<vmem>>, vector<16xf32>,
        tpu.vector_store %arg7[%swap3A_487, %swap3A_488], %broadcast_in_dim3A_1 {strides = array<i32>} : memref<1x304xf32, #tpu.memory_space<vmem>>, vector<16xf32>,
        %swap3A_490 = arith.constant 0 : i32
        %swap3A_491 = arith.index_cast %swap3A_490 : i32 to index
        %swap3A_492 = arith.constant 128 : index
        %swap3A_493 = tpu.vector_load %arg8[%swap3A_491, %swap3A_492] {strides = array<i32>} : memref<1x304xf32, #tpu.memory_space<vmem>>, vector<16xf32>,
        tpu.vector_store %arg8[%swap3A_491, %swap3A_492], %broadcast_in_dim3A_1 {strides = array<i32>} : memref<1x304xf32, #tpu.memory_space<vmem>>, vector<16xf32>,
        %swap3A_494 = arith.constant 0 : i32
        %swap3A_495 = arith.index_cast %swap3A_494 : i32 to index
        %swap3A_496 = arith.constant 144 : index
        %swap3A_497 = tpu.vector_load %arg7[%swap3A_495, %swap3A_496] {strides = array<i32>} : memref<1x304xf32, #tpu.memory_space<vmem>>, vector<16xf32>,
        tpu.vector_store %arg7[%swap3A_495, %swap3A_496], %broadcast_in_dim3A_1 {strides = array<i32>} : memref<1x304xf32, #tpu.memory_space<vmem>>, vector<16xf32>,
        %swap3A_498 = arith.constant 0 : i32
        %swap3A_499 = arith.index_cast %swap3A_498 : i32 to index
        %swap3A_500 = arith.constant 144 : index
        %swap3A_501 = tpu.vector_load %arg8[%swap3A_499, %swap3A_500] {strides = array<i32>} : memref<1x304xf32, #tpu.memory_space<vmem>>, vector<16xf32>,
        tpu.vector_store %arg8[%swap3A_499, %swap3A_500], %broadcast_in_dim3A_1 {strides = array<i32>} : memref<1x304xf32, #tpu.memory_space<vmem>>, vector<16xf32>,
        %swap3A_502 = arith.constant 0 : i32
        %swap3A_503 = arith.index_cast %swap3A_502 : i32 to index
        %swap3A_504 = arith.constant 160 : index
        %swap3A_505 = tpu.vector_load %arg7[%swap3A_503, %swap3A_504] {strides = array<i32>} : memref<1x304xf32, #tpu.memory_space<vmem>>, vector<16xf32>,
        tpu.vector_store %arg7[%swap3A_503, %swap3A_504], %broadcast_in_dim3A_1 {strides = array<i32>} : memref<1x304xf32, #tpu.memory_space<vmem>>, vector<16xf32>,
        %swap3A_506 = arith.constant 0 : i32
        %swap3A_507 = arith.index_cast %swap3A_506 : i32 to index
        %swap3A_508 = arith.constant 160 : index
        %swap3A_509 = tpu.vector_load %arg8[%swap3A_507, %swap3A_508] {strides = array<i32>} : memref<1x304xf32, #tpu.memory_space<vmem>>, vector<16xf32>,
        tpu.vector_store %arg8[%swap3A_507, %swap3A_508], %broadcast_in_dim3A_1 {strides = array<i32>} : memref<1x304xf32, #tpu.memory_space<vmem>>, vector<16xf32>,
        %swap3A_510 = arith.constant 0 : i32
        %swap3A_511 = arith.index_cast %swap3A_510 : i32 to index
        %swap3A_512 = arith.constant 176 : index
        %swap3A_513 = tpu.vector_load %arg7[%swap3A_511, %swap3A_512] {strides = array<i32>} : memref<1x304xf32, #tpu.memory_space<vmem>>, vector<16xf32>,
        tpu.vector_store %arg7[%swap3A_511, %swap3A_512], %broadcast_in_dim3A_1 {strides = array<i32>} : memref<1x304xf32, #tpu.memory_space<vmem>>, vector<16xf32>,
        %swap3A_514 = arith.constant 0 : i32
        %swap3A_515 = arith.index_cast %swap3A_514 : i32 to index
        %swap3A_516 = arith.constant 176 : index
        %swap3A_517 = tpu.vector_load %arg8[%swap3A_515, %swap3A_516] {strides = array<i32>} : memref<1x304xf32, #tpu.memory_space<vmem>>, vector<16xf32>,
        tpu.vector_store %arg8[%swap3A_515, %swap3A_516], %broadcast_in_dim3A_1 {strides = array<i32>} : memref<1x304xf32, #tpu.memory_space<vmem>>, vector<16xf32>,
        %swap3A_518 = arith.constant 0 : i32
        %swap3A_519 = arith.index_cast %swap3A_518 : i32 to index
        %swap3A_520 = arith.constant 192 : index
        %swap3A_521 = tpu.vector_load %arg7[%swap3A_519, %swap3A_520] {strides = array<i32>} : memref<1x304xf32, #tpu.memory_space<vmem>>, vector<16xf32>,
        tpu.vector_store %arg7[%swap3A_519, %swap3A_520], %broadcast_in_dim3A_1 {strides = array<i32>} : memref<1x304xf32, #tpu.memory_space<vmem>>, vector<16xf32>,
        %swap3A_522 = arith.constant 0 : i32
        %swap3A_523 = arith.index_cast %swap3A_522 : i32 to index
        %swap3A_524 = arith.constant 192 : index
        %swap3A_525 = tpu.vector_load %arg8[%swap3A_523, %swap3A_524] {strides = array<i32>} : memref<1x304xf32, #tpu.memory_space<vmem>>, vector<16xf32>,
        tpu.vector_store %arg8[%swap3A_523, %swap3A_524], %broadcast_in_dim3A_1 {strides = array<i32>} : memref<1x304xf32, #tpu.memory_space<vmem>>, vector<16xf32>,
        %swap3A_526 = arith.constant 0 : i32
        %swap3A_527 = arith.index_cast %swap3A_526 : i32 to index
        %swap3A_528 = arith.constant 208 : index
        %swap3A_529 = tpu.vector_load %arg7[%swap3A_527, %swap3A_528] {strides = array<i32>} : memref<1x304xf32, #tpu.memory_space<vmem>>, vector<16xf32>,
        tpu.vector_store %arg7[%swap3A_527, %swap3A_528], %broadcast_in_dim3A_1 {strides = array<i32>} : memref<1x304xf32, #tpu.memory_space<vmem>>, vector<16xf32>,
        %swap3A_530 = arith.constant 0 : i32
        %swap3A_531 = arith.index_cast %swap3A_530 : i32 to index
        %swap3A_532 = arith.constant 208 : index
        %swap3A_533 = tpu.vector_load %arg8[%swap3A_531, %swap3A_532] {strides = array<i32>} : memref<1x304xf32, #tpu.memory_space<vmem>>, vector<16xf32>,
        tpu.vector_store %arg8[%swap3A_531, %swap3A_532], %broadcast_in_dim3A_1 {strides = array<i32>} : memref<1x304xf32, #tpu.memory_space<vmem>>, vector<16xf32>,
        %swap3A_534 = arith.constant 0 : i32
        %swap3A_535 = arith.index_cast %swap3A_534 : i32 to index
        %swap3A_536 = arith.constant 224 : index
        %swap3A_537 = tpu.vector_load %arg7[%swap3A_535, %swap3A_536] {strides = array<i32>} : memref<1x304xf32, #tpu.memory_space<vmem>>, vector<16xf32>,
        tpu.vector_store %arg7[%swap3A_535, %swap3A_536], %broadcast_in_dim3A_1 {strides = array<i32>} : memref<1x304xf32, #tpu.memory_space<vmem>>, vector<16xf32>,
        %swap3A_538 = arith.constant 0 : i32
        %swap3A_539 = arith.index_cast %swap3A_538 : i32 to index
        %swap3A_540 = arith.constant 224 : index
        %swap3A_541 = tpu.vector_load %arg8[%swap3A_539, %swap3A_540] {strides = array<i32>} : memref<1x304xf32, #tpu.memory_space<vmem>>, vector<16xf32>,
        tpu.vector_store %arg8[%swap3A_539, %swap3A_540], %broadcast_in_dim3A_1 {strides = array<i32>} : memref<1x304xf32, #tpu.memory_space<vmem>>, vector<16xf32>,
        %swap3A_542 = arith.constant 0 : i32
        %swap3A_543 = arith.index_cast %swap3A_542 : i32 to index
        %swap3A_544 = arith.constant 240 : index
        %swap3A_545 = tpu.vector_load %arg7[%swap3A_543, %swap3A_544] {strides = array<i32>} : memref<1x304xf32, #tpu.memory_space<vmem>>, vector<16xf32>,
        tpu.vector_store %arg7[%swap3A_543, %swap3A_544], %broadcast_in_dim3A_1 {strides = array<i32>} : memref<1x304xf32, #tpu.memory_space<vmem>>, vector<16xf32>,
        %swap3A_546 = arith.constant 0 : i32
        %swap3A_547 = arith.index_cast %swap3A_546 : i32 to index
        %swap3A_548 = arith.constant 240 : index
        %swap3A_549 = tpu.vector_load %arg8[%swap3A_547, %swap3A_548] {strides = array<i32>} : memref<1x304xf32, #tpu.memory_space<vmem>>, vector<16xf32>,
        tpu.vector_store %arg8[%swap3A_547, %swap3A_548], %broadcast_in_dim3A_1 {strides = array<i32>} : memref<1x304xf32, #tpu.memory_space<vmem>>, vector<16xf32>,
        %swap3A_550 = arith.constant 0 : i32
        %swap3A_551 = arith.index_cast %swap3A_550 : i32 to index
        %swap3A_552 = arith.constant 256 : index
        %swap3A_553 = tpu.vector_load %arg7[%swap3A_551, %swap3A_552] {strides = array<i32>} : memref<1x304xf32, #tpu.memory_space<vmem>>, vector<16xf32>,
        tpu.vector_store %arg7[%swap3A_551, %swap3A_552], %broadcast_in_dim3A_1 {strides = array<i32>} : memref<1x304xf32, #tpu.memory_space<vmem>>, vector<16xf32>,
        %swap3A_554 = arith.constant 0 : i32
        %swap3A_555 = arith.index_cast %swap3A_554 : i32 to index
        %swap3A_556 = arith.constant 256 : index
        %swap3A_557 = tpu.vector_load %arg8[%swap3A_555, %swap3A_556] {strides = array<i32>} : memref<1x304xf32, #tpu.memory_space<vmem>>, vector<16xf32>,
        tpu.vector_store %arg8[%swap3A_555, %swap3A_556], %broadcast_in_dim3A_1 {strides = array<i32>} : memref<1x304xf32, #tpu.memory_space<vmem>>, vector<16xf32>,
        %swap3A_558 = arith.constant 0 : i32
        %swap3A_559 = arith.index_cast %swap3A_558 : i32 to index
        %swap3A_560 = arith.constant 272 : index
        %swap3A_561 = tpu.vector_load %arg7[%swap3A_559, %swap3A_560] {strides = array<i32>} : memref<1x304xf32, #tpu.memory_space<vmem>>, vector<16xf32>,
        tpu.vector_store %arg7[%swap3A_559, %swap3A_560], %broadcast_in_dim3A_1 {strides = array<i32>} : memref<1x304xf32, #tpu.memory_space<vmem>>, vector<16xf32>,
        %swap3A_562 = arith.constant 0 : i32
        %swap3A_563 = arith.index_cast %swap3A_562 : i32 to index
        %swap3A_564 = arith.constant 272 : index
        %swap3A_565 = tpu.vector_load %arg8[%swap3A_563, %swap3A_564] {strides = array<i32>} : memref<1x304xf32, #tpu.memory_space<vmem>>, vector<16xf32>,
        tpu.vector_store %arg8[%swap3A_563, %swap3A_564], %broadcast_in_dim3A_1 {strides = array<i32>} : memref<1x304xf32, #tpu.memory_space<vmem>>, vector<16xf32>,
        %swap3A_566 = arith.constant 0 : i32
        %swap3A_567 = arith.index_cast %swap3A_566 : i32 to index
        %swap3A_568 = arith.constant 288 : index
        %swap3A_569 = tpu.vector_load %arg7[%swap3A_567, %swap3A_568] {strides = array<i32>} : memref<1x304xf32, #tpu.memory_space<vmem>>, vector<16xf32>,
        tpu.vector_store %arg7[%swap3A_567, %swap3A_568], %broadcast_in_dim3A_1 {strides = array<i32>} : memref<1x304xf32, #tpu.memory_space<vmem>>, vector<16xf32>,
        %swap3A_570 = arith.constant 0 : i32
        %swap3A_571 = arith.index_cast %swap3A_570 : i32 to index
        %swap3A_572 = arith.constant 288 : index
        %swap3A_573 = tpu.vector_load %arg8[%swap3A_571, %swap3A_572] {strides = array<i32>} : memref<1x304xf32, #tpu.memory_space<vmem>>, vector<16xf32>,
        tpu.vector_store %arg8[%swap3A_571, %swap3A_572], %broadcast_in_dim3A_1 {strides = array<i32>} : memref<1x304xf32, #tpu.memory_space<vmem>>, vector<16xf32>,
      } else {
      }
      %add3A_362 = arith.constant 1 : i32
      %add3A_363 = arith.addi %scan3A_288, %add3A_362 : i32
      %lt3A_364 = arith.constant 16 : i32
      %lt3A_365 = arith.cmpi slt, %add3A_363, %lt3A_364 : i32
      %eq3A_366 = arith.constant 0 : i32
      %eq3A_367 = arith.cmpi eq, %select_n3A_323, %eq3A_366 : i32
      %and3A_368 = arith.andi %lt3A_365, %eq3A_367 : i1
      %convert_element_type3A_369 = arith.extui %and3A_368 : i1 to i32
      %cond3A_370 = arith.constant 0 : i32
      %cond3A_371 = arith.cmpi ne, %convert_element_type3A_369, %cond3A_370 : i32
      scf.if %cond3A_371 {
        %add3A_423 = arith.constant 1 : i32
        %add3A_424 = arith.addi %scan3A_288, %add3A_423 : i32
        %jit3A_425 = arith.constant 2 : i32
        %div3A_426 = arith.divsi %add3A_424, %jit3A_425 : i32
        %sign3A_427 = arith.constant 0 : i32
        %sign3A_428 = arith.cmpi sgt, %add3A_424, %sign3A_427 : i32
        %sign3A_429 = arith.extui %sign3A_428 : i1 to i32
        %sign3A_430 = arith.constant 0 : i32
        %sign3A_431 = arith.cmpi slt, %add3A_424, %sign3A_430 : i32
        %sign3A_432 = arith.extui %sign3A_431 : i1 to i32
        %sign3A_433 = arith.subi %sign3A_429, %sign3A_432 : i32
        %sign3A_434 = arith.constant 0 : i32
        %sign3A_435 = arith.cmpi sgt, %jit3A_425, %sign3A_434 : i32
        %sign3A_436 = arith.extui %sign3A_435 : i1 to i32
        %sign3A_437 = arith.constant 0 : i32
        %sign3A_438 = arith.cmpi slt, %jit3A_425, %sign3A_437 : i32
        %sign3A_439 = arith.extui %sign3A_438 : i1 to i32
        %sign3A_440 = arith.subi %sign3A_436, %sign3A_439 : i32
        %ne3A_441 = arith.cmpi ne, %sign3A_433, %sign3A_440 : i32
        %rem3A_442 = arith.remsi %add3A_424, %jit3A_425 : i32
        %ne3A_443 = arith.constant 0 : i32
        %ne3A_444 = arith.cmpi ne, %rem3A_442, %ne3A_443 : i32
        %and3A_445 = arith.andi %ne3A_441, %ne3A_444 : i1
        %sub3A_446 = arith.constant 1 : i32
        %sub3A_447 = arith.subi %div3A_426, %sub3A_446 : i32
        %select_n3A_448 = arith.select %and3A_445, %sub3A_447, %div3A_426 : i32
        %mul3A_449 = arith.constant 2 : i32
        %mul3A_450 = arith.muli %add3A, %mul3A_449 : i32
        %jit3A_451 = arith.constant 2 : i32
        %eq3A_452 = arith.constant 0 : i32
        %eq3A_453 = arith.cmpi eq, %jit3A_451, %eq3A_452 : i32
        %jit3A_454 = arith.constant 1 : i32
        %select_n3A_455 = arith.select %eq3A_453, %jit3A_454, %jit3A_451 : i32
        %rem3A_456 = arith.remsi %add3A_424, %select_n3A_455 : i32
        %ne3A_457 = arith.constant 0 : i32
        %ne3A_458 = arith.cmpi ne, %rem3A_456, %ne3A_457 : i32
        %lt3A_459 = arith.constant 0 : i32
        %lt3A_460 = arith.cmpi slt, %rem3A_456, %lt3A_459 : i32
        %lt3A_461 = arith.constant 0 : i32
        %lt3A_462 = arith.cmpi slt, %select_n3A_455, %lt3A_461 : i32
        %ne3A_463 = arith.xori %lt3A_460, %lt3A_462 : i1
        %and3A_464 = arith.andi %ne3A_463, %ne3A_458 : i1
        %add3A_465 = arith.addi %rem3A_456, %select_n3A_455 : i32
        %select_n3A_466 = arith.select %and3A_464, %add3A_465, %rem3A_456 : i32
        %add3A_467 = arith.addi %mul3A_450, %select_n3A_466 : i32
        %jit3A_468 = arith.constant 2 : i32
        %div3A_469 = arith.divsi %add3A_467, %jit3A_468 : i32
        %sign3A_470 = arith.constant 0 : i32
        %sign3A_471 = arith.cmpi sgt, %add3A_467, %sign3A_470 : i32
        %sign3A_472 = arith.extui %sign3A_471 : i1 to i32
        %sign3A_473 = arith.constant 0 : i32
        %sign3A_474 = arith.cmpi slt, %add3A_467, %sign3A_473 : i32
        %sign3A_475 = arith.extui %sign3A_474 : i1 to i32
        %sign3A_476 = arith.subi %sign3A_472, %sign3A_475 : i32
        %sign3A_477 = arith.constant 0 : i32
        %sign3A_478 = arith.cmpi sgt, %jit3A_468, %sign3A_477 : i32
        %sign3A_479 = arith.extui %sign3A_478 : i1 to i32
        %sign3A_480 = arith.constant 0 : i32
        %sign3A_481 = arith.cmpi slt, %jit3A_468, %sign3A_480 : i32
        %sign3A_482 = arith.extui %sign3A_481 : i1 to i32
        %sign3A_483 = arith.subi %sign3A_479, %sign3A_482 : i32
        %ne3A_484 = arith.cmpi ne, %sign3A_476, %sign3A_483 : i32
        %rem3A_485 = arith.remsi %add3A_467, %jit3A_468 : i32
        %ne3A_486 = arith.constant 0 : i32
        %ne3A_487 = arith.cmpi ne, %rem3A_485, %ne3A_486 : i32
        %and3A_488 = arith.andi %ne3A_484, %ne3A_487 : i1
        %sub3A_489 = arith.constant 1 : i32
        %sub3A_490 = arith.subi %div3A_469, %sub3A_489 : i32
        %select_n3A_491 = arith.select %and3A_488, %sub3A_490, %div3A_469 : i32
        %mul3A_492 = arith.constant 8 : i32
        %mul3A_493 = arith.muli %select_n3A_491, %mul3A_492 : i32
        %jit3A_494 = arith.constant 2 : i32
        %eq3A_495 = arith.constant 0 : i32
        %eq3A_496 = arith.cmpi eq, %jit3A_494, %eq3A_495 : i32
        %jit3A_497 = arith.constant 1 : i32
        %select_n3A_498 = arith.select %eq3A_496, %jit3A_497, %jit3A_494 : i32
        %rem3A_499 = arith.remsi %add3A_467, %select_n3A_498 : i32
        %ne3A_500 = arith.constant 0 : i32
        %ne3A_501 = arith.cmpi ne, %rem3A_499, %ne3A_500 : i32
        %lt3A_502 = arith.constant 0 : i32
        %lt3A_503 = arith.cmpi slt, %rem3A_499, %lt3A_502 : i32
        %lt3A_504 = arith.constant 0 : i32
        %lt3A_505 = arith.cmpi slt, %select_n3A_498, %lt3A_504 : i32
        %ne3A_506 = arith.xori %lt3A_503, %lt3A_505 : i1
        %and3A_507 = arith.andi %ne3A_506, %ne3A_501 : i1
        %add3A_508 = arith.addi %rem3A_499, %select_n3A_498 : i32
        %select_n3A_509 = arith.select %and3A_507, %add3A_508, %rem3A_499 : i32
        %mul3A_510 = arith.constant 256 : i32
        %mul3A_511 = arith.muli %select_n3A_509, %mul3A_510 : i32
        %jit3A_512 = arith.constant 2 : i32
        %eq3A_513 = arith.constant 0 : i32
        %eq3A_514 = arith.cmpi eq, %jit3A_512, %eq3A_513 : i32
        %jit3A_515 = arith.constant 1 : i32
        %select_n3A_516 = arith.select %eq3A_514, %jit3A_515, %jit3A_512 : i32
        %rem3A_517 = arith.remsi %add3A_424, %select_n3A_516 : i32
        %ne3A_518 = arith.constant 0 : i32
        %ne3A_519 = arith.cmpi ne, %rem3A_517, %ne3A_518 : i32
        %lt3A_520 = arith.constant 0 : i32
        %lt3A_521 = arith.cmpi slt, %rem3A_517, %lt3A_520 : i32
        %lt3A_522 = arith.constant 0 : i32
        %lt3A_523 = arith.cmpi slt, %select_n3A_516, %lt3A_522 : i32
        %ne3A_524 = arith.xori %lt3A_521, %lt3A_523 : i1
        %and3A_525 = arith.andi %ne3A_524, %ne3A_519 : i1
        %add3A_526 = arith.addi %rem3A_517, %select_n3A_516 : i32
        %select_n3A_527 = arith.select %and3A_525, %add3A_526, %rem3A_517 : i32
        %mul3A_528 = arith.constant 152 : i32
        %mul3A_529 = arith.muli %select_n3A_527, %mul3A_528 : i32
        %add3A_530 = arith.constant 0 : i32
        %add3A_531 = arith.addi %mul3A_529, %add3A_530 : i32
        %dma_start3A_532 = arith.constant 0 : i32
        %dma_start3A_533 = arith.constant 0 : i32
        %dma_start3A_534 = tpu.memref_slice %arg5[%add3A_531, %dma_start3A_533] : memref<304x256xf32, #tpu.memory_space<vmem>> -> memref<8x256xf32, #tpu.memory_space<vmem>>
        %dma_start3A_535 = tpu.memref_slice %arg2[%select_n3A_448, %dma_start3A_532, %mul3A_493, %mul3A_511] : memref<8x19x512x512xf32, #tpu.memory_space<hbm>> -> memref<1x1x8x256xf32, #tpu.memory_space<hbm>>
        %dma_start3A_536 = tpu.memref_squeeze %dma_start3A_535 : memref<1x1x8x256xf32, #tpu.memory_space<hbm>> -> memref<8x256xf32, #tpu.memory_space<hbm>>
        %dma_start3A_537 = arith.constant 0 : i32
        %dma_start3A_538 = tpu.memref_slice %arg5[%add3A_531, %dma_start3A_537] : memref<304x256xf32, #tpu.memory_space<vmem>> -> memref<8x256xf32, #tpu.memory_space<vmem>>
        %dma_start3A_539 = tpu.memref_slice %arg2[%select_n3A_448, %dma_start3A_532, %mul3A_493, %mul3A_511] : memref<8x19x512x512xf32, #tpu.memory_space<hbm>> -> memref<1x1x8x256xf32, #tpu.memory_space<hbm>>
        %dma_start3A_540 = tpu.memref_squeeze %dma_start3A_539 : memref<1x1x8x256xf32, #tpu.memory_space<hbm>> -> memref<8x256xf32, #tpu.memory_space<hbm>>
        tpu.enqueue_dma source(%dma_start3A_540 : memref<8x256xf32, #tpu.memory_space<hbm>>) target(%dma_start3A_538 : memref<8x256xf32, #tpu.memory_space<vmem>>) target_semaphore(%arg11 : memref<!tpu.dma_semaphore, #tpu.memory_space<semaphore_mem>>)
        %mul3A_541 = arith.constant 152 : i32
        %mul3A_542 = arith.muli %select_n3A_527, %mul3A_541 : i32
        %add3A_543 = arith.constant 8 : i32
        %add3A_544 = arith.addi %mul3A_542, %add3A_543 : i32
        %dma_start3A_545 = arith.constant 1 : i32
        %dma_start3A_546 = arith.constant 0 : i32
        %dma_start3A_547 = tpu.memref_slice %arg5[%add3A_544, %dma_start3A_546] : memref<304x256xf32, #tpu.memory_space<vmem>> -> memref<8x256xf32, #tpu.memory_space<vmem>>
        %dma_start3A_548 = tpu.memref_slice %arg2[%select_n3A_448, %dma_start3A_545, %mul3A_493, %mul3A_511] : memref<8x19x512x512xf32, #tpu.memory_space<hbm>> -> memref<1x1x8x256xf32, #tpu.memory_space<hbm>>
        %dma_start3A_549 = tpu.memref_squeeze %dma_start3A_548 : memref<1x1x8x256xf32, #tpu.memory_space<hbm>> -> memref<8x256xf32, #tpu.memory_space<hbm>>
        %dma_start3A_550 = arith.constant 0 : i32
        %dma_start3A_551 = tpu.memref_slice %arg5[%add3A_544, %dma_start3A_550] : memref<304x256xf32, #tpu.memory_space<vmem>> -> memref<8x256xf32, #tpu.memory_space<vmem>>
        %dma_start3A_552 = tpu.memref_slice %arg2[%select_n3A_448, %dma_start3A_545, %mul3A_493, %mul3A_511] : memref<8x19x512x512xf32, #tpu.memory_space<hbm>> -> memref<1x1x8x256xf32, #tpu.memory_space<hbm>>
        %dma_start3A_553 = tpu.memref_squeeze %dma_start3A_552 : memref<1x1x8x256xf32, #tpu.memory_space<hbm>> -> memref<8x256xf32, #tpu.memory_space<hbm>>
        tpu.enqueue_dma source(%dma_start3A_553 : memref<8x256xf32, #tpu.memory_space<hbm>>) target(%dma_start3A_551 : memref<8x256xf32, #tpu.memory_space<vmem>>) target_semaphore(%arg11 : memref<!tpu.dma_semaphore, #tpu.memory_space<semaphore_mem>>)
        %mul3A_554 = arith.constant 152 : i32
        %mul3A_555 = arith.muli %select_n3A_527, %mul3A_554 : i32
        %add3A_556 = arith.constant 16 : i32
        %add3A_557 = arith.addi %mul3A_555, %add3A_556 : i32
        %dma_start3A_558 = arith.constant 2 : i32
        %dma_start3A_559 = arith.constant 0 : i32
        %dma_start3A_560 = tpu.memref_slice %arg5[%add3A_557, %dma_start3A_559] : memref<304x256xf32, #tpu.memory_space<vmem>> -> memref<8x256xf32, #tpu.memory_space<vmem>>
        %dma_start3A_561 = tpu.memref_slice %arg2[%select_n3A_448, %dma_start3A_558, %mul3A_493, %mul3A_511] : memref<8x19x512x512xf32, #tpu.memory_space<hbm>> -> memref<1x1x8x256xf32, #tpu.memory_space<hbm>>
        %dma_start3A_562 = tpu.memref_squeeze %dma_start3A_561 : memref<1x1x8x256xf32, #tpu.memory_space<hbm>> -> memref<8x256xf32, #tpu.memory_space<hbm>>
        %dma_start3A_563 = arith.constant 0 : i32
        %dma_start3A_564 = tpu.memref_slice %arg5[%add3A_557, %dma_start3A_563] : memref<304x256xf32, #tpu.memory_space<vmem>> -> memref<8x256xf32, #tpu.memory_space<vmem>>
        %dma_start3A_565 = tpu.memref_slice %arg2[%select_n3A_448, %dma_start3A_558, %mul3A_493, %mul3A_511] : memref<8x19x512x512xf32, #tpu.memory_space<hbm>> -> memref<1x1x8x256xf32, #tpu.memory_space<hbm>>
        %dma_start3A_566 = tpu.memref_squeeze %dma_start3A_565 : memref<1x1x8x256xf32, #tpu.memory_space<hbm>> -> memref<8x256xf32, #tpu.memory_space<hbm>>
        tpu.enqueue_dma source(%dma_start3A_566 : memref<8x256xf32, #tpu.memory_space<hbm>>) target(%dma_start3A_564 : memref<8x256xf32, #tpu.memory_space<vmem>>) target_semaphore(%arg11 : memref<!tpu.dma_semaphore, #tpu.memory_space<semaphore_mem>>)
        %mul3A_567 = arith.constant 152 : i32
        %mul3A_568 = arith.muli %select_n3A_527, %mul3A_567 : i32
        %add3A_569 = arith.constant 24 : i32
        %add3A_570 = arith.addi %mul3A_568, %add3A_569 : i32
        %dma_start3A_571 = arith.constant 3 : i32
        %dma_start3A_572 = arith.constant 0 : i32
        %dma_start3A_573 = tpu.memref_slice %arg5[%add3A_570, %dma_start3A_572] : memref<304x256xf32, #tpu.memory_space<vmem>> -> memref<8x256xf32, #tpu.memory_space<vmem>>
        %dma_start3A_574 = tpu.memref_slice %arg2[%select_n3A_448, %dma_start3A_571, %mul3A_493, %mul3A_511] : memref<8x19x512x512xf32, #tpu.memory_space<hbm>> -> memref<1x1x8x256xf32, #tpu.memory_space<hbm>>
        %dma_start3A_575 = tpu.memref_squeeze %dma_start3A_574 : memref<1x1x8x256xf32, #tpu.memory_space<hbm>> -> memref<8x256xf32, #tpu.memory_space<hbm>>
        %dma_start3A_576 = arith.constant 0 : i32
        %dma_start3A_577 = tpu.memref_slice %arg5[%add3A_570, %dma_start3A_576] : memref<304x256xf32, #tpu.memory_space<vmem>> -> memref<8x256xf32, #tpu.memory_space<vmem>>
        %dma_start3A_578 = tpu.memref_slice %arg2[%select_n3A_448, %dma_start3A_571, %mul3A_493, %mul3A_511] : memref<8x19x512x512xf32, #tpu.memory_space<hbm>> -> memref<1x1x8x256xf32, #tpu.memory_space<hbm>>
        %dma_start3A_579 = tpu.memref_squeeze %dma_start3A_578 : memref<1x1x8x256xf32, #tpu.memory_space<hbm>> -> memref<8x256xf32, #tpu.memory_space<hbm>>
        tpu.enqueue_dma source(%dma_start3A_579 : memref<8x256xf32, #tpu.memory_space<hbm>>) target(%dma_start3A_577 : memref<8x256xf32, #tpu.memory_space<vmem>>) target_semaphore(%arg11 : memref<!tpu.dma_semaphore, #tpu.memory_space<semaphore_mem>>)
        %mul3A_580 = arith.constant 152 : i32
        %mul3A_581 = arith.muli %select_n3A_527, %mul3A_580 : i32
        %add3A_582 = arith.constant 32 : i32
        %add3A_583 = arith.addi %mul3A_581, %add3A_582 : i32
        %dma_start3A_584 = arith.constant 4 : i32
        %dma_start3A_585 = arith.constant 0 : i32
        %dma_start3A_586 = tpu.memref_slice %arg5[%add3A_583, %dma_start3A_585] : memref<304x256xf32, #tpu.memory_space<vmem>> -> memref<8x256xf32, #tpu.memory_space<vmem>>
        %dma_start3A_587 = tpu.memref_slice %arg2[%select_n3A_448, %dma_start3A_584, %mul3A_493, %mul3A_511] : memref<8x19x512x512xf32, #tpu.memory_space<hbm>> -> memref<1x1x8x256xf32, #tpu.memory_space<hbm>>
        %dma_start3A_588 = tpu.memref_squeeze %dma_start3A_587 : memref<1x1x8x256xf32, #tpu.memory_space<hbm>> -> memref<8x256xf32, #tpu.memory_space<hbm>>
        %dma_start3A_589 = arith.constant 0 : i32
        %dma_start3A_590 = tpu.memref_slice %arg5[%add3A_583, %dma_start3A_589] : memref<304x256xf32, #tpu.memory_space<vmem>> -> memref<8x256xf32, #tpu.memory_space<vmem>>
        %dma_start3A_591 = tpu.memref_slice %arg2[%select_n3A_448, %dma_start3A_584, %mul3A_493, %mul3A_511] : memref<8x19x512x512xf32, #tpu.memory_space<hbm>> -> memref<1x1x8x256xf32, #tpu.memory_space<hbm>>
        %dma_start3A_592 = tpu.memref_squeeze %dma_start3A_591 : memref<1x1x8x256xf32, #tpu.memory_space<hbm>> -> memref<8x256xf32, #tpu.memory_space<hbm>>
        tpu.enqueue_dma source(%dma_start3A_592 : memref<8x256xf32, #tpu.memory_space<hbm>>) target(%dma_start3A_590 : memref<8x256xf32, #tpu.memory_space<vmem>>) target_semaphore(%arg11 : memref<!tpu.dma_semaphore, #tpu.memory_space<semaphore_mem>>)
        %mul3A_593 = arith.constant 152 : i32
        %mul3A_594 = arith.muli %select_n3A_527, %mul3A_593 : i32
        %add3A_595 = arith.constant 40 : i32
        %add3A_596 = arith.addi %mul3A_594, %add3A_595 : i32
        %dma_start3A_597 = arith.constant 5 : i32
        %dma_start3A_598 = arith.constant 0 : i32
        %dma_start3A_599 = tpu.memref_slice %arg5[%add3A_596, %dma_start3A_598] : memref<304x256xf32, #tpu.memory_space<vmem>> -> memref<8x256xf32, #tpu.memory_space<vmem>>
        %dma_start3A_600 = tpu.memref_slice %arg2[%select_n3A_448, %dma_start3A_597, %mul3A_493, %mul3A_511] : memref<8x19x512x512xf32, #tpu.memory_space<hbm>> -> memref<1x1x8x256xf32, #tpu.memory_space<hbm>>
        %dma_start3A_601 = tpu.memref_squeeze %dma_start3A_600 : memref<1x1x8x256xf32, #tpu.memory_space<hbm>> -> memref<8x256xf32, #tpu.memory_space<hbm>>
        %dma_start3A_602 = arith.constant 0 : i32
        %dma_start3A_603 = tpu.memref_slice %arg5[%add3A_596, %dma_start3A_602] : memref<304x256xf32, #tpu.memory_space<vmem>> -> memref<8x256xf32, #tpu.memory_space<vmem>>
        %dma_start3A_604 = tpu.memref_slice %arg2[%select_n3A_448, %dma_start3A_597, %mul3A_493, %mul3A_511] : memref<8x19x512x512xf32, #tpu.memory_space<hbm>> -> memref<1x1x8x256xf32, #tpu.memory_space<hbm>>
        %dma_start3A_605 = tpu.memref_squeeze %dma_start3A_604 : memref<1x1x8x256xf32, #tpu.memory_space<hbm>> -> memref<8x256xf32, #tpu.memory_space<hbm>>
        tpu.enqueue_dma source(%dma_start3A_605 : memref<8x256xf32, #tpu.memory_space<hbm>>) target(%dma_start3A_603 : memref<8x256xf32, #tpu.memory_space<vmem>>) target_semaphore(%arg11 : memref<!tpu.dma_semaphore, #tpu.memory_space<semaphore_mem>>)
        %mul3A_606 = arith.constant 152 : i32
        %mul3A_607 = arith.muli %select_n3A_527, %mul3A_606 : i32
        %add3A_608 = arith.constant 48 : i32
        %add3A_609 = arith.addi %mul3A_607, %add3A_608 : i32
        %dma_start3A_610 = arith.constant 6 : i32
        %dma_start3A_611 = arith.constant 0 : i32
        %dma_start3A_612 = tpu.memref_slice %arg5[%add3A_609, %dma_start3A_611] : memref<304x256xf32, #tpu.memory_space<vmem>> -> memref<8x256xf32, #tpu.memory_space<vmem>>
        %dma_start3A_613 = tpu.memref_slice %arg2[%select_n3A_448, %dma_start3A_610, %mul3A_493, %mul3A_511] : memref<8x19x512x512xf32, #tpu.memory_space<hbm>> -> memref<1x1x8x256xf32, #tpu.memory_space<hbm>>
        %dma_start3A_614 = tpu.memref_squeeze %dma_start3A_613 : memref<1x1x8x256xf32, #tpu.memory_space<hbm>> -> memref<8x256xf32, #tpu.memory_space<hbm>>
        %dma_start3A_615 = arith.constant 0 : i32
        %dma_start3A_616 = tpu.memref_slice %arg5[%add3A_609, %dma_start3A_615] : memref<304x256xf32, #tpu.memory_space<vmem>> -> memref<8x256xf32, #tpu.memory_space<vmem>>
        %dma_start3A_617 = tpu.memref_slice %arg2[%select_n3A_448, %dma_start3A_610, %mul3A_493, %mul3A_511] : memref<8x19x512x512xf32, #tpu.memory_space<hbm>> -> memref<1x1x8x256xf32, #tpu.memory_space<hbm>>
        %dma_start3A_618 = tpu.memref_squeeze %dma_start3A_617 : memref<1x1x8x256xf32, #tpu.memory_space<hbm>> -> memref<8x256xf32, #tpu.memory_space<hbm>>
        tpu.enqueue_dma source(%dma_start3A_618 : memref<8x256xf32, #tpu.memory_space<hbm>>) target(%dma_start3A_616 : memref<8x256xf32, #tpu.memory_space<vmem>>) target_semaphore(%arg11 : memref<!tpu.dma_semaphore, #tpu.memory_space<semaphore_mem>>)
        %mul3A_619 = arith.constant 152 : i32
        %mul3A_620 = arith.muli %select_n3A_527, %mul3A_619 : i32
        %add3A_621 = arith.constant 56 : i32
        %add3A_622 = arith.addi %mul3A_620, %add3A_621 : i32
        %dma_start3A_623 = arith.constant 7 : i32
        %dma_start3A_624 = arith.constant 0 : i32
        %dma_start3A_625 = tpu.memref_slice %arg5[%add3A_622, %dma_start3A_624] : memref<304x256xf32, #tpu.memory_space<vmem>> -> memref<8x256xf32, #tpu.memory_space<vmem>>
        %dma_start3A_626 = tpu.memref_slice %arg2[%select_n3A_448, %dma_start3A_623, %mul3A_493, %mul3A_511] : memref<8x19x512x512xf32, #tpu.memory_space<hbm>> -> memref<1x1x8x256xf32, #tpu.memory_space<hbm>>
        %dma_start3A_627 = tpu.memref_squeeze %dma_start3A_626 : memref<1x1x8x256xf32, #tpu.memory_space<hbm>> -> memref<8x256xf32, #tpu.memory_space<hbm>>
        %dma_start3A_628 = arith.constant 0 : i32
        %dma_start3A_629 = tpu.memref_slice %arg5[%add3A_622, %dma_start3A_628] : memref<304x256xf32, #tpu.memory_space<vmem>> -> memref<8x256xf32, #tpu.memory_space<vmem>>
        %dma_start3A_630 = tpu.memref_slice %arg2[%select_n3A_448, %dma_start3A_623, %mul3A_493, %mul3A_511] : memref<8x19x512x512xf32, #tpu.memory_space<hbm>> -> memref<1x1x8x256xf32, #tpu.memory_space<hbm>>
        %dma_start3A_631 = tpu.memref_squeeze %dma_start3A_630 : memref<1x1x8x256xf32, #tpu.memory_space<hbm>> -> memref<8x256xf32, #tpu.memory_space<hbm>>
        tpu.enqueue_dma source(%dma_start3A_631 : memref<8x256xf32, #tpu.memory_space<hbm>>) target(%dma_start3A_629 : memref<8x256xf32, #tpu.memory_space<vmem>>) target_semaphore(%arg11 : memref<!tpu.dma_semaphore, #tpu.memory_space<semaphore_mem>>)
        %mul3A_632 = arith.constant 152 : i32
        %mul3A_633 = arith.muli %select_n3A_527, %mul3A_632 : i32
        %add3A_634 = arith.constant 64 : i32
        %add3A_635 = arith.addi %mul3A_633, %add3A_634 : i32
        %dma_start3A_636 = arith.constant 8 : i32
        %dma_start3A_637 = arith.constant 0 : i32
        %dma_start3A_638 = tpu.memref_slice %arg5[%add3A_635, %dma_start3A_637] : memref<304x256xf32, #tpu.memory_space<vmem>> -> memref<8x256xf32, #tpu.memory_space<vmem>>
        %dma_start3A_639 = tpu.memref_slice %arg2[%select_n3A_448, %dma_start3A_636, %mul3A_493, %mul3A_511] : memref<8x19x512x512xf32, #tpu.memory_space<hbm>> -> memref<1x1x8x256xf32, #tpu.memory_space<hbm>>
        %dma_start3A_640 = tpu.memref_squeeze %dma_start3A_639 : memref<1x1x8x256xf32, #tpu.memory_space<hbm>> -> memref<8x256xf32, #tpu.memory_space<hbm>>
        %dma_start3A_641 = arith.constant 0 : i32
        %dma_start3A_642 = tpu.memref_slice %arg5[%add3A_635, %dma_start3A_641] : memref<304x256xf32, #tpu.memory_space<vmem>> -> memref<8x256xf32, #tpu.memory_space<vmem>>
        %dma_start3A_643 = tpu.memref_slice %arg2[%select_n3A_448, %dma_start3A_636, %mul3A_493, %mul3A_511] : memref<8x19x512x512xf32, #tpu.memory_space<hbm>> -> memref<1x1x8x256xf32, #tpu.memory_space<hbm>>
        %dma_start3A_644 = tpu.memref_squeeze %dma_start3A_643 : memref<1x1x8x256xf32, #tpu.memory_space<hbm>> -> memref<8x256xf32, #tpu.memory_space<hbm>>
        tpu.enqueue_dma source(%dma_start3A_644 : memref<8x256xf32, #tpu.memory_space<hbm>>) target(%dma_start3A_642 : memref<8x256xf32, #tpu.memory_space<vmem>>) target_semaphore(%arg11 : memref<!tpu.dma_semaphore, #tpu.memory_space<semaphore_mem>>)
        %mul3A_645 = arith.constant 152 : i32
        %mul3A_646 = arith.muli %select_n3A_527, %mul3A_645 : i32
        %add3A_647 = arith.constant 72 : i32
        %add3A_648 = arith.addi %mul3A_646, %add3A_647 : i32
        %dma_start3A_649 = arith.constant 9 : i32
        %dma_start3A_650 = arith.constant 0 : i32
        %dma_start3A_651 = tpu.memref_slice %arg5[%add3A_648, %dma_start3A_650] : memref<304x256xf32, #tpu.memory_space<vmem>> -> memref<8x256xf32, #tpu.memory_space<vmem>>
        %dma_start3A_652 = tpu.memref_slice %arg2[%select_n3A_448, %dma_start3A_649, %mul3A_493, %mul3A_511] : memref<8x19x512x512xf32, #tpu.memory_space<hbm>> -> memref<1x1x8x256xf32, #tpu.memory_space<hbm>>
        %dma_start3A_653 = tpu.memref_squeeze %dma_start3A_652 : memref<1x1x8x256xf32, #tpu.memory_space<hbm>> -> memref<8x256xf32, #tpu.memory_space<hbm>>
        %dma_start3A_654 = arith.constant 0 : i32
        %dma_start3A_655 = tpu.memref_slice %arg5[%add3A_648, %dma_start3A_654] : memref<304x256xf32, #tpu.memory_space<vmem>> -> memref<8x256xf32, #tpu.memory_space<vmem>>
        %dma_start3A_656 = tpu.memref_slice %arg2[%select_n3A_448, %dma_start3A_649, %mul3A_493, %mul3A_511] : memref<8x19x512x512xf32, #tpu.memory_space<hbm>> -> memref<1x1x8x256xf32, #tpu.memory_space<hbm>>
        %dma_start3A_657 = tpu.memref_squeeze %dma_start3A_656 : memref<1x1x8x256xf32, #tpu.memory_space<hbm>> -> memref<8x256xf32, #tpu.memory_space<hbm>>
        tpu.enqueue_dma source(%dma_start3A_657 : memref<8x256xf32, #tpu.memory_space<hbm>>) target(%dma_start3A_655 : memref<8x256xf32, #tpu.memory_space<vmem>>) target_semaphore(%arg11 : memref<!tpu.dma_semaphore, #tpu.memory_space<semaphore_mem>>)
        %mul3A_658 = arith.constant 152 : i32
        %mul3A_659 = arith.muli %select_n3A_527, %mul3A_658 : i32
        %add3A_660 = arith.constant 80 : i32
        %add3A_661 = arith.addi %mul3A_659, %add3A_660 : i32
        %dma_start3A_662 = arith.constant 10 : i32
        %dma_start3A_663 = arith.constant 0 : i32
        %dma_start3A_664 = tpu.memref_slice %arg5[%add3A_661, %dma_start3A_663] : memref<304x256xf32, #tpu.memory_space<vmem>> -> memref<8x256xf32, #tpu.memory_space<vmem>>
        %dma_start3A_665 = tpu.memref_slice %arg2[%select_n3A_448, %dma_start3A_662, %mul3A_493, %mul3A_511] : memref<8x19x512x512xf32, #tpu.memory_space<hbm>> -> memref<1x1x8x256xf32, #tpu.memory_space<hbm>>
        %dma_start3A_666 = tpu.memref_squeeze %dma_start3A_665 : memref<1x1x8x256xf32, #tpu.memory_space<hbm>> -> memref<8x256xf32, #tpu.memory_space<hbm>>
        %dma_start3A_667 = arith.constant 0 : i32
        %dma_start3A_668 = tpu.memref_slice %arg5[%add3A_661, %dma_start3A_667] : memref<304x256xf32, #tpu.memory_space<vmem>> -> memref<8x256xf32, #tpu.memory_space<vmem>>
        %dma_start3A_669 = tpu.memref_slice %arg2[%select_n3A_448, %dma_start3A_662, %mul3A_493, %mul3A_511] : memref<8x19x512x512xf32, #tpu.memory_space<hbm>> -> memref<1x1x8x256xf32, #tpu.memory_space<hbm>>
        %dma_start3A_670 = tpu.memref_squeeze %dma_start3A_669 : memref<1x1x8x256xf32, #tpu.memory_space<hbm>> -> memref<8x256xf32, #tpu.memory_space<hbm>>
        tpu.enqueue_dma source(%dma_start3A_670 : memref<8x256xf32, #tpu.memory_space<hbm>>) target(%dma_start3A_668 : memref<8x256xf32, #tpu.memory_space<vmem>>) target_semaphore(%arg11 : memref<!tpu.dma_semaphore, #tpu.memory_space<semaphore_mem>>)
        %mul3A_671 = arith.constant 152 : i32
        %mul3A_672 = arith.muli %select_n3A_527, %mul3A_671 : i32
        %add3A_673 = arith.constant 88 : i32
        %add3A_674 = arith.addi %mul3A_672, %add3A_673 : i32
        %dma_start3A_675 = arith.constant 11 : i32
        %dma_start3A_676 = arith.constant 0 : i32
        %dma_start3A_677 = tpu.memref_slice %arg5[%add3A_674, %dma_start3A_676] : memref<304x256xf32, #tpu.memory_space<vmem>> -> memref<8x256xf32, #tpu.memory_space<vmem>>
        %dma_start3A_678 = tpu.memref_slice %arg2[%select_n3A_448, %dma_start3A_675, %mul3A_493, %mul3A_511] : memref<8x19x512x512xf32, #tpu.memory_space<hbm>> -> memref<1x1x8x256xf32, #tpu.memory_space<hbm>>
        %dma_start3A_679 = tpu.memref_squeeze %dma_start3A_678 : memref<1x1x8x256xf32, #tpu.memory_space<hbm>> -> memref<8x256xf32, #tpu.memory_space<hbm>>
        %dma_start3A_680 = arith.constant 0 : i32
        %dma_start3A_681 = tpu.memref_slice %arg5[%add3A_674, %dma_start3A_680] : memref<304x256xf32, #tpu.memory_space<vmem>> -> memref<8x256xf32, #tpu.memory_space<vmem>>
        %dma_start3A_682 = tpu.memref_slice %arg2[%select_n3A_448, %dma_start3A_675, %mul3A_493, %mul3A_511] : memref<8x19x512x512xf32, #tpu.memory_space<hbm>> -> memref<1x1x8x256xf32, #tpu.memory_space<hbm>>
        %dma_start3A_683 = tpu.memref_squeeze %dma_start3A_682 : memref<1x1x8x256xf32, #tpu.memory_space<hbm>> -> memref<8x256xf32, #tpu.memory_space<hbm>>
        tpu.enqueue_dma source(%dma_start3A_683 : memref<8x256xf32, #tpu.memory_space<hbm>>) target(%dma_start3A_681 : memref<8x256xf32, #tpu.memory_space<vmem>>) target_semaphore(%arg11 : memref<!tpu.dma_semaphore, #tpu.memory_space<semaphore_mem>>)
        %mul3A_684 = arith.constant 152 : i32
        %mul3A_685 = arith.muli %select_n3A_527, %mul3A_684 : i32
        %add3A_686 = arith.constant 96 : i32
        %add3A_687 = arith.addi %mul3A_685, %add3A_686 : i32
        %dma_start3A_688 = arith.constant 12 : i32
        %dma_start3A_689 = arith.constant 0 : i32
        %dma_start3A_690 = tpu.memref_slice %arg5[%add3A_687, %dma_start3A_689] : memref<304x256xf32, #tpu.memory_space<vmem>> -> memref<8x256xf32, #tpu.memory_space<vmem>>
        %dma_start3A_691 = tpu.memref_slice %arg2[%select_n3A_448, %dma_start3A_688, %mul3A_493, %mul3A_511] : memref<8x19x512x512xf32, #tpu.memory_space<hbm>> -> memref<1x1x8x256xf32, #tpu.memory_space<hbm>>
        %dma_start3A_692 = tpu.memref_squeeze %dma_start3A_691 : memref<1x1x8x256xf32, #tpu.memory_space<hbm>> -> memref<8x256xf32, #tpu.memory_space<hbm>>
        %dma_start3A_693 = arith.constant 0 : i32
        %dma_start3A_694 = tpu.memref_slice %arg5[%add3A_687, %dma_start3A_693] : memref<304x256xf32, #tpu.memory_space<vmem>> -> memref<8x256xf32, #tpu.memory_space<vmem>>
        %dma_start3A_695 = tpu.memref_slice %arg2[%select_n3A_448, %dma_start3A_688, %mul3A_493, %mul3A_511] : memref<8x19x512x512xf32, #tpu.memory_space<hbm>> -> memref<1x1x8x256xf32, #tpu.memory_space<hbm>>
        %dma_start3A_696 = tpu.memref_squeeze %dma_start3A_695 : memref<1x1x8x256xf32, #tpu.memory_space<hbm>> -> memref<8x256xf32, #tpu.memory_space<hbm>>
        tpu.enqueue_dma source(%dma_start3A_696 : memref<8x256xf32, #tpu.memory_space<hbm>>) target(%dma_start3A_694 : memref<8x256xf32, #tpu.memory_space<vmem>>) target_semaphore(%arg11 : memref<!tpu.dma_semaphore, #tpu.memory_space<semaphore_mem>>)
        %mul3A_697 = arith.constant 152 : i32
        %mul3A_698 = arith.muli %select_n3A_527, %mul3A_697 : i32
        %add3A_699 = arith.constant 104 : i32
        %add3A_700 = arith.addi %mul3A_698, %add3A_699 : i32
        %dma_start3A_701 = arith.constant 13 : i32
        %dma_start3A_702 = arith.constant 0 : i32
        %dma_start3A_703 = tpu.memref_slice %arg5[%add3A_700, %dma_start3A_702] : memref<304x256xf32, #tpu.memory_space<vmem>> -> memref<8x256xf32, #tpu.memory_space<vmem>>
        %dma_start3A_704 = tpu.memref_slice %arg2[%select_n3A_448, %dma_start3A_701, %mul3A_493, %mul3A_511] : memref<8x19x512x512xf32, #tpu.memory_space<hbm>> -> memref<1x1x8x256xf32, #tpu.memory_space<hbm>>
        %dma_start3A_705 = tpu.memref_squeeze %dma_start3A_704 : memref<1x1x8x256xf32, #tpu.memory_space<hbm>> -> memref<8x256xf32, #tpu.memory_space<hbm>>
        %dma_start3A_706 = arith.constant 0 : i32
        %dma_start3A_707 = tpu.memref_slice %arg5[%add3A_700, %dma_start3A_706] : memref<304x256xf32, #tpu.memory_space<vmem>> -> memref<8x256xf32, #tpu.memory_space<vmem>>
        %dma_start3A_708 = tpu.memref_slice %arg2[%select_n3A_448, %dma_start3A_701, %mul3A_493, %mul3A_511] : memref<8x19x512x512xf32, #tpu.memory_space<hbm>> -> memref<1x1x8x256xf32, #tpu.memory_space<hbm>>
        %dma_start3A_709 = tpu.memref_squeeze %dma_start3A_708 : memref<1x1x8x256xf32, #tpu.memory_space<hbm>> -> memref<8x256xf32, #tpu.memory_space<hbm>>
        tpu.enqueue_dma source(%dma_start3A_709 : memref<8x256xf32, #tpu.memory_space<hbm>>) target(%dma_start3A_707 : memref<8x256xf32, #tpu.memory_space<vmem>>) target_semaphore(%arg11 : memref<!tpu.dma_semaphore, #tpu.memory_space<semaphore_mem>>)
        %mul3A_710 = arith.constant 152 : i32
        %mul3A_711 = arith.muli %select_n3A_527, %mul3A_710 : i32
        %add3A_712 = arith.constant 112 : i32
        %add3A_713 = arith.addi %mul3A_711, %add3A_712 : i32
        %dma_start3A_714 = arith.constant 14 : i32
        %dma_start3A_715 = arith.constant 0 : i32
        %dma_start3A_716 = tpu.memref_slice %arg5[%add3A_713, %dma_start3A_715] : memref<304x256xf32, #tpu.memory_space<vmem>> -> memref<8x256xf32, #tpu.memory_space<vmem>>
        %dma_start3A_717 = tpu.memref_slice %arg2[%select_n3A_448, %dma_start3A_714, %mul3A_493, %mul3A_511] : memref<8x19x512x512xf32, #tpu.memory_space<hbm>> -> memref<1x1x8x256xf32, #tpu.memory_space<hbm>>
        %dma_start3A_718 = tpu.memref_squeeze %dma_start3A_717 : memref<1x1x8x256xf32, #tpu.memory_space<hbm>> -> memref<8x256xf32, #tpu.memory_space<hbm>>
        %dma_start3A_719 = arith.constant 0 : i32
        %dma_start3A_720 = tpu.memref_slice %arg5[%add3A_713, %dma_start3A_719] : memref<304x256xf32, #tpu.memory_space<vmem>> -> memref<8x256xf32, #tpu.memory_space<vmem>>
        %dma_start3A_721 = tpu.memref_slice %arg2[%select_n3A_448, %dma_start3A_714, %mul3A_493, %mul3A_511] : memref<8x19x512x512xf32, #tpu.memory_space<hbm>> -> memref<1x1x8x256xf32, #tpu.memory_space<hbm>>
        %dma_start3A_722 = tpu.memref_squeeze %dma_start3A_721 : memref<1x1x8x256xf32, #tpu.memory_space<hbm>> -> memref<8x256xf32, #tpu.memory_space<hbm>>
        tpu.enqueue_dma source(%dma_start3A_722 : memref<8x256xf32, #tpu.memory_space<hbm>>) target(%dma_start3A_720 : memref<8x256xf32, #tpu.memory_space<vmem>>) target_semaphore(%arg11 : memref<!tpu.dma_semaphore, #tpu.memory_space<semaphore_mem>>)
        %mul3A_723 = arith.constant 152 : i32
        %mul3A_724 = arith.muli %select_n3A_527, %mul3A_723 : i32
        %add3A_725 = arith.constant 120 : i32
        %add3A_726 = arith.addi %mul3A_724, %add3A_725 : i32
        %dma_start3A_727 = arith.constant 15 : i32
        %dma_start3A_728 = arith.constant 0 : i32
        %dma_start3A_729 = tpu.memref_slice %arg5[%add3A_726, %dma_start3A_728] : memref<304x256xf32, #tpu.memory_space<vmem>> -> memref<8x256xf32, #tpu.memory_space<vmem>>
        %dma_start3A_730 = tpu.memref_slice %arg2[%select_n3A_448, %dma_start3A_727, %mul3A_493, %mul3A_511] : memref<8x19x512x512xf32, #tpu.memory_space<hbm>> -> memref<1x1x8x256xf32, #tpu.memory_space<hbm>>
        %dma_start3A_731 = tpu.memref_squeeze %dma_start3A_730 : memref<1x1x8x256xf32, #tpu.memory_space<hbm>> -> memref<8x256xf32, #tpu.memory_space<hbm>>
        %dma_start3A_732 = arith.constant 0 : i32
        %dma_start3A_733 = tpu.memref_slice %arg5[%add3A_726, %dma_start3A_732] : memref<304x256xf32, #tpu.memory_space<vmem>> -> memref<8x256xf32, #tpu.memory_space<vmem>>
        %dma_start3A_734 = tpu.memref_slice %arg2[%select_n3A_448, %dma_start3A_727, %mul3A_493, %mul3A_511] : memref<8x19x512x512xf32, #tpu.memory_space<hbm>> -> memref<1x1x8x256xf32, #tpu.memory_space<hbm>>
        %dma_start3A_735 = tpu.memref_squeeze %dma_start3A_734 : memref<1x1x8x256xf32, #tpu.memory_space<hbm>> -> memref<8x256xf32, #tpu.memory_space<hbm>>
        tpu.enqueue_dma source(%dma_start3A_735 : memref<8x256xf32, #tpu.memory_space<hbm>>) target(%dma_start3A_733 : memref<8x256xf32, #tpu.memory_space<vmem>>) target_semaphore(%arg11 : memref<!tpu.dma_semaphore, #tpu.memory_space<semaphore_mem>>)
        %mul3A_736 = arith.constant 152 : i32
        %mul3A_737 = arith.muli %select_n3A_527, %mul3A_736 : i32
        %add3A_738 = arith.constant 128 : i32
        %add3A_739 = arith.addi %mul3A_737, %add3A_738 : i32
        %dma_start3A_740 = arith.constant 16 : i32
        %dma_start3A_741 = arith.constant 0 : i32
        %dma_start3A_742 = tpu.memref_slice %arg5[%add3A_739, %dma_start3A_741] : memref<304x256xf32, #tpu.memory_space<vmem>> -> memref<8x256xf32, #tpu.memory_space<vmem>>
        %dma_start3A_743 = tpu.memref_slice %arg2[%select_n3A_448, %dma_start3A_740, %mul3A_493, %mul3A_511] : memref<8x19x512x512xf32, #tpu.memory_space<hbm>> -> memref<1x1x8x256xf32, #tpu.memory_space<hbm>>
        %dma_start3A_744 = tpu.memref_squeeze %dma_start3A_743 : memref<1x1x8x256xf32, #tpu.memory_space<hbm>> -> memref<8x256xf32, #tpu.memory_space<hbm>>
        %dma_start3A_745 = arith.constant 0 : i32
        %dma_start3A_746 = tpu.memref_slice %arg5[%add3A_739, %dma_start3A_745] : memref<304x256xf32, #tpu.memory_space<vmem>> -> memref<8x256xf32, #tpu.memory_space<vmem>>
        %dma_start3A_747 = tpu.memref_slice %arg2[%select_n3A_448, %dma_start3A_740, %mul3A_493, %mul3A_511] : memref<8x19x512x512xf32, #tpu.memory_space<hbm>> -> memref<1x1x8x256xf32, #tpu.memory_space<hbm>>
        %dma_start3A_748 = tpu.memref_squeeze %dma_start3A_747 : memref<1x1x8x256xf32, #tpu.memory_space<hbm>> -> memref<8x256xf32, #tpu.memory_space<hbm>>
        tpu.enqueue_dma source(%dma_start3A_748 : memref<8x256xf32, #tpu.memory_space<hbm>>) target(%dma_start3A_746 : memref<8x256xf32, #tpu.memory_space<vmem>>) target_semaphore(%arg11 : memref<!tpu.dma_semaphore, #tpu.memory_space<semaphore_mem>>)
        %mul3A_749 = arith.constant 152 : i32
        %mul3A_750 = arith.muli %select_n3A_527, %mul3A_749 : i32
        %add3A_751 = arith.constant 136 : i32
        %add3A_752 = arith.addi %mul3A_750, %add3A_751 : i32
        %dma_start3A_753 = arith.constant 17 : i32
        %dma_start3A_754 = arith.constant 0 : i32
        %dma_start3A_755 = tpu.memref_slice %arg5[%add3A_752, %dma_start3A_754] : memref<304x256xf32, #tpu.memory_space<vmem>> -> memref<8x256xf32, #tpu.memory_space<vmem>>
        %dma_start3A_756 = tpu.memref_slice %arg2[%select_n3A_448, %dma_start3A_753, %mul3A_493, %mul3A_511] : memref<8x19x512x512xf32, #tpu.memory_space<hbm>> -> memref<1x1x8x256xf32, #tpu.memory_space<hbm>>
        %dma_start3A_757 = tpu.memref_squeeze %dma_start3A_756 : memref<1x1x8x256xf32, #tpu.memory_space<hbm>> -> memref<8x256xf32, #tpu.memory_space<hbm>>
        %dma_start3A_758 = arith.constant 0 : i32
        %dma_start3A_759 = tpu.memref_slice %arg5[%add3A_752, %dma_start3A_758] : memref<304x256xf32, #tpu.memory_space<vmem>> -> memref<8x256xf32, #tpu.memory_space<vmem>>
        %dma_start3A_760 = tpu.memref_slice %arg2[%select_n3A_448, %dma_start3A_753, %mul3A_493, %mul3A_511] : memref<8x19x512x512xf32, #tpu.memory_space<hbm>> -> memref<1x1x8x256xf32, #tpu.memory_space<hbm>>
        %dma_start3A_761 = tpu.memref_squeeze %dma_start3A_760 : memref<1x1x8x256xf32, #tpu.memory_space<hbm>> -> memref<8x256xf32, #tpu.memory_space<hbm>>
        tpu.enqueue_dma source(%dma_start3A_761 : memref<8x256xf32, #tpu.memory_space<hbm>>) target(%dma_start3A_759 : memref<8x256xf32, #tpu.memory_space<vmem>>) target_semaphore(%arg11 : memref<!tpu.dma_semaphore, #tpu.memory_space<semaphore_mem>>)
        %mul3A_762 = arith.constant 152 : i32
        %mul3A_763 = arith.muli %select_n3A_527, %mul3A_762 : i32
        %add3A_764 = arith.constant 144 : i32
        %add3A_765 = arith.addi %mul3A_763, %add3A_764 : i32
        %dma_start3A_766 = arith.constant 18 : i32
        %dma_start3A_767 = arith.constant 0 : i32
        %dma_start3A_768 = tpu.memref_slice %arg5[%add3A_765, %dma_start3A_767] : memref<304x256xf32, #tpu.memory_space<vmem>> -> memref<8x256xf32, #tpu.memory_space<vmem>>
        %dma_start3A_769 = tpu.memref_slice %arg2[%select_n3A_448, %dma_start3A_766, %mul3A_493, %mul3A_511] : memref<8x19x512x512xf32, #tpu.memory_space<hbm>> -> memref<1x1x8x256xf32, #tpu.memory_space<hbm>>
        %dma_start3A_770 = tpu.memref_squeeze %dma_start3A_769 : memref<1x1x8x256xf32, #tpu.memory_space<hbm>> -> memref<8x256xf32, #tpu.memory_space<hbm>>
        %dma_start3A_771 = arith.constant 0 : i32
        %dma_start3A_772 = tpu.memref_slice %arg5[%add3A_765, %dma_start3A_771] : memref<304x256xf32, #tpu.memory_space<vmem>> -> memref<8x256xf32, #tpu.memory_space<vmem>>
        %dma_start3A_773 = tpu.memref_slice %arg2[%select_n3A_448, %dma_start3A_766, %mul3A_493, %mul3A_511] : memref<8x19x512x512xf32, #tpu.memory_space<hbm>> -> memref<1x1x8x256xf32, #tpu.memory_space<hbm>>
        %dma_start3A_774 = tpu.memref_squeeze %dma_start3A_773 : memref<1x1x8x256xf32, #tpu.memory_space<hbm>> -> memref<8x256xf32, #tpu.memory_space<hbm>>
        tpu.enqueue_dma source(%dma_start3A_774 : memref<8x256xf32, #tpu.memory_space<hbm>>) target(%dma_start3A_772 : memref<8x256xf32, #tpu.memory_space<vmem>>) target_semaphore(%arg11 : memref<!tpu.dma_semaphore, #tpu.memory_space<semaphore_mem>>)
        %mul3A_775 = arith.constant 8 : i32
        %mul3A_776 = arith.muli %select_n3A_527, %mul3A_775 : i32
        %dma_start3A_777 = arith.constant 0 : i32
        %dma_start3A_778 = arith.constant 0 : i32
        %dma_start3A_779 = tpu.memref_slice %arg6[%mul3A_776, %dma_start3A_778] : memref<16x256xi32, #tpu.memory_space<vmem>> -> memref<8x256xi32, #tpu.memory_space<vmem>>
        %dma_start3A_780 = tpu.memref_slice %arg3[%select_n3A_448, %dma_start3A_777, %mul3A_493, %mul3A_511] : memref<8x1x512x512xi32, #tpu.memory_space<hbm>> -> memref<1x1x8x256xi32, #tpu.memory_space<hbm>>
        %dma_start3A_781 = tpu.memref_squeeze %dma_start3A_780 : memref<1x1x8x256xi32, #tpu.memory_space<hbm>> -> memref<8x256xi32, #tpu.memory_space<hbm>>
        %dma_start3A_782 = arith.constant 0 : i32
        %dma_start3A_783 = tpu.memref_slice %arg6[%mul3A_776, %dma_start3A_782] : memref<16x256xi32, #tpu.memory_space<vmem>> -> memref<8x256xi32, #tpu.memory_space<vmem>>
        %dma_start3A_784 = tpu.memref_slice %arg3[%select_n3A_448, %dma_start3A_777, %mul3A_493, %mul3A_511] : memref<8x1x512x512xi32, #tpu.memory_space<hbm>> -> memref<1x1x8x256xi32, #tpu.memory_space<hbm>>
        %dma_start3A_785 = tpu.memref_squeeze %dma_start3A_784 : memref<1x1x8x256xi32, #tpu.memory_space<hbm>> -> memref<8x256xi32, #tpu.memory_space<hbm>>
        tpu.enqueue_dma source(%dma_start3A_785 : memref<8x256xi32, #tpu.memory_space<hbm>>) target(%dma_start3A_783 : memref<8x256xi32, #tpu.memory_space<vmem>>) target_semaphore(%arg11 : memref<!tpu.dma_semaphore, #tpu.memory_space<semaphore_mem>>)
      } else {
      }
      %add3A_372 = arith.constant 1 : i32
      %add3A_373 = arith.addi %scan3A_288, %add3A_372 : i32
      %lt3A_374 = arith.constant 16 : i32
      %lt3A_375 = arith.cmpi slt, %add3A_373, %lt3A_374 : i32
      %eq3A_376 = arith.constant 1 : i32
      %eq3A_377 = arith.cmpi eq, %select_n3A_323, %eq3A_376 : i32
      %and3A_378 = arith.andi %lt3A_375, %eq3A_377 : i1
      %convert_element_type3A_379 = arith.extui %and3A_378 : i1 to i32
      %cond3A_380 = arith.constant 0 : i32
      %cond3A_381 = arith.cmpi ne, %convert_element_type3A_379, %cond3A_380 : i32
      scf.if %cond3A_381 {
        %add3A_423 = arith.constant 1 : i32
        %add3A_424 = arith.addi %scan3A_288, %add3A_423 : i32
        %jit3A_425 = arith.constant 2 : i32
        %div3A_426 = arith.divsi %add3A_424, %jit3A_425 : i32
        %sign3A_427 = arith.constant 0 : i32
        %sign3A_428 = arith.cmpi sgt, %add3A_424, %sign3A_427 : i32
        %sign3A_429 = arith.extui %sign3A_428 : i1 to i32
        %sign3A_430 = arith.constant 0 : i32
        %sign3A_431 = arith.cmpi slt, %add3A_424, %sign3A_430 : i32
        %sign3A_432 = arith.extui %sign3A_431 : i1 to i32
        %sign3A_433 = arith.subi %sign3A_429, %sign3A_432 : i32
        %sign3A_434 = arith.constant 0 : i32
        %sign3A_435 = arith.cmpi sgt, %jit3A_425, %sign3A_434 : i32
        %sign3A_436 = arith.extui %sign3A_435 : i1 to i32
        %sign3A_437 = arith.constant 0 : i32
        %sign3A_438 = arith.cmpi slt, %jit3A_425, %sign3A_437 : i32
        %sign3A_439 = arith.extui %sign3A_438 : i1 to i32
        %sign3A_440 = arith.subi %sign3A_436, %sign3A_439 : i32
        %ne3A_441 = arith.cmpi ne, %sign3A_433, %sign3A_440 : i32
        %rem3A_442 = arith.remsi %add3A_424, %jit3A_425 : i32
        %ne3A_443 = arith.constant 0 : i32
        %ne3A_444 = arith.cmpi ne, %rem3A_442, %ne3A_443 : i32
        %and3A_445 = arith.andi %ne3A_441, %ne3A_444 : i1
        %sub3A_446 = arith.constant 1 : i32
        %sub3A_447 = arith.subi %div3A_426, %sub3A_446 : i32
        %select_n3A_448 = arith.select %and3A_445, %sub3A_447, %div3A_426 : i32
        %mul3A_449 = arith.constant 2 : i32
        %mul3A_450 = arith.muli %add3A, %mul3A_449 : i32
        %jit3A_451 = arith.constant 2 : i32
        %eq3A_452 = arith.constant 0 : i32
        %eq3A_453 = arith.cmpi eq, %jit3A_451, %eq3A_452 : i32
        %jit3A_454 = arith.constant 1 : i32
        %select_n3A_455 = arith.select %eq3A_453, %jit3A_454, %jit3A_451 : i32
        %rem3A_456 = arith.remsi %add3A_424, %select_n3A_455 : i32
        %ne3A_457 = arith.constant 0 : i32
        %ne3A_458 = arith.cmpi ne, %rem3A_456, %ne3A_457 : i32
        %lt3A_459 = arith.constant 0 : i32
        %lt3A_460 = arith.cmpi slt, %rem3A_456, %lt3A_459 : i32
        %lt3A_461 = arith.constant 0 : i32
        %lt3A_462 = arith.cmpi slt, %select_n3A_455, %lt3A_461 : i32
        %ne3A_463 = arith.xori %lt3A_460, %lt3A_462 : i1
        %and3A_464 = arith.andi %ne3A_463, %ne3A_458 : i1
        %add3A_465 = arith.addi %rem3A_456, %select_n3A_455 : i32
        %select_n3A_466 = arith.select %and3A_464, %add3A_465, %rem3A_456 : i32
        %add3A_467 = arith.addi %mul3A_450, %select_n3A_466 : i32
        %jit3A_468 = arith.constant 2 : i32
        %div3A_469 = arith.divsi %add3A_467, %jit3A_468 : i32
        %sign3A_470 = arith.constant 0 : i32
        %sign3A_471 = arith.cmpi sgt, %add3A_467, %sign3A_470 : i32
        %sign3A_472 = arith.extui %sign3A_471 : i1 to i32
        %sign3A_473 = arith.constant 0 : i32
        %sign3A_474 = arith.cmpi slt, %add3A_467, %sign3A_473 : i32
        %sign3A_475 = arith.extui %sign3A_474 : i1 to i32
        %sign3A_476 = arith.subi %sign3A_472, %sign3A_475 : i32
        %sign3A_477 = arith.constant 0 : i32
        %sign3A_478 = arith.cmpi sgt, %jit3A_468, %sign3A_477 : i32
        %sign3A_479 = arith.extui %sign3A_478 : i1 to i32
        %sign3A_480 = arith.constant 0 : i32
        %sign3A_481 = arith.cmpi slt, %jit3A_468, %sign3A_480 : i32
        %sign3A_482 = arith.extui %sign3A_481 : i1 to i32
        %sign3A_483 = arith.subi %sign3A_479, %sign3A_482 : i32
        %ne3A_484 = arith.cmpi ne, %sign3A_476, %sign3A_483 : i32
        %rem3A_485 = arith.remsi %add3A_467, %jit3A_468 : i32
        %ne3A_486 = arith.constant 0 : i32
        %ne3A_487 = arith.cmpi ne, %rem3A_485, %ne3A_486 : i32
        %and3A_488 = arith.andi %ne3A_484, %ne3A_487 : i1
        %sub3A_489 = arith.constant 1 : i32
        %sub3A_490 = arith.subi %div3A_469, %sub3A_489 : i32
        %select_n3A_491 = arith.select %and3A_488, %sub3A_490, %div3A_469 : i32
        %mul3A_492 = arith.constant 8 : i32
        %mul3A_493 = arith.muli %select_n3A_491, %mul3A_492 : i32
        %jit3A_494 = arith.constant 2 : i32
        %eq3A_495 = arith.constant 0 : i32
        %eq3A_496 = arith.cmpi eq, %jit3A_494, %eq3A_495 : i32
        %jit3A_497 = arith.constant 1 : i32
        %select_n3A_498 = arith.select %eq3A_496, %jit3A_497, %jit3A_494 : i32
        %rem3A_499 = arith.remsi %add3A_467, %select_n3A_498 : i32
        %ne3A_500 = arith.constant 0 : i32
        %ne3A_501 = arith.cmpi ne, %rem3A_499, %ne3A_500 : i32
        %lt3A_502 = arith.constant 0 : i32
        %lt3A_503 = arith.cmpi slt, %rem3A_499, %lt3A_502 : i32
        %lt3A_504 = arith.constant 0 : i32
        %lt3A_505 = arith.cmpi slt, %select_n3A_498, %lt3A_504 : i32
        %ne3A_506 = arith.xori %lt3A_503, %lt3A_505 : i1
        %and3A_507 = arith.andi %ne3A_506, %ne3A_501 : i1
        %add3A_508 = arith.addi %rem3A_499, %select_n3A_498 : i32
        %select_n3A_509 = arith.select %and3A_507, %add3A_508, %rem3A_499 : i32
        %mul3A_510 = arith.constant 256 : i32
        %mul3A_511 = arith.muli %select_n3A_509, %mul3A_510 : i32
        %jit3A_512 = arith.constant 2 : i32
        %eq3A_513 = arith.constant 0 : i32
        %eq3A_514 = arith.cmpi eq, %jit3A_512, %eq3A_513 : i32
        %jit3A_515 = arith.constant 1 : i32
        %select_n3A_516 = arith.select %eq3A_514, %jit3A_515, %jit3A_512 : i32
        %rem3A_517 = arith.remsi %add3A_424, %select_n3A_516 : i32
        %ne3A_518 = arith.constant 0 : i32
        %ne3A_519 = arith.cmpi ne, %rem3A_517, %ne3A_518 : i32
        %lt3A_520 = arith.constant 0 : i32
        %lt3A_521 = arith.cmpi slt, %rem3A_517, %lt3A_520 : i32
        %lt3A_522 = arith.constant 0 : i32
        %lt3A_523 = arith.cmpi slt, %select_n3A_516, %lt3A_522 : i32
        %ne3A_524 = arith.xori %lt3A_521, %lt3A_523 : i1
        %and3A_525 = arith.andi %ne3A_524, %ne3A_519 : i1
        %add3A_526 = arith.addi %rem3A_517, %select_n3A_516 : i32
        %select_n3A_527 = arith.select %and3A_525, %add3A_526, %rem3A_517 : i32
        %mul3A_528 = arith.constant 152 : i32
        %mul3A_529 = arith.muli %select_n3A_527, %mul3A_528 : i32
        %add3A_530 = arith.constant 0 : i32
        %add3A_531 = arith.addi %mul3A_529, %add3A_530 : i32
        %dma_start3A_532 = arith.constant 0 : i32
        %dma_start3A_533 = arith.constant 0 : i32
        %dma_start3A_534 = tpu.memref_slice %arg5[%add3A_531, %dma_start3A_533] : memref<304x256xf32, #tpu.memory_space<vmem>> -> memref<8x256xf32, #tpu.memory_space<vmem>>
        %dma_start3A_535 = tpu.memref_slice %arg2[%select_n3A_448, %dma_start3A_532, %mul3A_493, %mul3A_511] : memref<8x19x512x512xf32, #tpu.memory_space<hbm>> -> memref<1x1x8x256xf32, #tpu.memory_space<hbm>>
        %dma_start3A_536 = tpu.memref_squeeze %dma_start3A_535 : memref<1x1x8x256xf32, #tpu.memory_space<hbm>> -> memref<8x256xf32, #tpu.memory_space<hbm>>
        %dma_start3A_537 = arith.constant 0 : i32
        %dma_start3A_538 = tpu.memref_slice %arg5[%add3A_531, %dma_start3A_537] : memref<304x256xf32, #tpu.memory_space<vmem>> -> memref<8x256xf32, #tpu.memory_space<vmem>>
        %dma_start3A_539 = tpu.memref_slice %arg2[%select_n3A_448, %dma_start3A_532, %mul3A_493, %mul3A_511] : memref<8x19x512x512xf32, #tpu.memory_space<hbm>> -> memref<1x1x8x256xf32, #tpu.memory_space<hbm>>
        %dma_start3A_540 = tpu.memref_squeeze %dma_start3A_539 : memref<1x1x8x256xf32, #tpu.memory_space<hbm>> -> memref<8x256xf32, #tpu.memory_space<hbm>>
        tpu.enqueue_dma source(%dma_start3A_540 : memref<8x256xf32, #tpu.memory_space<hbm>>) target(%dma_start3A_538 : memref<8x256xf32, #tpu.memory_space<vmem>>) target_semaphore(%arg10 : memref<!tpu.dma_semaphore, #tpu.memory_space<semaphore_mem>>)
        %mul3A_541 = arith.constant 152 : i32
        %mul3A_542 = arith.muli %select_n3A_527, %mul3A_541 : i32
        %add3A_543 = arith.constant 8 : i32
        %add3A_544 = arith.addi %mul3A_542, %add3A_543 : i32
        %dma_start3A_545 = arith.constant 1 : i32
        %dma_start3A_546 = arith.constant 0 : i32
        %dma_start3A_547 = tpu.memref_slice %arg5[%add3A_544, %dma_start3A_546] : memref<304x256xf32, #tpu.memory_space<vmem>> -> memref<8x256xf32, #tpu.memory_space<vmem>>
        %dma_start3A_548 = tpu.memref_slice %arg2[%select_n3A_448, %dma_start3A_545, %mul3A_493, %mul3A_511] : memref<8x19x512x512xf32, #tpu.memory_space<hbm>> -> memref<1x1x8x256xf32, #tpu.memory_space<hbm>>
        %dma_start3A_549 = tpu.memref_squeeze %dma_start3A_548 : memref<1x1x8x256xf32, #tpu.memory_space<hbm>> -> memref<8x256xf32, #tpu.memory_space<hbm>>
        %dma_start3A_550 = arith.constant 0 : i32
        %dma_start3A_551 = tpu.memref_slice %arg5[%add3A_544, %dma_start3A_550] : memref<304x256xf32, #tpu.memory_space<vmem>> -> memref<8x256xf32, #tpu.memory_space<vmem>>
        %dma_start3A_552 = tpu.memref_slice %arg2[%select_n3A_448, %dma_start3A_545, %mul3A_493, %mul3A_511] : memref<8x19x512x512xf32, #tpu.memory_space<hbm>> -> memref<1x1x8x256xf32, #tpu.memory_space<hbm>>
        %dma_start3A_553 = tpu.memref_squeeze %dma_start3A_552 : memref<1x1x8x256xf32, #tpu.memory_space<hbm>> -> memref<8x256xf32, #tpu.memory_space<hbm>>
        tpu.enqueue_dma source(%dma_start3A_553 : memref<8x256xf32, #tpu.memory_space<hbm>>) target(%dma_start3A_551 : memref<8x256xf32, #tpu.memory_space<vmem>>) target_semaphore(%arg10 : memref<!tpu.dma_semaphore, #tpu.memory_space<semaphore_mem>>)
        %mul3A_554 = arith.constant 152 : i32
        %mul3A_555 = arith.muli %select_n3A_527, %mul3A_554 : i32
        %add3A_556 = arith.constant 16 : i32
        %add3A_557 = arith.addi %mul3A_555, %add3A_556 : i32
        %dma_start3A_558 = arith.constant 2 : i32
        %dma_start3A_559 = arith.constant 0 : i32
        %dma_start3A_560 = tpu.memref_slice %arg5[%add3A_557, %dma_start3A_559] : memref<304x256xf32, #tpu.memory_space<vmem>> -> memref<8x256xf32, #tpu.memory_space<vmem>>
        %dma_start3A_561 = tpu.memref_slice %arg2[%select_n3A_448, %dma_start3A_558, %mul3A_493, %mul3A_511] : memref<8x19x512x512xf32, #tpu.memory_space<hbm>> -> memref<1x1x8x256xf32, #tpu.memory_space<hbm>>
        %dma_start3A_562 = tpu.memref_squeeze %dma_start3A_561 : memref<1x1x8x256xf32, #tpu.memory_space<hbm>> -> memref<8x256xf32, #tpu.memory_space<hbm>>
        %dma_start3A_563 = arith.constant 0 : i32
        %dma_start3A_564 = tpu.memref_slice %arg5[%add3A_557, %dma_start3A_563] : memref<304x256xf32, #tpu.memory_space<vmem>> -> memref<8x256xf32, #tpu.memory_space<vmem>>
        %dma_start3A_565 = tpu.memref_slice %arg2[%select_n3A_448, %dma_start3A_558, %mul3A_493, %mul3A_511] : memref<8x19x512x512xf32, #tpu.memory_space<hbm>> -> memref<1x1x8x256xf32, #tpu.memory_space<hbm>>
        %dma_start3A_566 = tpu.memref_squeeze %dma_start3A_565 : memref<1x1x8x256xf32, #tpu.memory_space<hbm>> -> memref<8x256xf32, #tpu.memory_space<hbm>>
        tpu.enqueue_dma source(%dma_start3A_566 : memref<8x256xf32, #tpu.memory_space<hbm>>) target(%dma_start3A_564 : memref<8x256xf32, #tpu.memory_space<vmem>>) target_semaphore(%arg10 : memref<!tpu.dma_semaphore, #tpu.memory_space<semaphore_mem>>)
        %mul3A_567 = arith.constant 152 : i32
        %mul3A_568 = arith.muli %select_n3A_527, %mul3A_567 : i32
        %add3A_569 = arith.constant 24 : i32
        %add3A_570 = arith.addi %mul3A_568, %add3A_569 : i32
        %dma_start3A_571 = arith.constant 3 : i32
        %dma_start3A_572 = arith.constant 0 : i32
        %dma_start3A_573 = tpu.memref_slice %arg5[%add3A_570, %dma_start3A_572] : memref<304x256xf32, #tpu.memory_space<vmem>> -> memref<8x256xf32, #tpu.memory_space<vmem>>
        %dma_start3A_574 = tpu.memref_slice %arg2[%select_n3A_448, %dma_start3A_571, %mul3A_493, %mul3A_511] : memref<8x19x512x512xf32, #tpu.memory_space<hbm>> -> memref<1x1x8x256xf32, #tpu.memory_space<hbm>>
        %dma_start3A_575 = tpu.memref_squeeze %dma_start3A_574 : memref<1x1x8x256xf32, #tpu.memory_space<hbm>> -> memref<8x256xf32, #tpu.memory_space<hbm>>
        %dma_start3A_576 = arith.constant 0 : i32
        %dma_start3A_577 = tpu.memref_slice %arg5[%add3A_570, %dma_start3A_576] : memref<304x256xf32, #tpu.memory_space<vmem>> -> memref<8x256xf32, #tpu.memory_space<vmem>>
        %dma_start3A_578 = tpu.memref_slice %arg2[%select_n3A_448, %dma_start3A_571, %mul3A_493, %mul3A_511] : memref<8x19x512x512xf32, #tpu.memory_space<hbm>> -> memref<1x1x8x256xf32, #tpu.memory_space<hbm>>
        %dma_start3A_579 = tpu.memref_squeeze %dma_start3A_578 : memref<1x1x8x256xf32, #tpu.memory_space<hbm>> -> memref<8x256xf32, #tpu.memory_space<hbm>>
        tpu.enqueue_dma source(%dma_start3A_579 : memref<8x256xf32, #tpu.memory_space<hbm>>) target(%dma_start3A_577 : memref<8x256xf32, #tpu.memory_space<vmem>>) target_semaphore(%arg10 : memref<!tpu.dma_semaphore, #tpu.memory_space<semaphore_mem>>)
        %mul3A_580 = arith.constant 152 : i32
        %mul3A_581 = arith.muli %select_n3A_527, %mul3A_580 : i32
        %add3A_582 = arith.constant 32 : i32
        %add3A_583 = arith.addi %mul3A_581, %add3A_582 : i32
        %dma_start3A_584 = arith.constant 4 : i32
        %dma_start3A_585 = arith.constant 0 : i32
        %dma_start3A_586 = tpu.memref_slice %arg5[%add3A_583, %dma_start3A_585] : memref<304x256xf32, #tpu.memory_space<vmem>> -> memref<8x256xf32, #tpu.memory_space<vmem>>
        %dma_start3A_587 = tpu.memref_slice %arg2[%select_n3A_448, %dma_start3A_584, %mul3A_493, %mul3A_511] : memref<8x19x512x512xf32, #tpu.memory_space<hbm>> -> memref<1x1x8x256xf32, #tpu.memory_space<hbm>>
        %dma_start3A_588 = tpu.memref_squeeze %dma_start3A_587 : memref<1x1x8x256xf32, #tpu.memory_space<hbm>> -> memref<8x256xf32, #tpu.memory_space<hbm>>
        %dma_start3A_589 = arith.constant 0 : i32
        %dma_start3A_590 = tpu.memref_slice %arg5[%add3A_583, %dma_start3A_589] : memref<304x256xf32, #tpu.memory_space<vmem>> -> memref<8x256xf32, #tpu.memory_space<vmem>>
        %dma_start3A_591 = tpu.memref_slice %arg2[%select_n3A_448, %dma_start3A_584, %mul3A_493, %mul3A_511] : memref<8x19x512x512xf32, #tpu.memory_space<hbm>> -> memref<1x1x8x256xf32, #tpu.memory_space<hbm>>
        %dma_start3A_592 = tpu.memref_squeeze %dma_start3A_591 : memref<1x1x8x256xf32, #tpu.memory_space<hbm>> -> memref<8x256xf32, #tpu.memory_space<hbm>>
        tpu.enqueue_dma source(%dma_start3A_592 : memref<8x256xf32, #tpu.memory_space<hbm>>) target(%dma_start3A_590 : memref<8x256xf32, #tpu.memory_space<vmem>>) target_semaphore(%arg10 : memref<!tpu.dma_semaphore, #tpu.memory_space<semaphore_mem>>)
        %mul3A_593 = arith.constant 152 : i32
        %mul3A_594 = arith.muli %select_n3A_527, %mul3A_593 : i32
        %add3A_595 = arith.constant 40 : i32
        %add3A_596 = arith.addi %mul3A_594, %add3A_595 : i32
        %dma_start3A_597 = arith.constant 5 : i32
        %dma_start3A_598 = arith.constant 0 : i32
        %dma_start3A_599 = tpu.memref_slice %arg5[%add3A_596, %dma_start3A_598] : memref<304x256xf32, #tpu.memory_space<vmem>> -> memref<8x256xf32, #tpu.memory_space<vmem>>
        %dma_start3A_600 = tpu.memref_slice %arg2[%select_n3A_448, %dma_start3A_597, %mul3A_493, %mul3A_511] : memref<8x19x512x512xf32, #tpu.memory_space<hbm>> -> memref<1x1x8x256xf32, #tpu.memory_space<hbm>>
        %dma_start3A_601 = tpu.memref_squeeze %dma_start3A_600 : memref<1x1x8x256xf32, #tpu.memory_space<hbm>> -> memref<8x256xf32, #tpu.memory_space<hbm>>
        %dma_start3A_602 = arith.constant 0 : i32
        %dma_start3A_603 = tpu.memref_slice %arg5[%add3A_596, %dma_start3A_602] : memref<304x256xf32, #tpu.memory_space<vmem>> -> memref<8x256xf32, #tpu.memory_space<vmem>>
        %dma_start3A_604 = tpu.memref_slice %arg2[%select_n3A_448, %dma_start3A_597, %mul3A_493, %mul3A_511] : memref<8x19x512x512xf32, #tpu.memory_space<hbm>> -> memref<1x1x8x256xf32, #tpu.memory_space<hbm>>
        %dma_start3A_605 = tpu.memref_squeeze %dma_start3A_604 : memref<1x1x8x256xf32, #tpu.memory_space<hbm>> -> memref<8x256xf32, #tpu.memory_space<hbm>>
        tpu.enqueue_dma source(%dma_start3A_605 : memref<8x256xf32, #tpu.memory_space<hbm>>) target(%dma_start3A_603 : memref<8x256xf32, #tpu.memory_space<vmem>>) target_semaphore(%arg10 : memref<!tpu.dma_semaphore, #tpu.memory_space<semaphore_mem>>)
        %mul3A_606 = arith.constant 152 : i32
        %mul3A_607 = arith.muli %select_n3A_527, %mul3A_606 : i32
        %add3A_608 = arith.constant 48 : i32
        %add3A_609 = arith.addi %mul3A_607, %add3A_608 : i32
        %dma_start3A_610 = arith.constant 6 : i32
        %dma_start3A_611 = arith.constant 0 : i32
        %dma_start3A_612 = tpu.memref_slice %arg5[%add3A_609, %dma_start3A_611] : memref<304x256xf32, #tpu.memory_space<vmem>> -> memref<8x256xf32, #tpu.memory_space<vmem>>
        %dma_start3A_613 = tpu.memref_slice %arg2[%select_n3A_448, %dma_start3A_610, %mul3A_493, %mul3A_511] : memref<8x19x512x512xf32, #tpu.memory_space<hbm>> -> memref<1x1x8x256xf32, #tpu.memory_space<hbm>>
        %dma_start3A_614 = tpu.memref_squeeze %dma_start3A_613 : memref<1x1x8x256xf32, #tpu.memory_space<hbm>> -> memref<8x256xf32, #tpu.memory_space<hbm>>
        %dma_start3A_615 = arith.constant 0 : i32
        %dma_start3A_616 = tpu.memref_slice %arg5[%add3A_609, %dma_start3A_615] : memref<304x256xf32, #tpu.memory_space<vmem>> -> memref<8x256xf32, #tpu.memory_space<vmem>>
        %dma_start3A_617 = tpu.memref_slice %arg2[%select_n3A_448, %dma_start3A_610, %mul3A_493, %mul3A_511] : memref<8x19x512x512xf32, #tpu.memory_space<hbm>> -> memref<1x1x8x256xf32, #tpu.memory_space<hbm>>
        %dma_start3A_618 = tpu.memref_squeeze %dma_start3A_617 : memref<1x1x8x256xf32, #tpu.memory_space<hbm>> -> memref<8x256xf32, #tpu.memory_space<hbm>>
        tpu.enqueue_dma source(%dma_start3A_618 : memref<8x256xf32, #tpu.memory_space<hbm>>) target(%dma_start3A_616 : memref<8x256xf32, #tpu.memory_space<vmem>>) target_semaphore(%arg10 : memref<!tpu.dma_semaphore, #tpu.memory_space<semaphore_mem>>)
        %mul3A_619 = arith.constant 152 : i32
        %mul3A_620 = arith.muli %select_n3A_527, %mul3A_619 : i32
        %add3A_621 = arith.constant 56 : i32
        %add3A_622 = arith.addi %mul3A_620, %add3A_621 : i32
        %dma_start3A_623 = arith.constant 7 : i32
        %dma_start3A_624 = arith.constant 0 : i32
        %dma_start3A_625 = tpu.memref_slice %arg5[%add3A_622, %dma_start3A_624] : memref<304x256xf32, #tpu.memory_space<vmem>> -> memref<8x256xf32, #tpu.memory_space<vmem>>
        %dma_start3A_626 = tpu.memref_slice %arg2[%select_n3A_448, %dma_start3A_623, %mul3A_493, %mul3A_511] : memref<8x19x512x512xf32, #tpu.memory_space<hbm>> -> memref<1x1x8x256xf32, #tpu.memory_space<hbm>>
        %dma_start3A_627 = tpu.memref_squeeze %dma_start3A_626 : memref<1x1x8x256xf32, #tpu.memory_space<hbm>> -> memref<8x256xf32, #tpu.memory_space<hbm>>
        %dma_start3A_628 = arith.constant 0 : i32
        %dma_start3A_629 = tpu.memref_slice %arg5[%add3A_622, %dma_start3A_628] : memref<304x256xf32, #tpu.memory_space<vmem>> -> memref<8x256xf32, #tpu.memory_space<vmem>>
        %dma_start3A_630 = tpu.memref_slice %arg2[%select_n3A_448, %dma_start3A_623, %mul3A_493, %mul3A_511] : memref<8x19x512x512xf32, #tpu.memory_space<hbm>> -> memref<1x1x8x256xf32, #tpu.memory_space<hbm>>
        %dma_start3A_631 = tpu.memref_squeeze %dma_start3A_630 : memref<1x1x8x256xf32, #tpu.memory_space<hbm>> -> memref<8x256xf32, #tpu.memory_space<hbm>>
        tpu.enqueue_dma source(%dma_start3A_631 : memref<8x256xf32, #tpu.memory_space<hbm>>) target(%dma_start3A_629 : memref<8x256xf32, #tpu.memory_space<vmem>>) target_semaphore(%arg10 : memref<!tpu.dma_semaphore, #tpu.memory_space<semaphore_mem>>)
        %mul3A_632 = arith.constant 152 : i32
        %mul3A_633 = arith.muli %select_n3A_527, %mul3A_632 : i32
        %add3A_634 = arith.constant 64 : i32
        %add3A_635 = arith.addi %mul3A_633, %add3A_634 : i32
        %dma_start3A_636 = arith.constant 8 : i32
        %dma_start3A_637 = arith.constant 0 : i32
        %dma_start3A_638 = tpu.memref_slice %arg5[%add3A_635, %dma_start3A_637] : memref<304x256xf32, #tpu.memory_space<vmem>> -> memref<8x256xf32, #tpu.memory_space<vmem>>
        %dma_start3A_639 = tpu.memref_slice %arg2[%select_n3A_448, %dma_start3A_636, %mul3A_493, %mul3A_511] : memref<8x19x512x512xf32, #tpu.memory_space<hbm>> -> memref<1x1x8x256xf32, #tpu.memory_space<hbm>>
        %dma_start3A_640 = tpu.memref_squeeze %dma_start3A_639 : memref<1x1x8x256xf32, #tpu.memory_space<hbm>> -> memref<8x256xf32, #tpu.memory_space<hbm>>
        %dma_start3A_641 = arith.constant 0 : i32
        %dma_start3A_642 = tpu.memref_slice %arg5[%add3A_635, %dma_start3A_641] : memref<304x256xf32, #tpu.memory_space<vmem>> -> memref<8x256xf32, #tpu.memory_space<vmem>>
        %dma_start3A_643 = tpu.memref_slice %arg2[%select_n3A_448, %dma_start3A_636, %mul3A_493, %mul3A_511] : memref<8x19x512x512xf32, #tpu.memory_space<hbm>> -> memref<1x1x8x256xf32, #tpu.memory_space<hbm>>
        %dma_start3A_644 = tpu.memref_squeeze %dma_start3A_643 : memref<1x1x8x256xf32, #tpu.memory_space<hbm>> -> memref<8x256xf32, #tpu.memory_space<hbm>>
        tpu.enqueue_dma source(%dma_start3A_644 : memref<8x256xf32, #tpu.memory_space<hbm>>) target(%dma_start3A_642 : memref<8x256xf32, #tpu.memory_space<vmem>>) target_semaphore(%arg10 : memref<!tpu.dma_semaphore, #tpu.memory_space<semaphore_mem>>)
        %mul3A_645 = arith.constant 152 : i32
        %mul3A_646 = arith.muli %select_n3A_527, %mul3A_645 : i32
        %add3A_647 = arith.constant 72 : i32
        %add3A_648 = arith.addi %mul3A_646, %add3A_647 : i32
        %dma_start3A_649 = arith.constant 9 : i32
        %dma_start3A_650 = arith.constant 0 : i32
        %dma_start3A_651 = tpu.memref_slice %arg5[%add3A_648, %dma_start3A_650] : memref<304x256xf32, #tpu.memory_space<vmem>> -> memref<8x256xf32, #tpu.memory_space<vmem>>
        %dma_start3A_652 = tpu.memref_slice %arg2[%select_n3A_448, %dma_start3A_649, %mul3A_493, %mul3A_511] : memref<8x19x512x512xf32, #tpu.memory_space<hbm>> -> memref<1x1x8x256xf32, #tpu.memory_space<hbm>>
        %dma_start3A_653 = tpu.memref_squeeze %dma_start3A_652 : memref<1x1x8x256xf32, #tpu.memory_space<hbm>> -> memref<8x256xf32, #tpu.memory_space<hbm>>
        %dma_start3A_654 = arith.constant 0 : i32
        %dma_start3A_655 = tpu.memref_slice %arg5[%add3A_648, %dma_start3A_654] : memref<304x256xf32, #tpu.memory_space<vmem>> -> memref<8x256xf32, #tpu.memory_space<vmem>>
        %dma_start3A_656 = tpu.memref_slice %arg2[%select_n3A_448, %dma_start3A_649, %mul3A_493, %mul3A_511] : memref<8x19x512x512xf32, #tpu.memory_space<hbm>> -> memref<1x1x8x256xf32, #tpu.memory_space<hbm>>
        %dma_start3A_657 = tpu.memref_squeeze %dma_start3A_656 : memref<1x1x8x256xf32, #tpu.memory_space<hbm>> -> memref<8x256xf32, #tpu.memory_space<hbm>>
        tpu.enqueue_dma source(%dma_start3A_657 : memref<8x256xf32, #tpu.memory_space<hbm>>) target(%dma_start3A_655 : memref<8x256xf32, #tpu.memory_space<vmem>>) target_semaphore(%arg10 : memref<!tpu.dma_semaphore, #tpu.memory_space<semaphore_mem>>)
        %mul3A_658 = arith.constant 152 : i32
        %mul3A_659 = arith.muli %select_n3A_527, %mul3A_658 : i32
        %add3A_660 = arith.constant 80 : i32
        %add3A_661 = arith.addi %mul3A_659, %add3A_660 : i32
        %dma_start3A_662 = arith.constant 10 : i32
        %dma_start3A_663 = arith.constant 0 : i32
        %dma_start3A_664 = tpu.memref_slice %arg5[%add3A_661, %dma_start3A_663] : memref<304x256xf32, #tpu.memory_space<vmem>> -> memref<8x256xf32, #tpu.memory_space<vmem>>
        %dma_start3A_665 = tpu.memref_slice %arg2[%select_n3A_448, %dma_start3A_662, %mul3A_493, %mul3A_511] : memref<8x19x512x512xf32, #tpu.memory_space<hbm>> -> memref<1x1x8x256xf32, #tpu.memory_space<hbm>>
        %dma_start3A_666 = tpu.memref_squeeze %dma_start3A_665 : memref<1x1x8x256xf32, #tpu.memory_space<hbm>> -> memref<8x256xf32, #tpu.memory_space<hbm>>
        %dma_start3A_667 = arith.constant 0 : i32
        %dma_start3A_668 = tpu.memref_slice %arg5[%add3A_661, %dma_start3A_667] : memref<304x256xf32, #tpu.memory_space<vmem>> -> memref<8x256xf32, #tpu.memory_space<vmem>>
        %dma_start3A_669 = tpu.memref_slice %arg2[%select_n3A_448, %dma_start3A_662, %mul3A_493, %mul3A_511] : memref<8x19x512x512xf32, #tpu.memory_space<hbm>> -> memref<1x1x8x256xf32, #tpu.memory_space<hbm>>
        %dma_start3A_670 = tpu.memref_squeeze %dma_start3A_669 : memref<1x1x8x256xf32, #tpu.memory_space<hbm>> -> memref<8x256xf32, #tpu.memory_space<hbm>>
        tpu.enqueue_dma source(%dma_start3A_670 : memref<8x256xf32, #tpu.memory_space<hbm>>) target(%dma_start3A_668 : memref<8x256xf32, #tpu.memory_space<vmem>>) target_semaphore(%arg10 : memref<!tpu.dma_semaphore, #tpu.memory_space<semaphore_mem>>)
        %mul3A_671 = arith.constant 152 : i32
        %mul3A_672 = arith.muli %select_n3A_527, %mul3A_671 : i32
        %add3A_673 = arith.constant 88 : i32
        %add3A_674 = arith.addi %mul3A_672, %add3A_673 : i32
        %dma_start3A_675 = arith.constant 11 : i32
        %dma_start3A_676 = arith.constant 0 : i32
        %dma_start3A_677 = tpu.memref_slice %arg5[%add3A_674, %dma_start3A_676] : memref<304x256xf32, #tpu.memory_space<vmem>> -> memref<8x256xf32, #tpu.memory_space<vmem>>
        %dma_start3A_678 = tpu.memref_slice %arg2[%select_n3A_448, %dma_start3A_675, %mul3A_493, %mul3A_511] : memref<8x19x512x512xf32, #tpu.memory_space<hbm>> -> memref<1x1x8x256xf32, #tpu.memory_space<hbm>>
        %dma_start3A_679 = tpu.memref_squeeze %dma_start3A_678 : memref<1x1x8x256xf32, #tpu.memory_space<hbm>> -> memref<8x256xf32, #tpu.memory_space<hbm>>
        %dma_start3A_680 = arith.constant 0 : i32
        %dma_start3A_681 = tpu.memref_slice %arg5[%add3A_674, %dma_start3A_680] : memref<304x256xf32, #tpu.memory_space<vmem>> -> memref<8x256xf32, #tpu.memory_space<vmem>>
        %dma_start3A_682 = tpu.memref_slice %arg2[%select_n3A_448, %dma_start3A_675, %mul3A_493, %mul3A_511] : memref<8x19x512x512xf32, #tpu.memory_space<hbm>> -> memref<1x1x8x256xf32, #tpu.memory_space<hbm>>
        %dma_start3A_683 = tpu.memref_squeeze %dma_start3A_682 : memref<1x1x8x256xf32, #tpu.memory_space<hbm>> -> memref<8x256xf32, #tpu.memory_space<hbm>>
        tpu.enqueue_dma source(%dma_start3A_683 : memref<8x256xf32, #tpu.memory_space<hbm>>) target(%dma_start3A_681 : memref<8x256xf32, #tpu.memory_space<vmem>>) target_semaphore(%arg10 : memref<!tpu.dma_semaphore, #tpu.memory_space<semaphore_mem>>)
        %mul3A_684 = arith.constant 152 : i32
        %mul3A_685 = arith.muli %select_n3A_527, %mul3A_684 : i32
        %add3A_686 = arith.constant 96 : i32
        %add3A_687 = arith.addi %mul3A_685, %add3A_686 : i32
        %dma_start3A_688 = arith.constant 12 : i32
        %dma_start3A_689 = arith.constant 0 : i32
        %dma_start3A_690 = tpu.memref_slice %arg5[%add3A_687, %dma_start3A_689] : memref<304x256xf32, #tpu.memory_space<vmem>> -> memref<8x256xf32, #tpu.memory_space<vmem>>
        %dma_start3A_691 = tpu.memref_slice %arg2[%select_n3A_448, %dma_start3A_688, %mul3A_493, %mul3A_511] : memref<8x19x512x512xf32, #tpu.memory_space<hbm>> -> memref<1x1x8x256xf32, #tpu.memory_space<hbm>>
        %dma_start3A_692 = tpu.memref_squeeze %dma_start3A_691 : memref<1x1x8x256xf32, #tpu.memory_space<hbm>> -> memref<8x256xf32, #tpu.memory_space<hbm>>
        %dma_start3A_693 = arith.constant 0 : i32
        %dma_start3A_694 = tpu.memref_slice %arg5[%add3A_687, %dma_start3A_693] : memref<304x256xf32, #tpu.memory_space<vmem>> -> memref<8x256xf32, #tpu.memory_space<vmem>>
        %dma_start3A_695 = tpu.memref_slice %arg2[%select_n3A_448, %dma_start3A_688, %mul3A_493, %mul3A_511] : memref<8x19x512x512xf32, #tpu.memory_space<hbm>> -> memref<1x1x8x256xf32, #tpu.memory_space<hbm>>
        %dma_start3A_696 = tpu.memref_squeeze %dma_start3A_695 : memref<1x1x8x256xf32, #tpu.memory_space<hbm>> -> memref<8x256xf32, #tpu.memory_space<hbm>>
        tpu.enqueue_dma source(%dma_start3A_696 : memref<8x256xf32, #tpu.memory_space<hbm>>) target(%dma_start3A_694 : memref<8x256xf32, #tpu.memory_space<vmem>>) target_semaphore(%arg10 : memref<!tpu.dma_semaphore, #tpu.memory_space<semaphore_mem>>)
        %mul3A_697 = arith.constant 152 : i32
        %mul3A_698 = arith.muli %select_n3A_527, %mul3A_697 : i32
        %add3A_699 = arith.constant 104 : i32
        %add3A_700 = arith.addi %mul3A_698, %add3A_699 : i32
        %dma_start3A_701 = arith.constant 13 : i32
        %dma_start3A_702 = arith.constant 0 : i32
        %dma_start3A_703 = tpu.memref_slice %arg5[%add3A_700, %dma_start3A_702] : memref<304x256xf32, #tpu.memory_space<vmem>> -> memref<8x256xf32, #tpu.memory_space<vmem>>
        %dma_start3A_704 = tpu.memref_slice %arg2[%select_n3A_448, %dma_start3A_701, %mul3A_493, %mul3A_511] : memref<8x19x512x512xf32, #tpu.memory_space<hbm>> -> memref<1x1x8x256xf32, #tpu.memory_space<hbm>>
        %dma_start3A_705 = tpu.memref_squeeze %dma_start3A_704 : memref<1x1x8x256xf32, #tpu.memory_space<hbm>> -> memref<8x256xf32, #tpu.memory_space<hbm>>
        %dma_start3A_706 = arith.constant 0 : i32
        %dma_start3A_707 = tpu.memref_slice %arg5[%add3A_700, %dma_start3A_706] : memref<304x256xf32, #tpu.memory_space<vmem>> -> memref<8x256xf32, #tpu.memory_space<vmem>>
        %dma_start3A_708 = tpu.memref_slice %arg2[%select_n3A_448, %dma_start3A_701, %mul3A_493, %mul3A_511] : memref<8x19x512x512xf32, #tpu.memory_space<hbm>> -> memref<1x1x8x256xf32, #tpu.memory_space<hbm>>
        %dma_start3A_709 = tpu.memref_squeeze %dma_start3A_708 : memref<1x1x8x256xf32, #tpu.memory_space<hbm>> -> memref<8x256xf32, #tpu.memory_space<hbm>>
        tpu.enqueue_dma source(%dma_start3A_709 : memref<8x256xf32, #tpu.memory_space<hbm>>) target(%dma_start3A_707 : memref<8x256xf32, #tpu.memory_space<vmem>>) target_semaphore(%arg10 : memref<!tpu.dma_semaphore, #tpu.memory_space<semaphore_mem>>)
        %mul3A_710 = arith.constant 152 : i32
        %mul3A_711 = arith.muli %select_n3A_527, %mul3A_710 : i32
        %add3A_712 = arith.constant 112 : i32
        %add3A_713 = arith.addi %mul3A_711, %add3A_712 : i32
        %dma_start3A_714 = arith.constant 14 : i32
        %dma_start3A_715 = arith.constant 0 : i32
        %dma_start3A_716 = tpu.memref_slice %arg5[%add3A_713, %dma_start3A_715] : memref<304x256xf32, #tpu.memory_space<vmem>> -> memref<8x256xf32, #tpu.memory_space<vmem>>
        %dma_start3A_717 = tpu.memref_slice %arg2[%select_n3A_448, %dma_start3A_714, %mul3A_493, %mul3A_511] : memref<8x19x512x512xf32, #tpu.memory_space<hbm>> -> memref<1x1x8x256xf32, #tpu.memory_space<hbm>>
        %dma_start3A_718 = tpu.memref_squeeze %dma_start3A_717 : memref<1x1x8x256xf32, #tpu.memory_space<hbm>> -> memref<8x256xf32, #tpu.memory_space<hbm>>
        %dma_start3A_719 = arith.constant 0 : i32
        %dma_start3A_720 = tpu.memref_slice %arg5[%add3A_713, %dma_start3A_719] : memref<304x256xf32, #tpu.memory_space<vmem>> -> memref<8x256xf32, #tpu.memory_space<vmem>>
        %dma_start3A_721 = tpu.memref_slice %arg2[%select_n3A_448, %dma_start3A_714, %mul3A_493, %mul3A_511] : memref<8x19x512x512xf32, #tpu.memory_space<hbm>> -> memref<1x1x8x256xf32, #tpu.memory_space<hbm>>
        %dma_start3A_722 = tpu.memref_squeeze %dma_start3A_721 : memref<1x1x8x256xf32, #tpu.memory_space<hbm>> -> memref<8x256xf32, #tpu.memory_space<hbm>>
        tpu.enqueue_dma source(%dma_start3A_722 : memref<8x256xf32, #tpu.memory_space<hbm>>) target(%dma_start3A_720 : memref<8x256xf32, #tpu.memory_space<vmem>>) target_semaphore(%arg10 : memref<!tpu.dma_semaphore, #tpu.memory_space<semaphore_mem>>)
        %mul3A_723 = arith.constant 152 : i32
        %mul3A_724 = arith.muli %select_n3A_527, %mul3A_723 : i32
        %add3A_725 = arith.constant 120 : i32
        %add3A_726 = arith.addi %mul3A_724, %add3A_725 : i32
        %dma_start3A_727 = arith.constant 15 : i32
        %dma_start3A_728 = arith.constant 0 : i32
        %dma_start3A_729 = tpu.memref_slice %arg5[%add3A_726, %dma_start3A_728] : memref<304x256xf32, #tpu.memory_space<vmem>> -> memref<8x256xf32, #tpu.memory_space<vmem>>
        %dma_start3A_730 = tpu.memref_slice %arg2[%select_n3A_448, %dma_start3A_727, %mul3A_493, %mul3A_511] : memref<8x19x512x512xf32, #tpu.memory_space<hbm>> -> memref<1x1x8x256xf32, #tpu.memory_space<hbm>>
        %dma_start3A_731 = tpu.memref_squeeze %dma_start3A_730 : memref<1x1x8x256xf32, #tpu.memory_space<hbm>> -> memref<8x256xf32, #tpu.memory_space<hbm>>
        %dma_start3A_732 = arith.constant 0 : i32
        %dma_start3A_733 = tpu.memref_slice %arg5[%add3A_726, %dma_start3A_732] : memref<304x256xf32, #tpu.memory_space<vmem>> -> memref<8x256xf32, #tpu.memory_space<vmem>>
        %dma_start3A_734 = tpu.memref_slice %arg2[%select_n3A_448, %dma_start3A_727, %mul3A_493, %mul3A_511] : memref<8x19x512x512xf32, #tpu.memory_space<hbm>> -> memref<1x1x8x256xf32, #tpu.memory_space<hbm>>
        %dma_start3A_735 = tpu.memref_squeeze %dma_start3A_734 : memref<1x1x8x256xf32, #tpu.memory_space<hbm>> -> memref<8x256xf32, #tpu.memory_space<hbm>>
        tpu.enqueue_dma source(%dma_start3A_735 : memref<8x256xf32, #tpu.memory_space<hbm>>) target(%dma_start3A_733 : memref<8x256xf32, #tpu.memory_space<vmem>>) target_semaphore(%arg10 : memref<!tpu.dma_semaphore, #tpu.memory_space<semaphore_mem>>)
        %mul3A_736 = arith.constant 152 : i32
        %mul3A_737 = arith.muli %select_n3A_527, %mul3A_736 : i32
        %add3A_738 = arith.constant 128 : i32
        %add3A_739 = arith.addi %mul3A_737, %add3A_738 : i32
        %dma_start3A_740 = arith.constant 16 : i32
        %dma_start3A_741 = arith.constant 0 : i32
        %dma_start3A_742 = tpu.memref_slice %arg5[%add3A_739, %dma_start3A_741] : memref<304x256xf32, #tpu.memory_space<vmem>> -> memref<8x256xf32, #tpu.memory_space<vmem>>
        %dma_start3A_743 = tpu.memref_slice %arg2[%select_n3A_448, %dma_start3A_740, %mul3A_493, %mul3A_511] : memref<8x19x512x512xf32, #tpu.memory_space<hbm>> -> memref<1x1x8x256xf32, #tpu.memory_space<hbm>>
        %dma_start3A_744 = tpu.memref_squeeze %dma_start3A_743 : memref<1x1x8x256xf32, #tpu.memory_space<hbm>> -> memref<8x256xf32, #tpu.memory_space<hbm>>
        %dma_start3A_745 = arith.constant 0 : i32
        %dma_start3A_746 = tpu.memref_slice %arg5[%add3A_739, %dma_start3A_745] : memref<304x256xf32, #tpu.memory_space<vmem>> -> memref<8x256xf32, #tpu.memory_space<vmem>>
        %dma_start3A_747 = tpu.memref_slice %arg2[%select_n3A_448, %dma_start3A_740, %mul3A_493, %mul3A_511] : memref<8x19x512x512xf32, #tpu.memory_space<hbm>> -> memref<1x1x8x256xf32, #tpu.memory_space<hbm>>
        %dma_start3A_748 = tpu.memref_squeeze %dma_start3A_747 : memref<1x1x8x256xf32, #tpu.memory_space<hbm>> -> memref<8x256xf32, #tpu.memory_space<hbm>>
        tpu.enqueue_dma source(%dma_start3A_748 : memref<8x256xf32, #tpu.memory_space<hbm>>) target(%dma_start3A_746 : memref<8x256xf32, #tpu.memory_space<vmem>>) target_semaphore(%arg10 : memref<!tpu.dma_semaphore, #tpu.memory_space<semaphore_mem>>)
        %mul3A_749 = arith.constant 152 : i32
        %mul3A_750 = arith.muli %select_n3A_527, %mul3A_749 : i32
        %add3A_751 = arith.constant 136 : i32
        %add3A_752 = arith.addi %mul3A_750, %add3A_751 : i32
        %dma_start3A_753 = arith.constant 17 : i32
        %dma_start3A_754 = arith.constant 0 : i32
        %dma_start3A_755 = tpu.memref_slice %arg5[%add3A_752, %dma_start3A_754] : memref<304x256xf32, #tpu.memory_space<vmem>> -> memref<8x256xf32, #tpu.memory_space<vmem>>
        %dma_start3A_756 = tpu.memref_slice %arg2[%select_n3A_448, %dma_start3A_753, %mul3A_493, %mul3A_511] : memref<8x19x512x512xf32, #tpu.memory_space<hbm>> -> memref<1x1x8x256xf32, #tpu.memory_space<hbm>>
        %dma_start3A_757 = tpu.memref_squeeze %dma_start3A_756 : memref<1x1x8x256xf32, #tpu.memory_space<hbm>> -> memref<8x256xf32, #tpu.memory_space<hbm>>
        %dma_start3A_758 = arith.constant 0 : i32
        %dma_start3A_759 = tpu.memref_slice %arg5[%add3A_752, %dma_start3A_758] : memref<304x256xf32, #tpu.memory_space<vmem>> -> memref<8x256xf32, #tpu.memory_space<vmem>>
        %dma_start3A_760 = tpu.memref_slice %arg2[%select_n3A_448, %dma_start3A_753, %mul3A_493, %mul3A_511] : memref<8x19x512x512xf32, #tpu.memory_space<hbm>> -> memref<1x1x8x256xf32, #tpu.memory_space<hbm>>
        %dma_start3A_761 = tpu.memref_squeeze %dma_start3A_760 : memref<1x1x8x256xf32, #tpu.memory_space<hbm>> -> memref<8x256xf32, #tpu.memory_space<hbm>>
        tpu.enqueue_dma source(%dma_start3A_761 : memref<8x256xf32, #tpu.memory_space<hbm>>) target(%dma_start3A_759 : memref<8x256xf32, #tpu.memory_space<vmem>>) target_semaphore(%arg10 : memref<!tpu.dma_semaphore, #tpu.memory_space<semaphore_mem>>)
        %mul3A_762 = arith.constant 152 : i32
        %mul3A_763 = arith.muli %select_n3A_527, %mul3A_762 : i32
        %add3A_764 = arith.constant 144 : i32
        %add3A_765 = arith.addi %mul3A_763, %add3A_764 : i32
        %dma_start3A_766 = arith.constant 18 : i32
        %dma_start3A_767 = arith.constant 0 : i32
        %dma_start3A_768 = tpu.memref_slice %arg5[%add3A_765, %dma_start3A_767] : memref<304x256xf32, #tpu.memory_space<vmem>> -> memref<8x256xf32, #tpu.memory_space<vmem>>
        %dma_start3A_769 = tpu.memref_slice %arg2[%select_n3A_448, %dma_start3A_766, %mul3A_493, %mul3A_511] : memref<8x19x512x512xf32, #tpu.memory_space<hbm>> -> memref<1x1x8x256xf32, #tpu.memory_space<hbm>>
        %dma_start3A_770 = tpu.memref_squeeze %dma_start3A_769 : memref<1x1x8x256xf32, #tpu.memory_space<hbm>> -> memref<8x256xf32, #tpu.memory_space<hbm>>
        %dma_start3A_771 = arith.constant 0 : i32
        %dma_start3A_772 = tpu.memref_slice %arg5[%add3A_765, %dma_start3A_771] : memref<304x256xf32, #tpu.memory_space<vmem>> -> memref<8x256xf32, #tpu.memory_space<vmem>>
        %dma_start3A_773 = tpu.memref_slice %arg2[%select_n3A_448, %dma_start3A_766, %mul3A_493, %mul3A_511] : memref<8x19x512x512xf32, #tpu.memory_space<hbm>> -> memref<1x1x8x256xf32, #tpu.memory_space<hbm>>
        %dma_start3A_774 = tpu.memref_squeeze %dma_start3A_773 : memref<1x1x8x256xf32, #tpu.memory_space<hbm>> -> memref<8x256xf32, #tpu.memory_space<hbm>>
        tpu.enqueue_dma source(%dma_start3A_774 : memref<8x256xf32, #tpu.memory_space<hbm>>) target(%dma_start3A_772 : memref<8x256xf32, #tpu.memory_space<vmem>>) target_semaphore(%arg10 : memref<!tpu.dma_semaphore, #tpu.memory_space<semaphore_mem>>)
        %mul3A_775 = arith.constant 8 : i32
        %mul3A_776 = arith.muli %select_n3A_527, %mul3A_775 : i32
        %dma_start3A_777 = arith.constant 0 : i32
        %dma_start3A_778 = arith.constant 0 : i32
        %dma_start3A_779 = tpu.memref_slice %arg6[%mul3A_776, %dma_start3A_778] : memref<16x256xi32, #tpu.memory_space<vmem>> -> memref<8x256xi32, #tpu.memory_space<vmem>>
        %dma_start3A_780 = tpu.memref_slice %arg3[%select_n3A_448, %dma_start3A_777, %mul3A_493, %mul3A_511] : memref<8x1x512x512xi32, #tpu.memory_space<hbm>> -> memref<1x1x8x256xi32, #tpu.memory_space<hbm>>
        %dma_start3A_781 = tpu.memref_squeeze %dma_start3A_780 : memref<1x1x8x256xi32, #tpu.memory_space<hbm>> -> memref<8x256xi32, #tpu.memory_space<hbm>>
        %dma_start3A_782 = arith.constant 0 : i32
        %dma_start3A_783 = tpu.memref_slice %arg6[%mul3A_776, %dma_start3A_782] : memref<16x256xi32, #tpu.memory_space<vmem>> -> memref<8x256xi32, #tpu.memory_space<vmem>>
        %dma_start3A_784 = tpu.memref_slice %arg3[%select_n3A_448, %dma_start3A_777, %mul3A_493, %mul3A_511] : memref<8x1x512x512xi32, #tpu.memory_space<hbm>> -> memref<1x1x8x256xi32, #tpu.memory_space<hbm>>
        %dma_start3A_785 = tpu.memref_squeeze %dma_start3A_784 : memref<1x1x8x256xi32, #tpu.memory_space<hbm>> -> memref<8x256xi32, #tpu.memory_space<hbm>>
        tpu.enqueue_dma source(%dma_start3A_785 : memref<8x256xi32, #tpu.memory_space<hbm>>) target(%dma_start3A_783 : memref<8x256xi32, #tpu.memory_space<vmem>>) target_semaphore(%arg10 : memref<!tpu.dma_semaphore, #tpu.memory_space<semaphore_mem>>)
      } else {
      }
      %eq3A_382 = arith.constant 0 : i32
      %eq3A_383 = arith.cmpi eq, %select_n3A_323, %eq3A_382 : i32
      %convert_element_type3A_384 = arith.extui %eq3A_383 : i1 to i32
      %cond3A_385 = arith.constant 0 : i32
      %cond3A_386 = arith.cmpi ne, %convert_element_type3A_384, %cond3A_385 : i32
      scf.if %cond3A_386 {
        %jit3A_423 = arith.constant 2 : i32
        %eq3A_424 = arith.constant 0 : i32
        %eq3A_425 = arith.cmpi eq, %jit3A_423, %eq3A_424 : i32
        %jit3A_426 = arith.constant 1 : i32
        %select_n3A_427 = arith.select %eq3A_425, %jit3A_426, %jit3A_423 : i32
        %rem3A_428 = arith.remsi %scan3A_288, %select_n3A_427 : i32
        %ne3A_429 = arith.constant 0 : i32
        %ne3A_430 = arith.cmpi ne, %rem3A_428, %ne3A_429 : i32
        %lt3A_431 = arith.constant 0 : i32
        %lt3A_432 = arith.cmpi slt, %rem3A_428, %lt3A_431 : i32
        %lt3A_433 = arith.constant 0 : i32
        %lt3A_434 = arith.cmpi slt, %select_n3A_427, %lt3A_433 : i32
        %ne3A_435 = arith.xori %lt3A_432, %lt3A_434 : i1
        %and3A_436 = arith.andi %ne3A_435, %ne3A_430 : i1
        %add3A_437 = arith.addi %rem3A_428, %select_n3A_427 : i32
        %select_n3A_438 = arith.select %and3A_436, %add3A_437, %rem3A_428 : i32
        %mul3A_439 = arith.constant 152 : i32
        %mul3A_440 = arith.muli %select_n3A_438, %mul3A_439 : i32
        %dma_wait3A = arith.constant 0 : i32
        %dma_wait3A_441 = arith.constant 0 : i32
        %dma_wait3A_442 = arith.constant 0 : i32
        %dma_wait3A_443 = tpu.memref_slice %arg5[%mul3A_440, %dma_wait3A_442] : memref<304x256xf32, #tpu.memory_space<vmem>> -> memref<152x256xf32, #tpu.memory_space<vmem>>
        %dma_wait3A_444 = arith.constant 0 : i32
        %dma_wait3A_445 = arith.constant 0 : i32
        %dma_wait3A_446 = tpu.memref_slice %arg2[%dma_wait3A, %dma_wait3A_441, %dma_wait3A_444, %dma_wait3A_445] : memref<8x19x512x512xf32, #tpu.memory_space<hbm>> -> memref<1x1x152x256xf32, #tpu.memory_space<hbm>>
        %dma_wait3A_447 = tpu.memref_squeeze %dma_wait3A_446 : memref<1x1x152x256xf32, #tpu.memory_space<hbm>> -> memref<152x256xf32, #tpu.memory_space<hbm>>
        %dma_wait3A_448 = arith.constant 0 : i32
        %dma_wait3A_449 = tpu.memref_slice %arg5[%mul3A_440, %dma_wait3A_448] : memref<304x256xf32, #tpu.memory_space<vmem>> -> memref<152x256xf32, #tpu.memory_space<vmem>>
        %dma_wait3A_450 = arith.constant 0 : i32
        %dma_wait3A_451 = arith.constant 0 : i32
        %dma_wait3A_452 = tpu.memref_slice %arg2[%dma_wait3A, %dma_wait3A_441, %dma_wait3A_450, %dma_wait3A_451] : memref<8x19x512x512xf32, #tpu.memory_space<hbm>> -> memref<1x1x152x256xf32, #tpu.memory_space<hbm>>
        %dma_wait3A_453 = tpu.memref_squeeze %dma_wait3A_452 : memref<1x1x152x256xf32, #tpu.memory_space<hbm>> -> memref<152x256xf32, #tpu.memory_space<hbm>>
        tpu.wait_dma2 semaphore(%arg10 : memref<!tpu.dma_semaphore, #tpu.memory_space<semaphore_mem>>) src(%dma_wait3A_453 : memref<152x256xf32, #tpu.memory_space<hbm>>) dst(%dma_wait3A_449 : memref<152x256xf32, #tpu.memory_space<vmem>>)
        %mul3A_454 = arith.constant 8 : i32
        %mul3A_455 = arith.muli %select_n3A_438, %mul3A_454 : i32
        %dma_wait3A_456 = arith.constant 0 : i32
        %dma_wait3A_457 = arith.constant 0 : i32
        %dma_wait3A_458 = arith.constant 0 : i32
        %dma_wait3A_459 = tpu.memref_slice %arg6[%mul3A_455, %dma_wait3A_458] : memref<16x256xi32, #tpu.memory_space<vmem>> -> memref<8x256xi32, #tpu.memory_space<vmem>>
        %dma_wait3A_460 = arith.constant 0 : i32
        %dma_wait3A_461 = arith.constant 0 : i32
        %dma_wait3A_462 = tpu.memref_slice %arg3[%dma_wait3A_456, %dma_wait3A_457, %dma_wait3A_460, %dma_wait3A_461] : memref<8x1x512x512xi32, #tpu.memory_space<hbm>> -> memref<1x1x8x256xi32, #tpu.memory_space<hbm>>
        %dma_wait3A_463 = tpu.memref_squeeze %dma_wait3A_462 : memref<1x1x8x256xi32, #tpu.memory_space<hbm>> -> memref<8x256xi32, #tpu.memory_space<hbm>>
        %dma_wait3A_464 = arith.constant 0 : i32
        %dma_wait3A_465 = tpu.memref_slice %arg6[%mul3A_455, %dma_wait3A_464] : memref<16x256xi32, #tpu.memory_space<vmem>> -> memref<8x256xi32, #tpu.memory_space<vmem>>
        %dma_wait3A_466 = arith.constant 0 : i32
        %dma_wait3A_467 = arith.constant 0 : i32
        %dma_wait3A_468 = tpu.memref_slice %arg3[%dma_wait3A_456, %dma_wait3A_457, %dma_wait3A_466, %dma_wait3A_467] : memref<8x1x512x512xi32, #tpu.memory_space<hbm>> -> memref<1x1x8x256xi32, #tpu.memory_space<hbm>>
        %dma_wait3A_469 = tpu.memref_squeeze %dma_wait3A_468 : memref<1x1x8x256xi32, #tpu.memory_space<hbm>> -> memref<8x256xi32, #tpu.memory_space<hbm>>
        tpu.wait_dma2 semaphore(%arg10 : memref<!tpu.dma_semaphore, #tpu.memory_space<semaphore_mem>>) src(%dma_wait3A_469 : memref<8x256xi32, #tpu.memory_space<hbm>>) dst(%dma_wait3A_465 : memref<8x256xi32, #tpu.memory_space<vmem>>)
      } else {
      }
      %eq3A_387 = arith.constant 1 : i32
      %eq3A_388 = arith.cmpi eq, %select_n3A_323, %eq3A_387 : i32
      %convert_element_type3A_389 = arith.extui %eq3A_388 : i1 to i32
      %cond3A_390 = arith.constant 0 : i32
      %cond3A_391 = arith.cmpi ne, %convert_element_type3A_389, %cond3A_390 : i32
      scf.if %cond3A_391 {
        %jit3A_423 = arith.constant 2 : i32
        %eq3A_424 = arith.constant 0 : i32
        %eq3A_425 = arith.cmpi eq, %jit3A_423, %eq3A_424 : i32
        %jit3A_426 = arith.constant 1 : i32
        %select_n3A_427 = arith.select %eq3A_425, %jit3A_426, %jit3A_423 : i32
        %rem3A_428 = arith.remsi %scan3A_288, %select_n3A_427 : i32
        %ne3A_429 = arith.constant 0 : i32
        %ne3A_430 = arith.cmpi ne, %rem3A_428, %ne3A_429 : i32
        %lt3A_431 = arith.constant 0 : i32
        %lt3A_432 = arith.cmpi slt, %rem3A_428, %lt3A_431 : i32
        %lt3A_433 = arith.constant 0 : i32
        %lt3A_434 = arith.cmpi slt, %select_n3A_427, %lt3A_433 : i32
        %ne3A_435 = arith.xori %lt3A_432, %lt3A_434 : i1
        %and3A_436 = arith.andi %ne3A_435, %ne3A_430 : i1
        %add3A_437 = arith.addi %rem3A_428, %select_n3A_427 : i32
        %select_n3A_438 = arith.select %and3A_436, %add3A_437, %rem3A_428 : i32
        %mul3A_439 = arith.constant 152 : i32
        %mul3A_440 = arith.muli %select_n3A_438, %mul3A_439 : i32
        %dma_wait3A = arith.constant 0 : i32
        %dma_wait3A_441 = arith.constant 0 : i32
        %dma_wait3A_442 = arith.constant 0 : i32
        %dma_wait3A_443 = tpu.memref_slice %arg5[%mul3A_440, %dma_wait3A_442] : memref<304x256xf32, #tpu.memory_space<vmem>> -> memref<152x256xf32, #tpu.memory_space<vmem>>
        %dma_wait3A_444 = arith.constant 0 : i32
        %dma_wait3A_445 = arith.constant 0 : i32
        %dma_wait3A_446 = tpu.memref_slice %arg2[%dma_wait3A, %dma_wait3A_441, %dma_wait3A_444, %dma_wait3A_445] : memref<8x19x512x512xf32, #tpu.memory_space<hbm>> -> memref<1x1x152x256xf32, #tpu.memory_space<hbm>>
        %dma_wait3A_447 = tpu.memref_squeeze %dma_wait3A_446 : memref<1x1x152x256xf32, #tpu.memory_space<hbm>> -> memref<152x256xf32, #tpu.memory_space<hbm>>
        %dma_wait3A_448 = arith.constant 0 : i32
        %dma_wait3A_449 = tpu.memref_slice %arg5[%mul3A_440, %dma_wait3A_448] : memref<304x256xf32, #tpu.memory_space<vmem>> -> memref<152x256xf32, #tpu.memory_space<vmem>>
        %dma_wait3A_450 = arith.constant 0 : i32
        %dma_wait3A_451 = arith.constant 0 : i32
        %dma_wait3A_452 = tpu.memref_slice %arg2[%dma_wait3A, %dma_wait3A_441, %dma_wait3A_450, %dma_wait3A_451] : memref<8x19x512x512xf32, #tpu.memory_space<hbm>> -> memref<1x1x152x256xf32, #tpu.memory_space<hbm>>
        %dma_wait3A_453 = tpu.memref_squeeze %dma_wait3A_452 : memref<1x1x152x256xf32, #tpu.memory_space<hbm>> -> memref<152x256xf32, #tpu.memory_space<hbm>>
        tpu.wait_dma2 semaphore(%arg11 : memref<!tpu.dma_semaphore, #tpu.memory_space<semaphore_mem>>) src(%dma_wait3A_453 : memref<152x256xf32, #tpu.memory_space<hbm>>) dst(%dma_wait3A_449 : memref<152x256xf32, #tpu.memory_space<vmem>>)
        %mul3A_454 = arith.constant 8 : i32
        %mul3A_455 = arith.muli %select_n3A_438, %mul3A_454 : i32
        %dma_wait3A_456 = arith.constant 0 : i32
        %dma_wait3A_457 = arith.constant 0 : i32
        %dma_wait3A_458 = arith.constant 0 : i32
        %dma_wait3A_459 = tpu.memref_slice %arg6[%mul3A_455, %dma_wait3A_458] : memref<16x256xi32, #tpu.memory_space<vmem>> -> memref<8x256xi32, #tpu.memory_space<vmem>>
        %dma_wait3A_460 = arith.constant 0 : i32
        %dma_wait3A_461 = arith.constant 0 : i32
        %dma_wait3A_462 = tpu.memref_slice %arg3[%dma_wait3A_456, %dma_wait3A_457, %dma_wait3A_460, %dma_wait3A_461] : memref<8x1x512x512xi32, #tpu.memory_space<hbm>> -> memref<1x1x8x256xi32, #tpu.memory_space<hbm>>
        %dma_wait3A_463 = tpu.memref_squeeze %dma_wait3A_462 : memref<1x1x8x256xi32, #tpu.memory_space<hbm>> -> memref<8x256xi32, #tpu.memory_space<hbm>>
        %dma_wait3A_464 = arith.constant 0 : i32
        %dma_wait3A_465 = tpu.memref_slice %arg6[%mul3A_455, %dma_wait3A_464] : memref<16x256xi32, #tpu.memory_space<vmem>> -> memref<8x256xi32, #tpu.memory_space<vmem>>
        %dma_wait3A_466 = arith.constant 0 : i32
        %dma_wait3A_467 = arith.constant 0 : i32
        %dma_wait3A_468 = tpu.memref_slice %arg3[%dma_wait3A_456, %dma_wait3A_457, %dma_wait3A_466, %dma_wait3A_467] : memref<8x1x512x512xi32, #tpu.memory_space<hbm>> -> memref<1x1x8x256xi32, #tpu.memory_space<hbm>>
        %dma_wait3A_469 = tpu.memref_squeeze %dma_wait3A_468 : memref<1x1x8x256xi32, #tpu.memory_space<hbm>> -> memref<8x256xi32, #tpu.memory_space<hbm>>
        tpu.wait_dma2 semaphore(%arg11 : memref<!tpu.dma_semaphore, #tpu.memory_space<semaphore_mem>>) src(%dma_wait3A_469 : memref<8x256xi32, #tpu.memory_space<hbm>>) dst(%dma_wait3A_465 : memref<8x256xi32, #tpu.memory_space<vmem>>)
      } else {
      }
      %mul3A_392 = arith.constant 152 : i32
      %mul3A_393 = arith.muli %select_n3A_323, %mul3A_392 : i32
      %mul3A_394 = arith.constant 8 : i32
      %mul3A_395 = arith.muli %select_n3A_323, %mul3A_394 : i32
      %scan3A_396 = arith.constant 0 : i32
      %scan3A_397 = arith.constant 128 : i32
      %scan3A_398 = arith.addi %scan3A_396, %scan3A_397 : i32
      %scan3A_399 = arith.constant 2 : i32
      %scan3A_400:19 = scf.for %scan3A_423 = %scan3A_396 to %scan3A_398 step %scan3A_399 iter_args(%scan3A_424 = %select_n3A_342, %scan3A_425 = %select_n3A_343, %scan3A_426 = %select_n3A_344, %scan3A_427 = %select_n3A_345, %scan3A_428 = %select_n3A_346, %scan3A_429 = %select_n3A_347, %scan3A_430 = %select_n3A_348, %scan3A_431 = %select_n3A_349, %scan3A_432 = %select_n3A_350, %scan3A_433 = %select_n3A_351, %scan3A_434 = %select_n3A_352, %scan3A_435 = %select_n3A_353, %scan3A_436 = %select_n3A_354, %scan3A_437 = %select_n3A_355, %scan3A_438 = %select_n3A_356, %scan3A_439 = %select_n3A_357, %scan3A_440 = %select_n3A_358, %scan3A_441 = %select_n3A_359, %scan3A_442 = %select_n3A_360) -> (vector<16xf32>, vector<16xf32>, vector<16xf32>, vector<16xf32>, vector<16xf32>, vector<16xf32>, vector<16xf32>, vector<16xf32>, vector<16xf32>, vector<16xf32>, vector<16xf32>, vector<16xf32>, vector<16xf32>, vector<16xf32>, vector<16xf32>, vector<16xf32>, vector<16xf32>, vector<16xf32>, vector<16xf32>)  : i32 {
        %shift_right_arithmetic3A = arith.constant 4 : i32
        %shift_right_arithmetic3A_443 = arith.shrsi %scan3A_423, %shift_right_arithmetic3A : i32
        %and3A_444 = arith.constant 15 : i32
        %and3A_445 = arith.andi %scan3A_423, %and3A_444 : i32
        %mul3A_446 = arith.constant 16 : i32
        %mul3A_447 = arith.muli %and3A_445, %mul3A_446 : i32
        %add3A_448 = arith.addi %mul3A_395, %shift_right_arithmetic3A_443 : i32
        %get3A = arith.index_cast %add3A_448 : i32 to index
        %get3A_449 = arith.index_cast %mul3A_447 : i32 to index
        %get3A_450 = tpu.vector_load %arg6[%get3A, %get3A_449] {strides = array<i32>} : memref<16x256xi32, #tpu.memory_space<vmem>>, vector<16xi32>,
        %add3A_451 = vector.broadcast %mul3A_447 : i32 to vector<16xi32>
        %add3A_452 = arith.addi %iota3A, %add3A_451 : vector<16xi32>
        %mul3A_453 = arith.constant 8 : i32
        %mul3A_454 = vector.broadcast %mul3A_453 : i32 to vector<16xi32>
        %mul3A_455 = arith.muli %get3A_450, %mul3A_454 : vector<16xi32>
        %add3A_456 = vector.broadcast %mul3A_393 : i32 to vector<16xi32>
        %add3A_457 = arith.addi %add3A_456, %mul3A_455 : vector<16xi32>
        %add3A_458 = vector.broadcast %shift_right_arithmetic3A_443 : i32 to vector<16xi32>
        %add3A_459 = arith.addi %add3A_457, %add3A_458 : vector<16xi32>
        %gather3A = tpu.vector_load_idx %arg5[%add3A_459, %add3A_452] : memref<304x256xf32, #tpu.memory_space<vmem>>[vector<16xi32>, vector<16xi32>], vector<16xf32>,
        %mul3A_460 = arith.constant 16 : i32
        %mul3A_461 = vector.broadcast %mul3A_460 : i32 to vector<16xi32>
        %mul3A_462 = arith.muli %get3A_450, %mul3A_461 : vector<16xi32>
        %add3A_463 = arith.addi %mul3A_462, %iota3A : vector<16xi32>
        tpu.vector_store_idx %arg8[%broadcast_in_dim3A_5, %add3A_463], %gather3A {add = true} : memref<1x304xf32, #tpu.memory_space<vmem>>[vector<16xi32>, vector<16xi32>], vector<16xf32>,
        tpu.vector_store_idx %arg7[%broadcast_in_dim3A_5, %add3A_463], %broadcast_in_dim3A_3 {add = true} : memref<1x304xf32, #tpu.memory_space<vmem>>[vector<16xi32>, vector<16xi32>], vector<16xf32>,
        %add3A_464 = arith.constant 0 : i32
        %add3A_465 = arith.addi %mul3A_393, %add3A_464 : i32
        %add3A_466 = arith.addi %add3A_465, %shift_right_arithmetic3A_443 : i32
        %get3A_467 = arith.index_cast %add3A_466 : i32 to index
        %get3A_468 = arith.index_cast %mul3A_447 : i32 to index
        %get3A_469 = tpu.vector_load %arg5[%get3A_467, %get3A_468] {strides = array<i32>} : memref<304x256xf32, #tpu.memory_space<vmem>>, vector<16xf32>,
        %add3A_470 = arith.addf %scan3A_424, %get3A_469 : vector<16xf32>
        %add3A_471 = arith.constant 8 : i32
        %add3A_472 = arith.addi %mul3A_393, %add3A_471 : i32
        %add3A_473 = arith.addi %add3A_472, %shift_right_arithmetic3A_443 : i32
        %get3A_474 = arith.index_cast %add3A_473 : i32 to index
        %get3A_475 = arith.index_cast %mul3A_447 : i32 to index
        %get3A_476 = tpu.vector_load %arg5[%get3A_474, %get3A_475] {strides = array<i32>} : memref<304x256xf32, #tpu.memory_space<vmem>>, vector<16xf32>,
        %add3A_477 = arith.addf %scan3A_425, %get3A_476 : vector<16xf32>
        %add3A_478 = arith.constant 16 : i32
        %add3A_479 = arith.addi %mul3A_393, %add3A_478 : i32
        %add3A_480 = arith.addi %add3A_479, %shift_right_arithmetic3A_443 : i32
        %get3A_481 = arith.index_cast %add3A_480 : i32 to index
        %get3A_482 = arith.index_cast %mul3A_447 : i32 to index
        %get3A_483 = tpu.vector_load %arg5[%get3A_481, %get3A_482] {strides = array<i32>} : memref<304x256xf32, #tpu.memory_space<vmem>>, vector<16xf32>,
        %add3A_484 = arith.addf %scan3A_426, %get3A_483 : vector<16xf32>
        %add3A_485 = arith.constant 24 : i32
        %add3A_486 = arith.addi %mul3A_393, %add3A_485 : i32
        %add3A_487 = arith.addi %add3A_486, %shift_right_arithmetic3A_443 : i32
        %get3A_488 = arith.index_cast %add3A_487 : i32 to index
        %get3A_489 = arith.index_cast %mul3A_447 : i32 to index
        %get3A_490 = tpu.vector_load %arg5[%get3A_488, %get3A_489] {strides = array<i32>} : memref<304x256xf32, #tpu.memory_space<vmem>>, vector<16xf32>,
        %add3A_491 = arith.addf %scan3A_427, %get3A_490 : vector<16xf32>
        %add3A_492 = arith.constant 32 : i32
        %add3A_493 = arith.addi %mul3A_393, %add3A_492 : i32
        %add3A_494 = arith.addi %add3A_493, %shift_right_arithmetic3A_443 : i32
        %get3A_495 = arith.index_cast %add3A_494 : i32 to index
        %get3A_496 = arith.index_cast %mul3A_447 : i32 to index
        %get3A_497 = tpu.vector_load %arg5[%get3A_495, %get3A_496] {strides = array<i32>} : memref<304x256xf32, #tpu.memory_space<vmem>>, vector<16xf32>,
        %add3A_498 = arith.addf %scan3A_428, %get3A_497 : vector<16xf32>
        %add3A_499 = arith.constant 40 : i32
        %add3A_500 = arith.addi %mul3A_393, %add3A_499 : i32
        %add3A_501 = arith.addi %add3A_500, %shift_right_arithmetic3A_443 : i32
        %get3A_502 = arith.index_cast %add3A_501 : i32 to index
        %get3A_503 = arith.index_cast %mul3A_447 : i32 to index
        %get3A_504 = tpu.vector_load %arg5[%get3A_502, %get3A_503] {strides = array<i32>} : memref<304x256xf32, #tpu.memory_space<vmem>>, vector<16xf32>,
        %add3A_505 = arith.addf %scan3A_429, %get3A_504 : vector<16xf32>
        %add3A_506 = arith.constant 48 : i32
        %add3A_507 = arith.addi %mul3A_393, %add3A_506 : i32
        %add3A_508 = arith.addi %add3A_507, %shift_right_arithmetic3A_443 : i32
        %get3A_509 = arith.index_cast %add3A_508 : i32 to index
        %get3A_510 = arith.index_cast %mul3A_447 : i32 to index
        %get3A_511 = tpu.vector_load %arg5[%get3A_509, %get3A_510] {strides = array<i32>} : memref<304x256xf32, #tpu.memory_space<vmem>>, vector<16xf32>,
        %add3A_512 = arith.addf %scan3A_430, %get3A_511 : vector<16xf32>
        %add3A_513 = arith.constant 56 : i32
        %add3A_514 = arith.addi %mul3A_393, %add3A_513 : i32
        %add3A_515 = arith.addi %add3A_514, %shift_right_arithmetic3A_443 : i32
        %get3A_516 = arith.index_cast %add3A_515 : i32 to index
        %get3A_517 = arith.index_cast %mul3A_447 : i32 to index
        %get3A_518 = tpu.vector_load %arg5[%get3A_516, %get3A_517] {strides = array<i32>} : memref<304x256xf32, #tpu.memory_space<vmem>>, vector<16xf32>,
        %add3A_519 = arith.addf %scan3A_431, %get3A_518 : vector<16xf32>
        %add3A_520 = arith.constant 64 : i32
        %add3A_521 = arith.addi %mul3A_393, %add3A_520 : i32
        %add3A_522 = arith.addi %add3A_521, %shift_right_arithmetic3A_443 : i32
        %get3A_523 = arith.index_cast %add3A_522 : i32 to index
        %get3A_524 = arith.index_cast %mul3A_447 : i32 to index
        %get3A_525 = tpu.vector_load %arg5[%get3A_523, %get3A_524] {strides = array<i32>} : memref<304x256xf32, #tpu.memory_space<vmem>>, vector<16xf32>,
        %add3A_526 = arith.addf %scan3A_432, %get3A_525 : vector<16xf32>
        %add3A_527 = arith.constant 72 : i32
        %add3A_528 = arith.addi %mul3A_393, %add3A_527 : i32
        %add3A_529 = arith.addi %add3A_528, %shift_right_arithmetic3A_443 : i32
        %get3A_530 = arith.index_cast %add3A_529 : i32 to index
        %get3A_531 = arith.index_cast %mul3A_447 : i32 to index
        %get3A_532 = tpu.vector_load %arg5[%get3A_530, %get3A_531] {strides = array<i32>} : memref<304x256xf32, #tpu.memory_space<vmem>>, vector<16xf32>,
        %add3A_533 = arith.addf %scan3A_433, %get3A_532 : vector<16xf32>
        %add3A_534 = arith.constant 80 : i32
        %add3A_535 = arith.addi %mul3A_393, %add3A_534 : i32
        %add3A_536 = arith.addi %add3A_535, %shift_right_arithmetic3A_443 : i32
        %get3A_537 = arith.index_cast %add3A_536 : i32 to index
        %get3A_538 = arith.index_cast %mul3A_447 : i32 to index
        %get3A_539 = tpu.vector_load %arg5[%get3A_537, %get3A_538] {strides = array<i32>} : memref<304x256xf32, #tpu.memory_space<vmem>>, vector<16xf32>,
        %add3A_540 = arith.addf %scan3A_434, %get3A_539 : vector<16xf32>
        %add3A_541 = arith.constant 88 : i32
        %add3A_542 = arith.addi %mul3A_393, %add3A_541 : i32
        %add3A_543 = arith.addi %add3A_542, %shift_right_arithmetic3A_443 : i32
        %get3A_544 = arith.index_cast %add3A_543 : i32 to index
        %get3A_545 = arith.index_cast %mul3A_447 : i32 to index
        %get3A_546 = tpu.vector_load %arg5[%get3A_544, %get3A_545] {strides = array<i32>} : memref<304x256xf32, #tpu.memory_space<vmem>>, vector<16xf32>,
        %add3A_547 = arith.addf %scan3A_435, %get3A_546 : vector<16xf32>
        %add3A_548 = arith.constant 96 : i32
        %add3A_549 = arith.addi %mul3A_393, %add3A_548 : i32
        %add3A_550 = arith.addi %add3A_549, %shift_right_arithmetic3A_443 : i32
        %get3A_551 = arith.index_cast %add3A_550 : i32 to index
        %get3A_552 = arith.index_cast %mul3A_447 : i32 to index
        %get3A_553 = tpu.vector_load %arg5[%get3A_551, %get3A_552] {strides = array<i32>} : memref<304x256xf32, #tpu.memory_space<vmem>>, vector<16xf32>,
        %add3A_554 = arith.addf %scan3A_436, %get3A_553 : vector<16xf32>
        %add3A_555 = arith.constant 104 : i32
        %add3A_556 = arith.addi %mul3A_393, %add3A_555 : i32
        %add3A_557 = arith.addi %add3A_556, %shift_right_arithmetic3A_443 : i32
        %get3A_558 = arith.index_cast %add3A_557 : i32 to index
        %get3A_559 = arith.index_cast %mul3A_447 : i32 to index
        %get3A_560 = tpu.vector_load %arg5[%get3A_558, %get3A_559] {strides = array<i32>} : memref<304x256xf32, #tpu.memory_space<vmem>>, vector<16xf32>,
        %add3A_561 = arith.addf %scan3A_437, %get3A_560 : vector<16xf32>
        %add3A_562 = arith.constant 112 : i32
        %add3A_563 = arith.addi %mul3A_393, %add3A_562 : i32
        %add3A_564 = arith.addi %add3A_563, %shift_right_arithmetic3A_443 : i32
        %get3A_565 = arith.index_cast %add3A_564 : i32 to index
        %get3A_566 = arith.index_cast %mul3A_447 : i32 to index
        %get3A_567 = tpu.vector_load %arg5[%get3A_565, %get3A_566] {strides = array<i32>} : memref<304x256xf32, #tpu.memory_space<vmem>>, vector<16xf32>,
        %add3A_568 = arith.addf %scan3A_438, %get3A_567 : vector<16xf32>
        %add3A_569 = arith.constant 120 : i32
        %add3A_570 = arith.addi %mul3A_393, %add3A_569 : i32
        %add3A_571 = arith.addi %add3A_570, %shift_right_arithmetic3A_443 : i32
        %get3A_572 = arith.index_cast %add3A_571 : i32 to index
        %get3A_573 = arith.index_cast %mul3A_447 : i32 to index
        %get3A_574 = tpu.vector_load %arg5[%get3A_572, %get3A_573] {strides = array<i32>} : memref<304x256xf32, #tpu.memory_space<vmem>>, vector<16xf32>,
        %add3A_575 = arith.addf %scan3A_439, %get3A_574 : vector<16xf32>
        %add3A_576 = arith.constant 128 : i32
        %add3A_577 = arith.addi %mul3A_393, %add3A_576 : i32
        %add3A_578 = arith.addi %add3A_577, %shift_right_arithmetic3A_443 : i32
        %get3A_579 = arith.index_cast %add3A_578 : i32 to index
        %get3A_580 = arith.index_cast %mul3A_447 : i32 to index
        %get3A_581 = tpu.vector_load %arg5[%get3A_579, %get3A_580] {strides = array<i32>} : memref<304x256xf32, #tpu.memory_space<vmem>>, vector<16xf32>,
        %add3A_582 = arith.addf %scan3A_440, %get3A_581 : vector<16xf32>
        %add3A_583 = arith.constant 136 : i32
        %add3A_584 = arith.addi %mul3A_393, %add3A_583 : i32
        %add3A_585 = arith.addi %add3A_584, %shift_right_arithmetic3A_443 : i32
        %get3A_586 = arith.index_cast %add3A_585 : i32 to index
        %get3A_587 = arith.index_cast %mul3A_447 : i32 to index
        %get3A_588 = tpu.vector_load %arg5[%get3A_586, %get3A_587] {strides = array<i32>} : memref<304x256xf32, #tpu.memory_space<vmem>>, vector<16xf32>,
        %add3A_589 = arith.addf %scan3A_441, %get3A_588 : vector<16xf32>
        %add3A_590 = arith.constant 144 : i32
        %add3A_591 = arith.addi %mul3A_393, %add3A_590 : i32
        %add3A_592 = arith.addi %add3A_591, %shift_right_arithmetic3A_443 : i32
        %get3A_593 = arith.index_cast %add3A_592 : i32 to index
        %get3A_594 = arith.index_cast %mul3A_447 : i32 to index
        %get3A_595 = tpu.vector_load %arg5[%get3A_593, %get3A_594] {strides = array<i32>} : memref<304x256xf32, #tpu.memory_space<vmem>>, vector<16xf32>,
        %add3A_596 = arith.addf %scan3A_442, %get3A_595 : vector<16xf32>
        %scan3A_597 = arith.constant 1 : i32
        %scan3A_598 = arith.addi %scan3A_423, %scan3A_597 : i32
        %shift_right_arithmetic3A_599 = arith.constant 4 : i32
        %shift_right_arithmetic3A_600 = arith.shrsi %scan3A_598, %shift_right_arithmetic3A_599 : i32
        %and3A_601 = arith.constant 15 : i32
        %and3A_602 = arith.andi %scan3A_598, %and3A_601 : i32
        %mul3A_603 = arith.constant 16 : i32
        %mul3A_604 = arith.muli %and3A_602, %mul3A_603 : i32
        %add3A_605 = arith.addi %mul3A_395, %shift_right_arithmetic3A_600 : i32
        %get3A_606 = arith.index_cast %add3A_605 : i32 to index
        %get3A_607 = arith.index_cast %mul3A_604 : i32 to index
        %get3A_608 = tpu.vector_load %arg6[%get3A_606, %get3A_607] {strides = array<i32>} : memref<16x256xi32, #tpu.memory_space<vmem>>, vector<16xi32>,
        %add3A_609 = vector.broadcast %mul3A_604 : i32 to vector<16xi32>
        %add3A_610 = arith.addi %iota3A, %add3A_609 : vector<16xi32>
        %mul3A_611 = arith.constant 8 : i32
        %mul3A_612 = vector.broadcast %mul3A_611 : i32 to vector<16xi32>
        %mul3A_613 = arith.muli %get3A_608, %mul3A_612 : vector<16xi32>
        %add3A_614 = vector.broadcast %mul3A_393 : i32 to vector<16xi32>
        %add3A_615 = arith.addi %add3A_614, %mul3A_613 : vector<16xi32>
        %add3A_616 = vector.broadcast %shift_right_arithmetic3A_600 : i32 to vector<16xi32>
        %add3A_617 = arith.addi %add3A_615, %add3A_616 : vector<16xi32>
        %gather3A_618 = tpu.vector_load_idx %arg5[%add3A_617, %add3A_610] : memref<304x256xf32, #tpu.memory_space<vmem>>[vector<16xi32>, vector<16xi32>], vector<16xf32>,
        %mul3A_619 = arith.constant 16 : i32
        %mul3A_620 = vector.broadcast %mul3A_619 : i32 to vector<16xi32>
        %mul3A_621 = arith.muli %get3A_608, %mul3A_620 : vector<16xi32>
        %add3A_622 = arith.addi %mul3A_621, %iota3A : vector<16xi32>
        tpu.vector_store_idx %arg8[%broadcast_in_dim3A_5, %add3A_622], %gather3A_618 {add = true} : memref<1x304xf32, #tpu.memory_space<vmem>>[vector<16xi32>, vector<16xi32>], vector<16xf32>,
        tpu.vector_store_idx %arg7[%broadcast_in_dim3A_5, %add3A_622], %broadcast_in_dim3A_3 {add = true} : memref<1x304xf32, #tpu.memory_space<vmem>>[vector<16xi32>, vector<16xi32>], vector<16xf32>,
        %add3A_623 = arith.constant 0 : i32
        %add3A_624 = arith.addi %mul3A_393, %add3A_623 : i32
        %add3A_625 = arith.addi %add3A_624, %shift_right_arithmetic3A_600 : i32
        %get3A_626 = arith.index_cast %add3A_625 : i32 to index
        %get3A_627 = arith.index_cast %mul3A_604 : i32 to index
        %get3A_628 = tpu.vector_load %arg5[%get3A_626, %get3A_627] {strides = array<i32>} : memref<304x256xf32, #tpu.memory_space<vmem>>, vector<16xf32>,
        %add3A_629 = arith.addf %add3A_470, %get3A_628 : vector<16xf32>
        %add3A_630 = arith.constant 8 : i32
        %add3A_631 = arith.addi %mul3A_393, %add3A_630 : i32
        %add3A_632 = arith.addi %add3A_631, %shift_right_arithmetic3A_600 : i32
        %get3A_633 = arith.index_cast %add3A_632 : i32 to index
        %get3A_634 = arith.index_cast %mul3A_604 : i32 to index
        %get3A_635 = tpu.vector_load %arg5[%get3A_633, %get3A_634] {strides = array<i32>} : memref<304x256xf32, #tpu.memory_space<vmem>>, vector<16xf32>,
        %add3A_636 = arith.addf %add3A_477, %get3A_635 : vector<16xf32>
        %add3A_637 = arith.constant 16 : i32
        %add3A_638 = arith.addi %mul3A_393, %add3A_637 : i32
        %add3A_639 = arith.addi %add3A_638, %shift_right_arithmetic3A_600 : i32
        %get3A_640 = arith.index_cast %add3A_639 : i32 to index
        %get3A_641 = arith.index_cast %mul3A_604 : i32 to index
        %get3A_642 = tpu.vector_load %arg5[%get3A_640, %get3A_641] {strides = array<i32>} : memref<304x256xf32, #tpu.memory_space<vmem>>, vector<16xf32>,
        %add3A_643 = arith.addf %add3A_484, %get3A_642 : vector<16xf32>
        %add3A_644 = arith.constant 24 : i32
        %add3A_645 = arith.addi %mul3A_393, %add3A_644 : i32
        %add3A_646 = arith.addi %add3A_645, %shift_right_arithmetic3A_600 : i32
        %get3A_647 = arith.index_cast %add3A_646 : i32 to index
        %get3A_648 = arith.index_cast %mul3A_604 : i32 to index
        %get3A_649 = tpu.vector_load %arg5[%get3A_647, %get3A_648] {strides = array<i32>} : memref<304x256xf32, #tpu.memory_space<vmem>>, vector<16xf32>,
        %add3A_650 = arith.addf %add3A_491, %get3A_649 : vector<16xf32>
        %add3A_651 = arith.constant 32 : i32
        %add3A_652 = arith.addi %mul3A_393, %add3A_651 : i32
        %add3A_653 = arith.addi %add3A_652, %shift_right_arithmetic3A_600 : i32
        %get3A_654 = arith.index_cast %add3A_653 : i32 to index
        %get3A_655 = arith.index_cast %mul3A_604 : i32 to index
        %get3A_656 = tpu.vector_load %arg5[%get3A_654, %get3A_655] {strides = array<i32>} : memref<304x256xf32, #tpu.memory_space<vmem>>, vector<16xf32>,
        %add3A_657 = arith.addf %add3A_498, %get3A_656 : vector<16xf32>
        %add3A_658 = arith.constant 40 : i32
        %add3A_659 = arith.addi %mul3A_393, %add3A_658 : i32
        %add3A_660 = arith.addi %add3A_659, %shift_right_arithmetic3A_600 : i32
        %get3A_661 = arith.index_cast %add3A_660 : i32 to index
        %get3A_662 = arith.index_cast %mul3A_604 : i32 to index
        %get3A_663 = tpu.vector_load %arg5[%get3A_661, %get3A_662] {strides = array<i32>} : memref<304x256xf32, #tpu.memory_space<vmem>>, vector<16xf32>,
        %add3A_664 = arith.addf %add3A_505, %get3A_663 : vector<16xf32>
        %add3A_665 = arith.constant 48 : i32
        %add3A_666 = arith.addi %mul3A_393, %add3A_665 : i32
        %add3A_667 = arith.addi %add3A_666, %shift_right_arithmetic3A_600 : i32
        %get3A_668 = arith.index_cast %add3A_667 : i32 to index
        %get3A_669 = arith.index_cast %mul3A_604 : i32 to index
        %get3A_670 = tpu.vector_load %arg5[%get3A_668, %get3A_669] {strides = array<i32>} : memref<304x256xf32, #tpu.memory_space<vmem>>, vector<16xf32>,
        %add3A_671 = arith.addf %add3A_512, %get3A_670 : vector<16xf32>
        %add3A_672 = arith.constant 56 : i32
        %add3A_673 = arith.addi %mul3A_393, %add3A_672 : i32
        %add3A_674 = arith.addi %add3A_673, %shift_right_arithmetic3A_600 : i32
        %get3A_675 = arith.index_cast %add3A_674 : i32 to index
        %get3A_676 = arith.index_cast %mul3A_604 : i32 to index
        %get3A_677 = tpu.vector_load %arg5[%get3A_675, %get3A_676] {strides = array<i32>} : memref<304x256xf32, #tpu.memory_space<vmem>>, vector<16xf32>,
        %add3A_678 = arith.addf %add3A_519, %get3A_677 : vector<16xf32>
        %add3A_679 = arith.constant 64 : i32
        %add3A_680 = arith.addi %mul3A_393, %add3A_679 : i32
        %add3A_681 = arith.addi %add3A_680, %shift_right_arithmetic3A_600 : i32
        %get3A_682 = arith.index_cast %add3A_681 : i32 to index
        %get3A_683 = arith.index_cast %mul3A_604 : i32 to index
        %get3A_684 = tpu.vector_load %arg5[%get3A_682, %get3A_683] {strides = array<i32>} : memref<304x256xf32, #tpu.memory_space<vmem>>, vector<16xf32>,
        %add3A_685 = arith.addf %add3A_526, %get3A_684 : vector<16xf32>
        %add3A_686 = arith.constant 72 : i32
        %add3A_687 = arith.addi %mul3A_393, %add3A_686 : i32
        %add3A_688 = arith.addi %add3A_687, %shift_right_arithmetic3A_600 : i32
        %get3A_689 = arith.index_cast %add3A_688 : i32 to index
        %get3A_690 = arith.index_cast %mul3A_604 : i32 to index
        %get3A_691 = tpu.vector_load %arg5[%get3A_689, %get3A_690] {strides = array<i32>} : memref<304x256xf32, #tpu.memory_space<vmem>>, vector<16xf32>,
        %add3A_692 = arith.addf %add3A_533, %get3A_691 : vector<16xf32>
        %add3A_693 = arith.constant 80 : i32
        %add3A_694 = arith.addi %mul3A_393, %add3A_693 : i32
        %add3A_695 = arith.addi %add3A_694, %shift_right_arithmetic3A_600 : i32
        %get3A_696 = arith.index_cast %add3A_695 : i32 to index
        %get3A_697 = arith.index_cast %mul3A_604 : i32 to index
        %get3A_698 = tpu.vector_load %arg5[%get3A_696, %get3A_697] {strides = array<i32>} : memref<304x256xf32, #tpu.memory_space<vmem>>, vector<16xf32>,
        %add3A_699 = arith.addf %add3A_540, %get3A_698 : vector<16xf32>
        %add3A_700 = arith.constant 88 : i32
        %add3A_701 = arith.addi %mul3A_393, %add3A_700 : i32
        %add3A_702 = arith.addi %add3A_701, %shift_right_arithmetic3A_600 : i32
        %get3A_703 = arith.index_cast %add3A_702 : i32 to index
        %get3A_704 = arith.index_cast %mul3A_604 : i32 to index
        %get3A_705 = tpu.vector_load %arg5[%get3A_703, %get3A_704] {strides = array<i32>} : memref<304x256xf32, #tpu.memory_space<vmem>>, vector<16xf32>,
        %add3A_706 = arith.addf %add3A_547, %get3A_705 : vector<16xf32>
        %add3A_707 = arith.constant 96 : i32
        %add3A_708 = arith.addi %mul3A_393, %add3A_707 : i32
        %add3A_709 = arith.addi %add3A_708, %shift_right_arithmetic3A_600 : i32
        %get3A_710 = arith.index_cast %add3A_709 : i32 to index
        %get3A_711 = arith.index_cast %mul3A_604 : i32 to index
        %get3A_712 = tpu.vector_load %arg5[%get3A_710, %get3A_711] {strides = array<i32>} : memref<304x256xf32, #tpu.memory_space<vmem>>, vector<16xf32>,
        %add3A_713 = arith.addf %add3A_554, %get3A_712 : vector<16xf32>
        %add3A_714 = arith.constant 104 : i32
        %add3A_715 = arith.addi %mul3A_393, %add3A_714 : i32
        %add3A_716 = arith.addi %add3A_715, %shift_right_arithmetic3A_600 : i32
        %get3A_717 = arith.index_cast %add3A_716 : i32 to index
        %get3A_718 = arith.index_cast %mul3A_604 : i32 to index
        %get3A_719 = tpu.vector_load %arg5[%get3A_717, %get3A_718] {strides = array<i32>} : memref<304x256xf32, #tpu.memory_space<vmem>>, vector<16xf32>,
        %add3A_720 = arith.addf %add3A_561, %get3A_719 : vector<16xf32>
        %add3A_721 = arith.constant 112 : i32
        %add3A_722 = arith.addi %mul3A_393, %add3A_721 : i32
        %add3A_723 = arith.addi %add3A_722, %shift_right_arithmetic3A_600 : i32
        %get3A_724 = arith.index_cast %add3A_723 : i32 to index
        %get3A_725 = arith.index_cast %mul3A_604 : i32 to index
        %get3A_726 = tpu.vector_load %arg5[%get3A_724, %get3A_725] {strides = array<i32>} : memref<304x256xf32, #tpu.memory_space<vmem>>, vector<16xf32>,
        %add3A_727 = arith.addf %add3A_568, %get3A_726 : vector<16xf32>
        %add3A_728 = arith.constant 120 : i32
        %add3A_729 = arith.addi %mul3A_393, %add3A_728 : i32
        %add3A_730 = arith.addi %add3A_729, %shift_right_arithmetic3A_600 : i32
        %get3A_731 = arith.index_cast %add3A_730 : i32 to index
        %get3A_732 = arith.index_cast %mul3A_604 : i32 to index
        %get3A_733 = tpu.vector_load %arg5[%get3A_731, %get3A_732] {strides = array<i32>} : memref<304x256xf32, #tpu.memory_space<vmem>>, vector<16xf32>,
        %add3A_734 = arith.addf %add3A_575, %get3A_733 : vector<16xf32>
        %add3A_735 = arith.constant 128 : i32
        %add3A_736 = arith.addi %mul3A_393, %add3A_735 : i32
        %add3A_737 = arith.addi %add3A_736, %shift_right_arithmetic3A_600 : i32
        %get3A_738 = arith.index_cast %add3A_737 : i32 to index
        %get3A_739 = arith.index_cast %mul3A_604 : i32 to index
        %get3A_740 = tpu.vector_load %arg5[%get3A_738, %get3A_739] {strides = array<i32>} : memref<304x256xf32, #tpu.memory_space<vmem>>, vector<16xf32>,
        %add3A_741 = arith.addf %add3A_582, %get3A_740 : vector<16xf32>
        %add3A_742 = arith.constant 136 : i32
        %add3A_743 = arith.addi %mul3A_393, %add3A_742 : i32
        %add3A_744 = arith.addi %add3A_743, %shift_right_arithmetic3A_600 : i32
        %get3A_745 = arith.index_cast %add3A_744 : i32 to index
        %get3A_746 = arith.index_cast %mul3A_604 : i32 to index
        %get3A_747 = tpu.vector_load %arg5[%get3A_745, %get3A_746] {strides = array<i32>} : memref<304x256xf32, #tpu.memory_space<vmem>>, vector<16xf32>,
        %add3A_748 = arith.addf %add3A_589, %get3A_747 : vector<16xf32>
        %add3A_749 = arith.constant 144 : i32
        %add3A_750 = arith.addi %mul3A_393, %add3A_749 : i32
        %add3A_751 = arith.addi %add3A_750, %shift_right_arithmetic3A_600 : i32
        %get3A_752 = arith.index_cast %add3A_751 : i32 to index
        %get3A_753 = arith.index_cast %mul3A_604 : i32 to index
        %get3A_754 = tpu.vector_load %arg5[%get3A_752, %get3A_753] {strides = array<i32>} : memref<304x256xf32, #tpu.memory_space<vmem>>, vector<16xf32>,
        %add3A_755 = arith.addf %add3A_596, %get3A_754 : vector<16xf32>
        scf.yield %add3A_629, %add3A_636, %add3A_643, %add3A_650, %add3A_657, %add3A_664, %add3A_671, %add3A_678, %add3A_685, %add3A_692, %add3A_699, %add3A_706, %add3A_713, %add3A_720, %add3A_727, %add3A_734, %add3A_741, %add3A_748, %add3A_755 : vector<16xf32>, vector<16xf32>, vector<16xf32>, vector<16xf32>, vector<16xf32>, vector<16xf32>, vector<16xf32>, vector<16xf32>, vector<16xf32>, vector<16xf32>, vector<16xf32>, vector<16xf32>, vector<16xf32>, vector<16xf32>, vector<16xf32>, vector<16xf32>, vector<16xf32>, vector<16xf32>, vector<16xf32>
      }
      %scan3A_401 = arith.constant 128 : i32
      %jit3A_402 = arith.constant 2 : i32
      %eq3A_403 = arith.constant 0 : i32
      %eq3A_404 = arith.cmpi eq, %jit3A_402, %eq3A_403 : i32
      %jit3A_405 = arith.constant 1 : i32
      %select_n3A_406 = arith.select %eq3A_404, %jit3A_405, %jit3A_402 : i32
      %rem3A_407 = arith.remsi %scan3A_288, %select_n3A_406 : i32
      %ne3A_408 = arith.constant 0 : i32
      %ne3A_409 = arith.cmpi ne, %rem3A_407, %ne3A_408 : i32
      %lt3A_410 = arith.constant 0 : i32
      %lt3A_411 = arith.cmpi slt, %rem3A_407, %lt3A_410 : i32
      %lt3A_412 = arith.constant 0 : i32
      %lt3A_413 = arith.cmpi slt, %select_n3A_406, %lt3A_412 : i32
      %ne3A_414 = arith.xori %lt3A_411, %lt3A_413 : i1
      %and3A_415 = arith.andi %ne3A_414, %ne3A_409 : i1
      %add3A_416 = arith.addi %rem3A_407, %select_n3A_406 : i32
      %select_n3A_417 = arith.select %and3A_415, %add3A_416, %rem3A_407 : i32
      %eq3A_418 = arith.constant 1 : i32
      %eq3A_419 = arith.cmpi eq, %select_n3A_417, %eq3A_418 : i32
      %convert_element_type3A_420 = arith.extui %eq3A_419 : i1 to i32
      %cond3A_421 = arith.constant 0 : i32
      %cond3A_422 = arith.cmpi ne, %convert_element_type3A_420, %cond3A_421 : i32
      scf.if %cond3A_422 {
        %swap3A = arith.constant 0 : i32
        %swap3A_423 = arith.index_cast %swap3A : i32 to index
        %swap3A_424 = arith.constant 0 : index
        %swap3A_425 = tpu.vector_load %arg9[%swap3A_423, %swap3A_424] {strides = array<i32>} : memref<1x304xf32, #tpu.memory_space<vmem>>, vector<16xf32>,
        tpu.vector_store %arg9[%swap3A_423, %swap3A_424], %scan3A_400#0 {strides = array<i32>} : memref<1x304xf32, #tpu.memory_space<vmem>>, vector<16xf32>,
        %swap3A_426 = arith.constant 0 : i32
        %swap3A_427 = arith.index_cast %swap3A_426 : i32 to index
        %swap3A_428 = arith.constant 16 : index
        %swap3A_429 = tpu.vector_load %arg9[%swap3A_427, %swap3A_428] {strides = array<i32>} : memref<1x304xf32, #tpu.memory_space<vmem>>, vector<16xf32>,
        tpu.vector_store %arg9[%swap3A_427, %swap3A_428], %scan3A_400#1 {strides = array<i32>} : memref<1x304xf32, #tpu.memory_space<vmem>>, vector<16xf32>,
        %swap3A_430 = arith.constant 0 : i32
        %swap3A_431 = arith.index_cast %swap3A_430 : i32 to index
        %swap3A_432 = arith.constant 32 : index
        %swap3A_433 = tpu.vector_load %arg9[%swap3A_431, %swap3A_432] {strides = array<i32>} : memref<1x304xf32, #tpu.memory_space<vmem>>, vector<16xf32>,
        tpu.vector_store %arg9[%swap3A_431, %swap3A_432], %scan3A_400#2 {strides = array<i32>} : memref<1x304xf32, #tpu.memory_space<vmem>>, vector<16xf32>,
        %swap3A_434 = arith.constant 0 : i32
        %swap3A_435 = arith.index_cast %swap3A_434 : i32 to index
        %swap3A_436 = arith.constant 48 : index
        %swap3A_437 = tpu.vector_load %arg9[%swap3A_435, %swap3A_436] {strides = array<i32>} : memref<1x304xf32, #tpu.memory_space<vmem>>, vector<16xf32>,
        tpu.vector_store %arg9[%swap3A_435, %swap3A_436], %scan3A_400#3 {strides = array<i32>} : memref<1x304xf32, #tpu.memory_space<vmem>>, vector<16xf32>,
        %swap3A_438 = arith.constant 0 : i32
        %swap3A_439 = arith.index_cast %swap3A_438 : i32 to index
        %swap3A_440 = arith.constant 64 : index
        %swap3A_441 = tpu.vector_load %arg9[%swap3A_439, %swap3A_440] {strides = array<i32>} : memref<1x304xf32, #tpu.memory_space<vmem>>, vector<16xf32>,
        tpu.vector_store %arg9[%swap3A_439, %swap3A_440], %scan3A_400#4 {strides = array<i32>} : memref<1x304xf32, #tpu.memory_space<vmem>>, vector<16xf32>,
        %swap3A_442 = arith.constant 0 : i32
        %swap3A_443 = arith.index_cast %swap3A_442 : i32 to index
        %swap3A_444 = arith.constant 80 : index
        %swap3A_445 = tpu.vector_load %arg9[%swap3A_443, %swap3A_444] {strides = array<i32>} : memref<1x304xf32, #tpu.memory_space<vmem>>, vector<16xf32>,
        tpu.vector_store %arg9[%swap3A_443, %swap3A_444], %scan3A_400#5 {strides = array<i32>} : memref<1x304xf32, #tpu.memory_space<vmem>>, vector<16xf32>,
        %swap3A_446 = arith.constant 0 : i32
        %swap3A_447 = arith.index_cast %swap3A_446 : i32 to index
        %swap3A_448 = arith.constant 96 : index
        %swap3A_449 = tpu.vector_load %arg9[%swap3A_447, %swap3A_448] {strides = array<i32>} : memref<1x304xf32, #tpu.memory_space<vmem>>, vector<16xf32>,
        tpu.vector_store %arg9[%swap3A_447, %swap3A_448], %scan3A_400#6 {strides = array<i32>} : memref<1x304xf32, #tpu.memory_space<vmem>>, vector<16xf32>,
        %swap3A_450 = arith.constant 0 : i32
        %swap3A_451 = arith.index_cast %swap3A_450 : i32 to index
        %swap3A_452 = arith.constant 112 : index
        %swap3A_453 = tpu.vector_load %arg9[%swap3A_451, %swap3A_452] {strides = array<i32>} : memref<1x304xf32, #tpu.memory_space<vmem>>, vector<16xf32>,
        tpu.vector_store %arg9[%swap3A_451, %swap3A_452], %scan3A_400#7 {strides = array<i32>} : memref<1x304xf32, #tpu.memory_space<vmem>>, vector<16xf32>,
        %swap3A_454 = arith.constant 0 : i32
        %swap3A_455 = arith.index_cast %swap3A_454 : i32 to index
        %swap3A_456 = arith.constant 128 : index
        %swap3A_457 = tpu.vector_load %arg9[%swap3A_455, %swap3A_456] {strides = array<i32>} : memref<1x304xf32, #tpu.memory_space<vmem>>, vector<16xf32>,
        tpu.vector_store %arg9[%swap3A_455, %swap3A_456], %scan3A_400#8 {strides = array<i32>} : memref<1x304xf32, #tpu.memory_space<vmem>>, vector<16xf32>,
        %swap3A_458 = arith.constant 0 : i32
        %swap3A_459 = arith.index_cast %swap3A_458 : i32 to index
        %swap3A_460 = arith.constant 144 : index
        %swap3A_461 = tpu.vector_load %arg9[%swap3A_459, %swap3A_460] {strides = array<i32>} : memref<1x304xf32, #tpu.memory_space<vmem>>, vector<16xf32>,
        tpu.vector_store %arg9[%swap3A_459, %swap3A_460], %scan3A_400#9 {strides = array<i32>} : memref<1x304xf32, #tpu.memory_space<vmem>>, vector<16xf32>,
        %swap3A_462 = arith.constant 0 : i32
        %swap3A_463 = arith.index_cast %swap3A_462 : i32 to index
        %swap3A_464 = arith.constant 160 : index
        %swap3A_465 = tpu.vector_load %arg9[%swap3A_463, %swap3A_464] {strides = array<i32>} : memref<1x304xf32, #tpu.memory_space<vmem>>, vector<16xf32>,
        tpu.vector_store %arg9[%swap3A_463, %swap3A_464], %scan3A_400#10 {strides = array<i32>} : memref<1x304xf32, #tpu.memory_space<vmem>>, vector<16xf32>,
        %swap3A_466 = arith.constant 0 : i32
        %swap3A_467 = arith.index_cast %swap3A_466 : i32 to index
        %swap3A_468 = arith.constant 176 : index
        %swap3A_469 = tpu.vector_load %arg9[%swap3A_467, %swap3A_468] {strides = array<i32>} : memref<1x304xf32, #tpu.memory_space<vmem>>, vector<16xf32>,
        tpu.vector_store %arg9[%swap3A_467, %swap3A_468], %scan3A_400#11 {strides = array<i32>} : memref<1x304xf32, #tpu.memory_space<vmem>>, vector<16xf32>,
        %swap3A_470 = arith.constant 0 : i32
        %swap3A_471 = arith.index_cast %swap3A_470 : i32 to index
        %swap3A_472 = arith.constant 192 : index
        %swap3A_473 = tpu.vector_load %arg9[%swap3A_471, %swap3A_472] {strides = array<i32>} : memref<1x304xf32, #tpu.memory_space<vmem>>, vector<16xf32>,
        tpu.vector_store %arg9[%swap3A_471, %swap3A_472], %scan3A_400#12 {strides = array<i32>} : memref<1x304xf32, #tpu.memory_space<vmem>>, vector<16xf32>,
        %swap3A_474 = arith.constant 0 : i32
        %swap3A_475 = arith.index_cast %swap3A_474 : i32 to index
        %swap3A_476 = arith.constant 208 : index
        %swap3A_477 = tpu.vector_load %arg9[%swap3A_475, %swap3A_476] {strides = array<i32>} : memref<1x304xf32, #tpu.memory_space<vmem>>, vector<16xf32>,
        tpu.vector_store %arg9[%swap3A_475, %swap3A_476], %scan3A_400#13 {strides = array<i32>} : memref<1x304xf32, #tpu.memory_space<vmem>>, vector<16xf32>,
        %swap3A_478 = arith.constant 0 : i32
        %swap3A_479 = arith.index_cast %swap3A_478 : i32 to index
        %swap3A_480 = arith.constant 224 : index
        %swap3A_481 = tpu.vector_load %arg9[%swap3A_479, %swap3A_480] {strides = array<i32>} : memref<1x304xf32, #tpu.memory_space<vmem>>, vector<16xf32>,
        tpu.vector_store %arg9[%swap3A_479, %swap3A_480], %scan3A_400#14 {strides = array<i32>} : memref<1x304xf32, #tpu.memory_space<vmem>>, vector<16xf32>,
        %swap3A_482 = arith.constant 0 : i32
        %swap3A_483 = arith.index_cast %swap3A_482 : i32 to index
        %swap3A_484 = arith.constant 240 : index
        %swap3A_485 = tpu.vector_load %arg9[%swap3A_483, %swap3A_484] {strides = array<i32>} : memref<1x304xf32, #tpu.memory_space<vmem>>, vector<16xf32>,
        tpu.vector_store %arg9[%swap3A_483, %swap3A_484], %scan3A_400#15 {strides = array<i32>} : memref<1x304xf32, #tpu.memory_space<vmem>>, vector<16xf32>,
        %swap3A_486 = arith.constant 0 : i32
        %swap3A_487 = arith.index_cast %swap3A_486 : i32 to index
        %swap3A_488 = arith.constant 256 : index
        %swap3A_489 = tpu.vector_load %arg9[%swap3A_487, %swap3A_488] {strides = array<i32>} : memref<1x304xf32, #tpu.memory_space<vmem>>, vector<16xf32>,
        tpu.vector_store %arg9[%swap3A_487, %swap3A_488], %scan3A_400#16 {strides = array<i32>} : memref<1x304xf32, #tpu.memory_space<vmem>>, vector<16xf32>,
        %swap3A_490 = arith.constant 0 : i32
        %swap3A_491 = arith.index_cast %swap3A_490 : i32 to index
        %swap3A_492 = arith.constant 272 : index
        %swap3A_493 = tpu.vector_load %arg9[%swap3A_491, %swap3A_492] {strides = array<i32>} : memref<1x304xf32, #tpu.memory_space<vmem>>, vector<16xf32>,
        tpu.vector_store %arg9[%swap3A_491, %swap3A_492], %scan3A_400#17 {strides = array<i32>} : memref<1x304xf32, #tpu.memory_space<vmem>>, vector<16xf32>,
        %swap3A_494 = arith.constant 0 : i32
        %swap3A_495 = arith.index_cast %swap3A_494 : i32 to index
        %swap3A_496 = arith.constant 288 : index
        %swap3A_497 = tpu.vector_load %arg9[%swap3A_495, %swap3A_496] {strides = array<i32>} : memref<1x304xf32, #tpu.memory_space<vmem>>, vector<16xf32>,
        tpu.vector_store %arg9[%swap3A_495, %swap3A_496], %scan3A_400#18 {strides = array<i32>} : memref<1x304xf32, #tpu.memory_space<vmem>>, vector<16xf32>,
        %jit3A_498 = arith.constant 2 : i32
        %div3A_499 = arith.divsi %scan3A_288, %jit3A_498 : i32
        %sign3A_500 = arith.constant 0 : i32
        %sign3A_501 = arith.cmpi sgt, %scan3A_288, %sign3A_500 : i32
        %sign3A_502 = arith.extui %sign3A_501 : i1 to i32
        %sign3A_503 = arith.constant 0 : i32
        %sign3A_504 = arith.cmpi slt, %scan3A_288, %sign3A_503 : i32
        %sign3A_505 = arith.extui %sign3A_504 : i1 to i32
        %sign3A_506 = arith.subi %sign3A_502, %sign3A_505 : i32
        %sign3A_507 = arith.constant 0 : i32
        %sign3A_508 = arith.cmpi sgt, %jit3A_498, %sign3A_507 : i32
        %sign3A_509 = arith.extui %sign3A_508 : i1 to i32
        %sign3A_510 = arith.constant 0 : i32
        %sign3A_511 = arith.cmpi slt, %jit3A_498, %sign3A_510 : i32
        %sign3A_512 = arith.extui %sign3A_511 : i1 to i32
        %sign3A_513 = arith.subi %sign3A_509, %sign3A_512 : i32
        %ne3A_514 = arith.cmpi ne, %sign3A_506, %sign3A_513 : i32
        %rem3A_515 = arith.remsi %scan3A_288, %jit3A_498 : i32
        %ne3A_516 = arith.constant 0 : i32
        %ne3A_517 = arith.cmpi ne, %rem3A_515, %ne3A_516 : i32
        %and3A_518 = arith.andi %ne3A_514, %ne3A_517 : i1
        %sub3A_519 = arith.constant 1 : i32
        %sub3A_520 = arith.subi %div3A_499, %sub3A_519 : i32
        %select_n3A_521 = arith.select %and3A_518, %sub3A_520, %div3A_499 : i32
        %mul3A_522 = arith.constant 24 : i32
        %mul3A_523 = arith.muli %add3A, %mul3A_522 : i32
        %add3A_524 = arith.addi %mul3A_523, %select_n3A_521 : i32
        "tpu.region"() ({
          %run_scoped3A = tpu.sem_alloc : memref<!tpu.dma_semaphore, #tpu.memory_space<semaphore_mem>>
          %dma_start3A_529 = arith.constant 0 : i32
          %dma_start3A_530 = tpu.memref_slice %arg4[%add3A_524, %dma_start3A_529] : memref<768x304xf32, #tpu.memory_space<hbm>> -> memref<1x304xf32, #tpu.memory_space<hbm>>
          %dma_start3A_531 = arith.constant 0 : i32
          %dma_start3A_532 = tpu.memref_slice %arg4[%add3A_524, %dma_start3A_531] : memref<768x304xf32, #tpu.memory_space<hbm>> -> memref<1x304xf32, #tpu.memory_space<hbm>>
          tpu.enqueue_dma source(%arg9 : memref<1x304xf32, #tpu.memory_space<vmem>>) target(%dma_start3A_532 : memref<1x304xf32, #tpu.memory_space<hbm>>) target_semaphore(%run_scoped3A : memref<!tpu.dma_semaphore, #tpu.memory_space<semaphore_mem>>)
          %dma_wait3A = arith.constant 0 : i32
          %dma_wait3A_533 = tpu.memref_slice %arg4[%add3A_524, %dma_wait3A] : memref<768x304xf32, #tpu.memory_space<hbm>> -> memref<1x304xf32, #tpu.memory_space<hbm>>
          %dma_wait3A_534 = arith.constant 0 : i32
          %dma_wait3A_535 = tpu.memref_slice %arg4[%add3A_524, %dma_wait3A_534] : memref<768x304xf32, #tpu.memory_space<hbm>> -> memref<1x304xf32, #tpu.memory_space<hbm>>
          tpu.wait_dma2 semaphore(%run_scoped3A : memref<!tpu.dma_semaphore, #tpu.memory_space<semaphore_mem>>) src(%arg9 : memref<1x304xf32, #tpu.memory_space<vmem>>) dst(%dma_wait3A_535 : memref<1x304xf32, #tpu.memory_space<hbm>>)
          tpu.yield
        }) : () -> ()
        %add3A_525 = arith.constant 8 : i32
        %add3A_526 = arith.addi %add3A_524, %add3A_525 : i32
        "tpu.region"() ({
          %run_scoped3A = tpu.sem_alloc : memref<!tpu.dma_semaphore, #tpu.memory_space<semaphore_mem>>
          %dma_start3A_529 = arith.constant 0 : i32
          %dma_start3A_530 = tpu.memref_slice %arg4[%add3A_526, %dma_start3A_529] : memref<768x304xf32, #tpu.memory_space<hbm>> -> memref<1x304xf32, #tpu.memory_space<hbm>>
          %dma_start3A_531 = arith.constant 0 : i32
          %dma_start3A_532 = tpu.memref_slice %arg4[%add3A_526, %dma_start3A_531] : memref<768x304xf32, #tpu.memory_space<hbm>> -> memref<1x304xf32, #tpu.memory_space<hbm>>
          tpu.enqueue_dma source(%arg7 : memref<1x304xf32, #tpu.memory_space<vmem>>) target(%dma_start3A_532 : memref<1x304xf32, #tpu.memory_space<hbm>>) target_semaphore(%run_scoped3A : memref<!tpu.dma_semaphore, #tpu.memory_space<semaphore_mem>>)
          %dma_wait3A = arith.constant 0 : i32
          %dma_wait3A_533 = tpu.memref_slice %arg4[%add3A_526, %dma_wait3A] : memref<768x304xf32, #tpu.memory_space<hbm>> -> memref<1x304xf32, #tpu.memory_space<hbm>>
          %dma_wait3A_534 = arith.constant 0 : i32
          %dma_wait3A_535 = tpu.memref_slice %arg4[%add3A_526, %dma_wait3A_534] : memref<768x304xf32, #tpu.memory_space<hbm>> -> memref<1x304xf32, #tpu.memory_space<hbm>>
          tpu.wait_dma2 semaphore(%run_scoped3A : memref<!tpu.dma_semaphore, #tpu.memory_space<semaphore_mem>>) src(%arg7 : memref<1x304xf32, #tpu.memory_space<vmem>>) dst(%dma_wait3A_535 : memref<1x304xf32, #tpu.memory_space<hbm>>)
          tpu.yield
        }) : () -> ()
        %add3A_527 = arith.constant 16 : i32
        %add3A_528 = arith.addi %add3A_524, %add3A_527 : i32
        "tpu.region"() ({
          %run_scoped3A = tpu.sem_alloc : memref<!tpu.dma_semaphore, #tpu.memory_space<semaphore_mem>>
          %dma_start3A_529 = arith.constant 0 : i32
          %dma_start3A_530 = tpu.memref_slice %arg4[%add3A_528, %dma_start3A_529] : memref<768x304xf32, #tpu.memory_space<hbm>> -> memref<1x304xf32, #tpu.memory_space<hbm>>
          %dma_start3A_531 = arith.constant 0 : i32
          %dma_start3A_532 = tpu.memref_slice %arg4[%add3A_528, %dma_start3A_531] : memref<768x304xf32, #tpu.memory_space<hbm>> -> memref<1x304xf32, #tpu.memory_space<hbm>>
          tpu.enqueue_dma source(%arg8 : memref<1x304xf32, #tpu.memory_space<vmem>>) target(%dma_start3A_532 : memref<1x304xf32, #tpu.memory_space<hbm>>) target_semaphore(%run_scoped3A : memref<!tpu.dma_semaphore, #tpu.memory_space<semaphore_mem>>)
          %dma_wait3A = arith.constant 0 : i32
          %dma_wait3A_533 = tpu.memref_slice %arg4[%add3A_528, %dma_wait3A] : memref<768x304xf32, #tpu.memory_space<hbm>> -> memref<1x304xf32, #tpu.memory_space<hbm>>
          %dma_wait3A_534 = arith.constant 0 : i32
          %dma_wait3A_535 = tpu.memref_slice %arg4[%add3A_528, %dma_wait3A_534] : memref<768x304xf32, #tpu.memory_space<hbm>> -> memref<1x304xf32, #tpu.memory_space<hbm>>
          tpu.wait_dma2 semaphore(%run_scoped3A : memref<!tpu.dma_semaphore, #tpu.memory_space<semaphore_mem>>) src(%arg8 : memref<1x304xf32, #tpu.memory_space<vmem>>) dst(%dma_wait3A_535 : memref<1x304xf32, #tpu.memory_space<hbm>>)
          tpu.yield
        }) : () -> ()
      } else {
      }
      scf.yield %scan3A_400#0, %scan3A_400#1, %scan3A_400#2, %scan3A_400#3, %scan3A_400#4, %scan3A_400#5, %scan3A_400#6, %scan3A_400#7, %scan3A_400#8, %scan3A_400#9, %scan3A_400#10, %scan3A_400#11, %scan3A_400#12, %scan3A_400#13, %scan3A_400#14, %scan3A_400#15, %scan3A_400#16, %scan3A_400#17, %scan3A_400#18 : vector<16xf32>, vector<16xf32>, vector<16xf32>, vector<16xf32>, vector<16xf32>, vector<16xf32>, vector<16xf32>, vector<16xf32>, vector<16xf32>, vector<16xf32>, vector<16xf32>, vector<16xf32>, vector<16xf32>, vector<16xf32>, vector<16xf32>, vector<16xf32>, vector<16xf32>, vector<16xf32>, vector<16xf32>
    }
    %scan3A_287 = arith.constant 16 : i32
    return
  }
}

module attributes {stable_mosaic.version = 14 : i64} {
  func.func @_tc_body(%arg0: i32, %arg1: i32, %arg2: memref<1x19x64x512xf32, #tpu.memory_space<vmem>>, %arg3: memref<1x1x64x512xi32, #tpu.memory_space<vmem>>, %arg4: memref<3x8x19xf32, #tpu.memory_space<vmem>>) attributes {dimension_semantics = [#tpu.dimension_semantics<arbitrary>, #tpu.dimension_semantics<arbitrary>], iteration_bounds = array<i64: 8, 4>, scalar_prefetch = 0 : i64, scratch_operands = 0 : i64, tpu.core_type = #tpu.core_type<tc>, window_params = [{transform_indices = @transform_0, window_bounds = array<i64: 1, 19, 64, 512>}, {transform_indices = @transform_1, window_bounds = array<i64: 1, 1, 64, 512>}, {pipeline_mode = #tpu.pipeline_mode<synchronous>, transform_indices = @transform_2, window_bounds = array<i64: 3, 8, 19>}]} {
    %get3A = arith.constant 0 : index
    %get3A_0 = arith.constant 0 : index
    %get3A_1 = arith.constant 0 : index
    %get3A_2 = arith.constant 0 : index
    %get3A_3 = vector.load %arg2[%get3A, %get3A_0, %get3A_1, %get3A_2] : memref<1x19x64x512xf32, #tpu.memory_space<vmem>>, vector<1x19x64x512xf32>
    %get3A_4 = vector.shape_cast %get3A_3 : vector<1x19x64x512xf32> to vector<19x64x512xf32>
    %get3A_5 = arith.constant 0 : index
    %get3A_6 = arith.constant 0 : index
    %get3A_7 = arith.constant 0 : index
    %get3A_8 = arith.constant 0 : index
    %get3A_9 = vector.load %arg3[%get3A_5, %get3A_6, %get3A_7, %get3A_8] : memref<1x1x64x512xi32, #tpu.memory_space<vmem>>, vector<1x1x64x512xi32>
    %get3A_10 = vector.shape_cast %get3A_9 : vector<1x1x64x512xi32> to vector<64x512xi32>
    %iota3A = tpu.iota {dimensions = array<i32: 0>} : vector<19x1x1xi32>
    %broadcast_in_dim3A = vector.shape_cast %get3A_10 : vector<64x512xi32> to vector<1x64x512xi32>
    %eq3A = vector.broadcast %broadcast_in_dim3A : vector<1x64x512xi32> to vector<19x64x512xi32>
    %eq3A_11 = vector.broadcast %iota3A : vector<19x1x1xi32> to vector<19x64x512xi32>
    %eq3A_12 = arith.cmpi eq, %eq3A, %eq3A_11 : vector<19x64x512xi32>
    %reduce_sum3A = arith.constant dense<0.000000e+00> : vector<19xf32>
    %reduce_sum3A_13 = vector.multi_reduction <add>, %get3A_4, %reduce_sum3A [1, 2] : vector<19x64x512xf32> to vector<19xf32>
    %convert_element_type3A = arith.extui %eq3A_12 : vector<19x64x512xi1> to vector<19x64x512xi32>
    %convert_element_type3A_14 = arith.sitofp %convert_element_type3A : vector<19x64x512xi32> to vector<19x64x512xf32>
    %reduce_sum3A_15 = arith.constant dense<0.000000e+00> : vector<19xf32>
    %reduce_sum3A_16 = vector.multi_reduction <add>, %convert_element_type3A_14, %reduce_sum3A_15 [1, 2] : vector<19x64x512xf32> to vector<19xf32>
    %jit3A = arith.constant 0.000000e+00 : f32
    %broadcast_in_dim3A_17 = vector.broadcast %jit3A : f32 to vector<19x64x512xf32>
    %select_n3A = arith.select %eq3A_12, %get3A_4, %broadcast_in_dim3A_17 : vector<19x64x512xi1>, vector<19x64x512xf32>
    %reduce_sum3A_18 = arith.constant dense<0.000000e+00> : vector<19xf32>
    %reduce_sum3A_19 = vector.multi_reduction <add>, %select_n3A, %reduce_sum3A_18 [1, 2] : vector<19x64x512xf32> to vector<19xf32>
    %stack3A = vector.shape_cast %reduce_sum3A_13 : vector<19xf32> to vector<1x19xf32>
    %stack3A_20 = vector.shape_cast %reduce_sum3A_16 : vector<19xf32> to vector<1x19xf32>
    %stack3A_21 = vector.shape_cast %reduce_sum3A_19 : vector<19xf32> to vector<1x19xf32>
    %stack3A_22 = tpu.concatenate %stack3A, %stack3A_20, %stack3A_21 in 0 : vector<1x19xf32>, vector<1x19xf32>, vector<1x19xf32> -> vector<3x19xf32>
    %broadcast_in_dim3A_23 = vector.shape_cast %stack3A_22 : vector<3x19xf32> to vector<3x1x19xf32>
    %iota3A_24 = tpu.iota {dimensions = array<i32: 1>} : vector<1x8x1xi32>
    %eq3A_25 = vector.broadcast %arg0 : i32 to vector<1x8x1xi32>
    %eq3A_26 = arith.cmpi eq, %iota3A_24, %eq3A_25 : vector<1x8x1xi32>
    %convert_element_type3A_27 = arith.extui %eq3A_26 : vector<1x8x1xi1> to vector<1x8x1xi32>
    %convert_element_type3A_28 = arith.sitofp %convert_element_type3A_27 : vector<1x8x1xi32> to vector<1x8x1xf32>
    %eq3A_29 = arith.constant 0 : i32
    %eq3A_30 = arith.cmpi eq, %arg0, %eq3A_29 : i32
    %eq3A_31 = arith.constant 0 : i32
    %eq3A_32 = arith.cmpi eq, %arg1, %eq3A_31 : i32
    %and3A = arith.andi %eq3A_30, %eq3A_32 : i1
    %convert_element_type3A_33 = arith.extui %and3A : i1 to i32
    %cond3A = arith.constant 0 : i32
    %cond3A_34 = arith.cmpi ne, %convert_element_type3A_33, %cond3A : i32
    scf.if %cond3A_34 {
      %broadcast_in_dim3A_44 = arith.constant 0.000000e+00 : f32
      %broadcast_in_dim3A_45 = vector.broadcast %broadcast_in_dim3A_44 : f32 to vector<3x8x19xf32>
      %swap3A_46 = arith.constant 0 : index
      %swap3A_47 = arith.constant 0 : index
      %swap3A_48 = arith.constant 0 : index
      %swap3A_49 = vector.load %arg4[%swap3A_46, %swap3A_47, %swap3A_48] : memref<3x8x19xf32, #tpu.memory_space<vmem>>, vector<3x8x19xf32>
      tpu.vector_store %arg4[%swap3A_46, %swap3A_47, %swap3A_48], %broadcast_in_dim3A_45 {strides = array<i32>} : memref<3x8x19xf32, #tpu.memory_space<vmem>>, vector<3x8x19xf32>,
    } else {
    }
    %get3A_35 = arith.constant 0 : index
    %get3A_36 = arith.constant 0 : index
    %get3A_37 = arith.constant 0 : index
    %get3A_38 = vector.load %arg4[%get3A_35, %get3A_36, %get3A_37] : memref<3x8x19xf32, #tpu.memory_space<vmem>>, vector<3x8x19xf32>
    %mul3A = vector.broadcast %broadcast_in_dim3A_23 : vector<3x1x19xf32> to vector<3x8x19xf32>
    %mul3A_39 = vector.broadcast %convert_element_type3A_28 : vector<1x8x1xf32> to vector<3x8x19xf32>
    %mul3A_40 = arith.mulf %mul3A, %mul3A_39 : vector<3x8x19xf32>
    %add3A = arith.addf %get3A_38, %mul3A_40 : vector<3x8x19xf32>
    %swap3A = arith.constant 0 : index
    %swap3A_41 = arith.constant 0 : index
    %swap3A_42 = arith.constant 0 : index
    %swap3A_43 = vector.load %arg4[%swap3A, %swap3A_41, %swap3A_42] : memref<3x8x19xf32, #tpu.memory_space<vmem>>, vector<3x8x19xf32>
    tpu.vector_store %arg4[%swap3A, %swap3A_41, %swap3A_42], %add3A {strides = array<i32>} : memref<3x8x19xf32, #tpu.memory_space<vmem>>, vector<3x8x19xf32>,
    return
  }
  func.func @transform_0(%arg0: i32, %arg1: i32) -> (i32, i32, i32, i32) {
    %add3A = arith.constant 4 : i32
    %add3A_0 = arith.addi %add3A, %arg1 : i32
    %c0_i32 = arith.constant 0 : i32
    %c0_i32_1 = arith.constant 0 : i32
    %c0_i32_2 = arith.constant 0 : i32
    return %arg0, %c0_i32, %add3A_0, %c0_i32_1 : i32, i32, i32, i32
  }
  func.func @transform_1(%arg0: i32, %arg1: i32) -> (i32, i32, i32, i32) {
    %add3A = arith.constant 4 : i32
    %add3A_0 = arith.addi %add3A, %arg1 : i32
    %c0_i32 = arith.constant 0 : i32
    %c0_i32_1 = arith.constant 0 : i32
    %c0_i32_2 = arith.constant 0 : i32
    return %arg0, %c0_i32, %add3A_0, %c0_i32_1 : i32, i32, i32, i32
  }
  func.func @transform_2(%arg0: i32, %arg1: i32) -> (i32, i32, i32) {
    %c0_i32 = arith.constant 0 : i32
    %c0_i32_0 = arith.constant 0 : i32
    %c0_i32_1 = arith.constant 0 : i32
    %c0_i32_2 = arith.constant 0 : i32
    return %c0_i32, %c0_i32_0, %c0_i32_1 : i32, i32, i32
  }
}

module attributes {stable_mosaic.version = 14 : i64} {
  func.func @_combine_body(%arg0: memref<768x304xf32, #tpu.memory_space<vmem>>, %arg1: memref<3x8x19xf32, #tpu.memory_space<vmem>>, %arg2: memref<1x1xf32, #tpu.memory_space<smem>>) attributes {dimension_semantics = [], scalar_prefetch = 0 : i64, scratch_operands = 0 : i64, tpu.core_type = #tpu.core_type<tc>} {
    %get3A = arith.constant 0 : index
    %get3A_0 = arith.constant 0 : index
    %get3A_1 = vector.load %arg0[%get3A, %get3A_0] : memref<768x304xf32, #tpu.memory_space<vmem>>, vector<768x304xf32>
    %iota3A = tpu.iota {dimensions = array<i32: 0>} : vector<304x19xi32>
    %iota3A_2 = tpu.iota {dimensions = array<i32: 1>} : vector<304x19xi32>
    %jit3A = arith.constant 16 : i32
    %div3A = vector.broadcast %jit3A : i32 to vector<304x19xi32>
    %div3A_3 = arith.divsi %iota3A, %div3A : vector<304x19xi32>
    %sign3A = arith.constant 0 : i32
    %sign3A_4 = vector.broadcast %sign3A : i32 to vector<304x19xi32>
    %sign3A_5 = arith.cmpi sgt, %iota3A, %sign3A_4 : vector<304x19xi32>
    %sign3A_6 = arith.extui %sign3A_5 : vector<304x19xi1> to vector<304x19xi32>
    %sign3A_7 = arith.constant 0 : i32
    %sign3A_8 = vector.broadcast %sign3A_7 : i32 to vector<304x19xi32>
    %sign3A_9 = arith.cmpi slt, %iota3A, %sign3A_8 : vector<304x19xi32>
    %sign3A_10 = arith.extui %sign3A_9 : vector<304x19xi1> to vector<304x19xi32>
    %sign3A_11 = arith.subi %sign3A_6, %sign3A_10 : vector<304x19xi32>
    %sign3A_12 = arith.constant 0 : i32
    %sign3A_13 = arith.cmpi sgt, %jit3A, %sign3A_12 : i32
    %sign3A_14 = arith.extui %sign3A_13 : i1 to i32
    %sign3A_15 = arith.constant 0 : i32
    %sign3A_16 = arith.cmpi slt, %jit3A, %sign3A_15 : i32
    %sign3A_17 = arith.extui %sign3A_16 : i1 to i32
    %sign3A_18 = arith.subi %sign3A_14, %sign3A_17 : i32
    %ne3A = vector.broadcast %sign3A_18 : i32 to vector<304x19xi32>
    %ne3A_19 = arith.cmpi ne, %sign3A_11, %ne3A : vector<304x19xi32>
    %rem3A = vector.broadcast %jit3A : i32 to vector<304x19xi32>
    %rem3A_20 = arith.remsi %iota3A, %rem3A : vector<304x19xi32>
    %ne3A_21 = arith.constant 0 : i32
    %ne3A_22 = vector.broadcast %ne3A_21 : i32 to vector<304x19xi32>
    %ne3A_23 = arith.cmpi ne, %rem3A_20, %ne3A_22 : vector<304x19xi32>
    %and3A = arith.andi %ne3A_19, %ne3A_23 : vector<304x19xi1>
    %sub3A = arith.constant 1 : i32
    %sub3A_24 = vector.broadcast %sub3A : i32 to vector<304x19xi32>
    %sub3A_25 = arith.subi %div3A_3, %sub3A_24 : vector<304x19xi32>
    %select_n3A = arith.select %and3A, %sub3A_25, %div3A_3 : vector<304x19xi1>, vector<304x19xi32>
    %eq3A = arith.cmpi eq, %select_n3A, %iota3A_2 : vector<304x19xi32>
    %convert_element_type3A = arith.extui %eq3A : vector<304x19xi1> to vector<304x19xi32>
    %convert_element_type3A_26 = arith.sitofp %convert_element_type3A : vector<304x19xi32> to vector<304x19xf32>
    %dot_general3A = arith.constant dense<0.000000e+00> : vector<768x19xf32>
    %dot_general3A_27 = tpu.matmul %get3A_1, %convert_element_type3A_26, %dot_general3A {dimension_numbers = #tpu.dot_dimension_numbers<[1], [0], [0], [1], [0, 0, 1, 1], [], []>, transpose_lhs_hint = false} : vector<768x304xf32>, vector<304x19xf32>, vector<768x19xf32> -> vector<768x19xf32>
    %iota3A_28 = tpu.iota {dimensions = array<i32: 0>} : vector<24x768xi32>
    %iota3A_29 = tpu.iota {dimensions = array<i32: 1>} : vector<24x768xi32>
    %jit3A_30 = arith.constant 24 : i32
    %eq3A_31 = arith.constant 0 : i32
    %eq3A_32 = arith.cmpi eq, %jit3A_30, %eq3A_31 : i32
    %jit3A_33 = arith.constant 1 : i32
    %select_n3A_34 = arith.select %eq3A_32, %jit3A_33, %jit3A_30 : i32
    %rem3A_35 = vector.broadcast %select_n3A_34 : i32 to vector<24x768xi32>
    %rem3A_36 = arith.remsi %iota3A_29, %rem3A_35 : vector<24x768xi32>
    %ne3A_37 = arith.constant 0 : i32
    %ne3A_38 = vector.broadcast %ne3A_37 : i32 to vector<24x768xi32>
    %ne3A_39 = arith.cmpi ne, %rem3A_36, %ne3A_38 : vector<24x768xi32>
    %lt3A = arith.constant 0 : i32
    %lt3A_40 = vector.broadcast %lt3A : i32 to vector<24x768xi32>
    %lt3A_41 = arith.cmpi slt, %rem3A_36, %lt3A_40 : vector<24x768xi32>
    %lt3A_42 = arith.constant 0 : i32
    %lt3A_43 = arith.cmpi slt, %select_n3A_34, %lt3A_42 : i32
    %ne3A_44 = vector.broadcast %lt3A_43 : i1 to vector<24x768xi1>
    %ne3A_45 = vector.broadcast %ne3A_44 : vector<24x768xi1> to vector<24x768xi1>
    %ne3A_46 = arith.xori %lt3A_41, %ne3A_45 : vector<24x768xi1>
    %and3A_47 = arith.andi %ne3A_46, %ne3A_39 : vector<24x768xi1>
    %add3A = vector.broadcast %select_n3A_34 : i32 to vector<24x768xi32>
    %add3A_48 = arith.addi %rem3A_36, %add3A : vector<24x768xi32>
    %select_n3A_49 = arith.select %and3A_47, %add3A_48, %rem3A_36 : vector<24x768xi1>, vector<24x768xi32>
    %eq3A_50 = arith.cmpi eq, %select_n3A_49, %iota3A_28 : vector<24x768xi32>
    %convert_element_type3A_51 = arith.extui %eq3A_50 : vector<24x768xi1> to vector<24x768xi32>
    %convert_element_type3A_52 = arith.sitofp %convert_element_type3A_51 : vector<24x768xi32> to vector<24x768xf32>
    %dot_general3A_53 = arith.constant dense<0.000000e+00> : vector<24x19xf32>
    %dot_general3A_54 = tpu.matmul %convert_element_type3A_52, %dot_general3A_27, %dot_general3A_53 {dimension_numbers = #tpu.dot_dimension_numbers<[1], [0], [0], [1], [0, 0, 1, 1], [], []>, transpose_lhs_hint = false} : vector<24x768xf32>, vector<768x19xf32>, vector<24x19xf32> -> vector<24x19xf32>
    %get3A_55 = arith.constant 0 : index
    %get3A_56 = arith.constant 0 : index
    %get3A_57 = arith.constant 0 : index
    %get3A_58 = vector.load %arg1[%get3A_55, %get3A_56, %get3A_57] : memref<3x8x19xf32, #tpu.memory_space<vmem>>, vector<3x8x19xf32>
    %slice3A = vector.extract_strided_slice %dot_general3A_54 {offsets = [0, 0], sizes = [8, 19], strides = [1, 1]} : vector<24x19xf32> to vector<8x19xf32>
    %slice3A_59 = vector.extract_strided_slice %get3A_58 {offsets = [0, 0, 0], sizes = [1, 8, 19], strides = [1, 1, 1]} : vector<3x8x19xf32> to vector<1x8x19xf32>
    %squeeze3A = vector.shape_cast %slice3A_59 : vector<1x8x19xf32> to vector<8x19xf32>
    %add3A_60 = arith.addf %slice3A, %squeeze3A : vector<8x19xf32>
    %slice3A_61 = vector.extract_strided_slice %dot_general3A_54 {offsets = [8, 0], sizes = [8, 19], strides = [1, 1]} : vector<24x19xf32> to vector<8x19xf32>
    %slice3A_62 = vector.extract_strided_slice %get3A_58 {offsets = [1, 0, 0], sizes = [1, 8, 19], strides = [1, 1, 1]} : vector<3x8x19xf32> to vector<1x8x19xf32>
    %squeeze3A_63 = vector.shape_cast %slice3A_62 : vector<1x8x19xf32> to vector<8x19xf32>
    %add3A_64 = arith.addf %slice3A_61, %squeeze3A_63 : vector<8x19xf32>
    %slice3A_65 = vector.extract_strided_slice %dot_general3A_54 {offsets = [16, 0], sizes = [8, 19], strides = [1, 1]} : vector<24x19xf32> to vector<8x19xf32>
    %slice3A_66 = vector.extract_strided_slice %get3A_58 {offsets = [2, 0, 0], sizes = [1, 8, 19], strides = [1, 1, 1]} : vector<3x8x19xf32> to vector<1x8x19xf32>
    %squeeze3A_67 = vector.shape_cast %slice3A_66 : vector<1x8x19xf32> to vector<8x19xf32>
    %add3A_68 = arith.addf %slice3A_65, %squeeze3A_67 : vector<8x19xf32>
    %add3A_69 = arith.constant 1.000000e+00 : f32
    %add3A_70 = vector.broadcast %add3A_69 : f32 to vector<8x19xf32>
    %add3A_71 = arith.addf %add3A_68, %add3A_70 : vector<8x19xf32>
    %add3A_72 = arith.addf %add3A_60, %add3A_64 : vector<8x19xf32>
    %add3A_73 = arith.constant 1.000000e+00 : f32
    %add3A_74 = vector.broadcast %add3A_73 : f32 to vector<8x19xf32>
    %add3A_75 = arith.addf %add3A_72, %add3A_74 : vector<8x19xf32>
    %div3A_76 = arith.divf %add3A_71, %add3A_75 : vector<8x19xf32>
    %reduce_sum3A = vector.shape_cast %div3A_76 : vector<8x19xf32> to vector<1x8x19xf32>
    %reduce_sum3A_77 = arith.constant dense<0.000000e+00> : vector<1xf32>
    %reduce_sum3A_78 = vector.multi_reduction <add>, %reduce_sum3A, %reduce_sum3A_77 [1, 2] : vector<1x8x19xf32> to vector<1xf32>
    %reduce_sum3A_79 = vector.shape_cast %reduce_sum3A_78 : vector<1xf32> to vector<1x1x1xf32>
    %reduce_sum3A_80 = vector.extract %reduce_sum3A_79[0, 0, 0] : f32 from vector<1x1x1xf32>
    %mul3A = arith.constant 2.500000e-01 : f32
    %mul3A_81 = arith.mulf %mul3A, %reduce_sum3A_80 : f32
    %sub3A_82 = arith.constant 1.900000e+01 : f32
    %sub3A_83 = arith.subf %sub3A_82, %mul3A_81 : f32
    %swap3A = arith.constant 0 : index
    %swap3A_84 = arith.constant 0 : index
    %swap3A_85 = memref.load %arg2[%swap3A, %swap3A_84] : memref<1x1xf32, #tpu.memory_space<smem>>
    memref.store %sub3A_83, %arg2[%swap3A, %swap3A_84] : memref<1x1xf32, #tpu.memory_space<smem>>
    return
  }
}

</mosaic_0001>

<sc_bundles>
// kernel: kernel.5.cloned.1.call-start
scs
__scs_entry_jumppad:
0x0: {  	(pc) =	sbr.rel $0x88, $3  }
0x1: {  	(tag) =	ssettag $0x0;
	lr =	simm.s32 $0x1  }
0x2: {  	[smem:$0x3F9F] =	sst lr;
	_ =	strace $0xD0000000  }
0x3: {  	_ = 	snop  }
0x4: {  	_ = 	snop  }
0x5: {  	_ = 	snop  }
0x6: {  	_ = 	snop  }
0x7: {  	_ = 	snop  }
__scs_overlays_trampoline_lowered:
0x8: {  	[smem:$0x3FAE] =	sst s0  }
0x9: {  	[smem:$0x3FAF] =	sst s1  }
0xa: {  	[smem:$0x3FB0] =	sst s2  }
0xb: {  	[smem:$0x3FB1] =	sst s3  }
0xc: {  	[smem:$0x3FB2] =	sst s4  }
0xd: {  	[smem:$0x3FB3] =	sst s5  }
0xe: {  	[smem:$0x3FB4] =	sst s6  }
0xf: {  	[smem:$0x3FB5] =	sst s7  }
0x10: {  	[smem:$0x3FB6] =	sst s8  }
0x11: {  	[smem:$0x3FB7] =	sst s9;
	s0 =	simm.s32 @!p0 $0x0  }
0x12: {  	s1 =	sld [smem:$0x3F9D];
	s0 =	simm.s32 @p0 $0x1  }
0x13: {  	[smem:$0x3FB8] =	sst s0;
	s0 =	simm.s32 @!p1 $0x0  }
0x14: {  	s2 =	sld [smem:$0x3F9C];
	s0 =	simm.s32 @p1 $0x1  }
0x15: {  	[smem:$0x3FB9] =	sst s0;
	s0 =	simm.s32 @!p2 $0x0  }
0x16: {  	s3 =	sld [smem:$0x3FDB];
	s0 =	simm.s32 @p2 $0x1  }
0x17: {  	s4 =	simm.s32 $0x1BF5;
	[smem:$0x3FBB] =	sst s0  }
0x18: {  	s0 =	sld [smem:$0x3F9E];
	_ =	swait.ge [sflag:s4], $0x0  }
0x19: {  	s7 =	sld [smem:$0x3F9F]  }
0x1a: {  	s8 =	sadd.s32 $0xFFFFE003, lr  }
0x1b: {  	s9 =	sadd.s32 $0xFFFFFEF7, lr;
	s5 =	simm.s32 $0xFFFFFFFF;
	p2 =	slt.u32 s8, $0xFFFFF086  }
0x1c: {  	p1 =	slt.u32 s9, $0xF7A;
	s5 =	simm.s32 @!p2 $0x0  }
0x1d: {  	s5 =	simm.s32 @p1 $0x1;
	p0 =	seq.s32 s7, s2  }
0x1e: {  	s7 =	smul.u32 @!p0 $0xF7A, s2;
	p2 =	seq.s32 @!p0 s5, $0x0  }
0x1f: {  	s9 =	smul.u32 $0xF7A, s1;
	s8 =	simm.s32 @!p0 $0x1BF5;
	p2 =	por !p2, p0  }
0x20: {  	[sflag:s8] =	ssyncset.s32 @!p0 $0xFFFFF086;
	s6 =	sadd.s32 @!p0 s3, s7;
	s7 =	simm.s32 @!p0 $0x108  }
0x21: {  	s3 =	sadd.s32 s3, s9;
	s6 =	sadd.s32 @!p0 $0x88, s6;
	s7 =	simm.s32 @p2 $0x1082  }
0x22: {  	[simem:s7], [sflag:s8] =	dma.local @!p0 [hbm:s6], $0xF7A  }
0x23: {  	s9 =	sor.u32 $0xD0000000, s2;
	s6 =	simm.s32 $0x108;
	_ =	swait.ge @!p0 [sflag:s8], $0x0  }
0x24: {  	s3 =	sadd.s32 $0x88, s3;
	s6 =	simm.s32 @!p1 $0x1082;
	[sflag:s4] =	ssyncset.s32 $0xFFFFF086  }
0x25: {  	[simem:s6], [sflag:s4] =	dma.local [hbm:s3], $0xF7A  }
0x26: {  	[smem:$0x3F9F] =	sst s1;
	(tag) =	ssettag s2;
	_ =	strace s9  }
0x27: {  	s1 =	sld [smem:$0x3FAF]  }
0x28: {  	s2 =	sld [smem:$0x3FB0]  }
0x29: {  	s4 =	sld [smem:$0x3FB2]  }
0x2a: {  	p0 =	seq.s32 s5, $0x0;
	s5 =	sld [smem:$0x3FB3]  }
0x2b: {  	s6 =	sld [smem:$0x3FB4]  }
0x2c: {  	s7 =	sld [smem:$0x3FB5]  }
0x2d: {  	s3 =	simm.s32 $0x108;
	s8 =	sld [smem:$0x3FB6]  }
0x2e: {  	s3 =	simm.s32 @!p0 $0x1082;
	s9 =	sld [smem:$0x3FB7]  }
0x2f: {  	lr =	sadd.s32 s0, s3;
	s0 =	sld [smem:$0x3FAE]  }
0x30: {  	s3 =	sld [smem:$0x3FB1]  }
0x31: {  	[smem:$0x3FBA] =	sst s10  }
0x32: {  	s10 =	sld [smem:$0x3FB8];
	_ =	sdelay $0x3  }
0x33: {  	p0 =	seq.s32 s10, $0x1;
	s10 =	sld [smem:$0x3FBA];
	_ =	sdelay $0x3  }
0x34: {  	[smem:$0x3FBA] =	sst s10  }
0x35: {  	s10 =	sld [smem:$0x3FB9];
	_ =	sdelay $0x3  }
0x36: {  	p1 =	seq.s32 s10, $0x1;
	s10 =	sld [smem:$0x3FBA];
	_ =	sdelay $0x3  }
0x37: {  	[smem:$0x3FBA] =	sst s10  }
0x38: {  	s10 =	sld [smem:$0x3FBB]  }
0x39: {  	_ = 	snop;
	(pc) =	sbr.ind lr, $3  }
0x3a: {  	_ = 	snop  }
0x3b: {  	_ = 	snop  }
0x3c: {  	p2 =	seq.s32 s10, $0x1;
	s10 =	sld [smem:$0x3FBA]  }
0x3d: {  	_ =	shalt  }
0x3e: {  	_ =	shalt  }
0x3f: {  	_ =	shalt  }
0x40: {  	_ =	shalt  }
0x41: {  	_ =	shalt  }
0x42: {  	_ =	shalt  }
0x43: {  	_ =	shalt  }
0x44: {  	_ =	shalt  }
0x45: {  	_ =	shalt  }
0x46: {  	_ =	shalt  }
0x47: {  	_ =	shalt  }
0x48: {  	_ =	shalt  }
0x49: {  	_ =	shalt  }
0x4a: {  	_ =	shalt  }
0x4b: {  	_ =	shalt  }
0x4c: {  	_ =	shalt  }
0x4d: {  	_ =	shalt  }
0x4e: {  	_ =	shalt  }
0x4f: {  	_ =	shalt  }
0x50: {  	_ =	shalt  }
0x51: {  	_ =	shalt  }
0x52: {  	_ =	shalt  }
0x53: {  	_ =	shalt  }
0x54: {  	_ =	shalt  }
0x55: {  	_ =	shalt  }
0x56: {  	_ =	shalt  }
0x57: {  	_ =	shalt  }
0x58: {  	_ =	shalt  }
0x59: {  	_ =	shalt  }
0x5a: {  	_ =	shalt  }
0x5b: {  	_ =	shalt  }
0x5c: {  	_ =	shalt  }
0x5d: {  	_ =	shalt  }
0x5e: {  	_ =	shalt  }
0x5f: {  	_ =	shalt  }
0x60: {  	_ =	shalt  }
0x61: {  	_ =	shalt  }
0x62: {  	_ =	shalt  }
0x63: {  	_ =	shalt  }
0x64: {  	_ =	shalt  }
0x65: {  	_ =	shalt  }
0x66: {  	_ =	shalt  }
0x67: {  	_ =	shalt  }
0x68: {  	_ =	shalt  }
0x69: {  	_ =	shalt  }
0x6a: {  	_ =	shalt  }
0x6b: {  	_ =	shalt  }
0x6c: {  	_ =	shalt  }
0x6d: {  	_ =	shalt  }
0x6e: {  	_ =	shalt  }
0x6f: {  	_ =	shalt  }
0x70: {  	_ =	shalt  }
0x71: {  	_ =	shalt  }
0x72: {  	_ =	shalt  }
0x73: {  	_ =	shalt  }
0x74: {  	_ =	shalt  }
0x75: {  	_ =	shalt  }
0x76: {  	_ =	shalt  }
0x77: {  	_ =	shalt  }
0x78: {  	_ =	shalt  }
0x79: {  	_ =	shalt  }
0x7a: {  	_ =	shalt  }
0x7b: {  	_ =	shalt  }
0x7c: {  	_ =	shalt  }
0x7d: {  	_ =	shalt  }
0x7e: {  	_ =	shalt  }
0x7f: {  	_ =	shalt  }
0x80: {  	_ =	shalt  }
0x81: {  	_ =	shalt  }
0x82: {  	_ =	shalt  }
0x83: {  	_ =	shalt  }
0x84: {  	_ =	shalt  }
0x85: {  	_ =	shalt  }
0x86: {  	_ =	shalt  }
0x87: {  	_ =	shalt  }
.Lfunc_end0:
.L_simem_size_0:
called_computation_lowered:
.L_overlay_start_0:
0x88: {  	s2 =	sld [smem:$0x3FD9]  }
0x89: {  	s3 =	sld [smem:$0x3FFE];
	_ =	sdelay $0x1  }
0x8a: {  	s1 =	srdreg.scid  }
0x8b: {  	s0 =	sand.u32 $0x1, s1  }
0x8c: {  	s17 =	sshll.u32 s0, $0xA;
	s2 =	sadd.s32 s3, s2  }
0x8d: {  	s2 =	sadd.s32 s2, s17  }
0x8e: {  	[smem:$0x3FC6] =	sst s2  }
0x8f: {  	_ = 	snop  }
0x90: {  	s2 =	sld [smem:$0x3FC9]  }
0x91: {  	s18 =	sld [smem:$0x3FC8];
	(tm) =	ssettm $0x1  }
0x92: {  	s4 =	sld [smem:$0x3FFB];
	_ =	sdelay $0x3  }
0x93: {  	_ =	strace s4  }
0x94: {  	s4 =	sld [smem:$0x3FFC];
	_ =	sdelay $0x3  }
0x95: {  	_ =	strace s4  }
0x96: {  	s4 =	sld [smem:$0x3FFD];
	_ =	sdelay $0x3  }
0x97: {  	_ =	strace s4  }
0x98: {  	_ =	strace $0x8FFFFFFF  }
0x99: {  	s19 =	sld [smem:$0x3FDB];
	_ =	sdelay $0x1  }
0x9a: {  	s5 =	simm.s32 $_scs_section_size  }
0x9b: {  	s6 =	simm.s32 $_size__tile_overlayer_lowered;
	s7 =	simm.s32 $_tile_overlayer_lowered  }
0x9c: {  	s22 =	simm.s32 $0x1BFF;
	s21 =	sshll.u32 s7, $0x1;
	s4 =	sadd.s32 s5, s19  }
0x9d: {  	s8 =	simm.s32 $0x0;
	s20 =	sshll.u32 s6, $0x1;
	s6 =	sadd.s32 s21, s4  }
0x9e: {  	[timem:s8], [sflag:s22] =	dma.local [hbm:s6], s20  }
0x9f: {  	_ =	swait.ge [sflag:s22], s20  }
0xa0: {  	s5 =	ssub.s32 $0x0, s20;
	[sflag:s22] =	ssyncset.done $0x0  }
0xa1: {  	[sflag:s22] =	ssyncadd.s32 s5;
	_ =	sdelay $0x1  }
0xa2: {  	s23 =	simm.s32 $0x1B8B  }
0xa3: {  	_ =	swait.ge [sflag:s23], $0x1  }
0xa4: {  	[sflag:s23] =	ssyncset.done $0x0  }
0xa5: {  	s25 =	simm.s32 $0x1B8E;
	s24 =	sld [smem:$0x3FFE];
	[sflag:s23] =	ssyncadd.s32 $0xFFFFFFFF  }
0xa6: {  	s26 =	simm.s32 $execute0_lowered;
	[smem:$0x3FD2] =	sst s25  }
0xa7: {  	s6 =	sshll.u32 s26, $0x1;
	_ =	strace $0x80000046;
	[dreg:$0x1] =	wrdreg $0xFFFFFFFF  }
0xa8: {  	s28 =	simm.s32 $_size_execute0_lowered;
	s4 =	sadd.s32 s4, s6;
	[dreg:$0x0] =	wrdreg $0x0  }
0xa9: {  	s6 =	sshll.u32 s28, $0x1;
	[dreg:$0x2] =	wrdreg s4  }
0xaa: {  	[dreg:$0x3] =	wrdreg s6  }
0xab: {  	[dreg:$0x4] =	wrdreg $0xC0  }
0xac: {  	_ =	task [dreg:s8], $0x5FFFF  }
0xad: {  	[dreg:$0x1] =	wrdreg $0xFFFFFFFF  }
0xae: {  	[dreg:$0x0] =	wrdreg $0x60  }
0xaf: {  	[dreg:$0x2] =	wrdreg s2  }
0xb0: {  	[dreg:$0x3] =	wrdreg s18  }
0xb1: {  	[dreg:$0x4] =	wrdreg s24  }
0xb2: {  	[dreg:$0x5] =	wrdreg $0x9  }
0xb3: {  	_ =	task.clear_ibuf [dreg:s8], $0x6FFFF;
	_ =	strace $0x90000046  }
0xb4: {  	s29 =	simm.s32 $0x9;
	_ =	strace $0x80000048  }
0xb5: {  	_ =	swait.ge [sflag:s29], $0x1  }
0xb6: {  	[sflag:s29] =	ssyncadd.s32 $0xFFFFFFFF  }
0xb7: {  	_ =	strace $0x90000048  }
0xb8: {  	_ =	sfence  }
0xb9: {  	s30 =	sld [smem:$0x0];
	_ =	sdelay $0x2  }
0xba: {  	s31 =	sshll.u32 s1, $0xD;
	s1 =	sshrl.u32 s1, $0x2  }
0xbb: {  	s3 =	sand.u32 $0x4000, s31;
	s1 =	sadd.s32 s1, s30  }
0xbc: {  	s0 =	sor.u32 s3, s0;
	s1 =	sshll.u32 s1, $0x11  }
0xbd: {  	s0 =	sor.u32 s1, s0  }
0xbe: {  	s0 =	sadd.s32 $0x8F2B, s0  }
0xbf: {  	[sflag:s0] =	ssyncadd.remote.s32 $0x1  }
0xc0: {  	_ =	sfence.sel $0xFFFF  }
0xc1: {  	[dreg:$0x0] =	wrdreg $0xFFFFFFFF;
	(pc) =	sbr.abs _section_cstart, $3  }
0xc2: {  	[dreg:$0x1] =	wrdreg $0xFFFFFFFF  }
0xc3: {  	_ =	task.clear_ibuf [dreg:s8], $0x2FFFF;
	_ =	strace $0x9FFFFFFF  }
0xc4: {  	(tm) =	ssettm $0x7FFFFFFF  }
0xc5: {  	_ =	shalt  }
tec
execute0_lowered:
.L_overlay_start_1:
0x0: {  	(tag) =	ssettag $0x1  }
0x1: {  	s5 =	rddreg [dreg:$0x0]  }
0x2: {  	s6 =	rddreg [dreg:$0x1]  }
0x3: {  	s0 =	rddreg [dreg:$0x2];
	s1 =	srdreg.scid  }
0x4: {  	s2 =	stileid.u32;
	s9 =	simm.s32 $0x0;
	s1 =	sand.u32 $0x1, s1  }
0x5: {  	s2 =	sshll.u32 s2, $0x1;
	[smem:$0x7FF] =	sst s9;
	s0 =	sadd.s32 $0x800, s0  }
0x6: {  	s3 =	ssub.s32 $0x2, s1;
	s1 =	sor.u32 s1, s2;
	_ =	strace $0x80000047  }
0x7: {  	[dreg:$0x1d] =	wrdreg s0;
	s4 =	sshll.u32 s1, $0x9;
	s7 =	sshll.u32 s1, $0xC  }
0x8: {  	s31 =	sadd.s32 s5, s4;
	[dreg:$0x1f] =	wrdreg s7;
	s4 =	sadd.s32 s6, s4  }
0x9: {  	s29 =	sshrl.u32 s3, $0x1;
	[smem:$0x7F3] =	sst s4  }
0xa: {  	s30 =	ssub.s32 s3, s29;
	s29 =	sadd.s32 $0x100, s5;
	[dreg:$0x1e] =	wrdreg s31  }
0xb: {  	s8 =	sadd.s32 $0x8000, s31;
	[smem:$0x7FA] =	sst s29  }
0xc: {  	s10 =	sadd.s32 $0x10000, s31;
	[smem:$0x7E5] =	sst s8  }
0xd: {  	s11 =	sadd.s32 $0x18000, s31;
	[smem:$0x7E6] =	sst s10  }
0xe: {  	s12 =	sadd.s32 $0x20000, s31;
	[smem:$0x7E7] =	sst s11  }
0xf: {  	s13 =	sadd.s32 $0x28000, s31;
	[smem:$0x7E8] =	sst s12  }
0x10: {  	s14 =	sadd.s32 $0x30000, s31;
	[smem:$0x7E9] =	sst s13  }
0x11: {  	s15 =	sadd.s32 $0x38000, s31;
	[smem:$0x7EA] =	sst s14  }
0x12: {  	s16 =	sadd.s32 $0x40000, s31;
	[smem:$0x7EB] =	sst s15  }
0x13: {  	s17 =	sadd.s32 $0x48000, s31;
	[smem:$0x7EC] =	sst s16  }
0x14: {  	s18 =	sadd.s32 $0x50000, s31;
	[smem:$0x7ED] =	sst s17  }
0x15: {  	s19 =	sadd.s32 $0x58000, s31;
	[smem:$0x7EE] =	sst s18  }
0x16: {  	s20 =	sadd.s32 $0x60000, s31;
	[smem:$0x7EF] =	sst s19  }
0x17: {  	s21 =	sadd.s32 $0x68000, s31;
	[smem:$0x7F0] =	sst s20  }
0x18: {  	s22 =	sadd.s32 $0x70000, s31;
	[smem:$0x7F1] =	sst s21  }
0x19: {  	s1 =	smul.u32 $0x18, s1;
	s0 =	smax.u32 s30, $0x1;
	[smem:$0x7F2] =	sst s22  }
0x1a: {  	s24 =	sadd.s32 $0x78000, s31;
	[smem:$0x7F5] =	sst s0  }
0x1b: {  	s23 =	sshrl.u32 s1, $0x3;
	s25 =	sadd.s32 $0x80000, s31;
	[smem:$0x7F6] =	sst s24  }
0x1c: {  	s1 =	sadd.s32 $0x8, s1;
	s26 =	sadd.s32 $0x88000, s31;
	[smem:$0x7F7] =	sst s25  }
0x1d: {  	s28 =	sadd.s32 $0x90000, s31;
	s30 =	sadd.s32 $0x100, s6;
	[smem:$0x7F8] =	sst s26  }
0x1e: {  	s2 =	smul.u32 $0xC00, s23;
	s1 =	sshrl.u32 s1, $0x3;
	[smem:$0x7F9] =	sst s28  }
0x1f: {  	[smem:$0x7FB] =	sst s30;
	s1 =	smul.u32 $0xC00, s1  }
0x20: {  	[smem:$0x7FC] =	sst s2  }
0x21: {  	s12 =	simm.s32 $0x14180;
	s31 =	sadd.s32 $0x1800, s2;
	[smem:$0x7F4] =	sst s1  }
0x22: {  	v0 =	vimm.f32 $0.0e+00;
	v1 =	vlaneseq.u32;
	v2 =	vimm.f32 $1.000000000e+00;
	s13 =	simm.s32 $0x14000;
	[smem:$0x7FD] =	sst s31;
	s1 =	simm.s32 $0x0  }
.LBB2_1:
0x23: {  	s0 =	rddreg [dreg:$0x1e]  }
0x24: {  	s19 =	sld [smem:$0x7E5]  }
0x25: {  	[tilespmem:s9], [sflag:$0x1] =	stream.linear.gather [hbm4b:s0+s9], $0x800, $0x38;
	[tilespmem:$0x14480] =	vst v63  }
0x26: {  	s20 =	simm.s32 $0x800;
	s21 =	sld [smem:$0x7E6]  }
0x27: {  	[tilespmem:s20], [sflag:$0x1] =	stream.linear.gather [hbm4b:s19+s9], $0x800, $0x38;
	[tilespmem:$0x14480] =	vst v63  }
0x28: {  	s22 =	simm.s32 $0x1000;
	s23 =	sld [smem:$0x7E7]  }
0x29: {  	[tilespmem:s22], [sflag:$0x1] =	stream.linear.gather [hbm4b:s21+s9], $0x800, $0x38;
	[tilespmem:$0x14480] =	vst v63  }
0x2a: {  	s24 =	simm.s32 $0x1800;
	s25 =	sld [smem:$0x7E8]  }
0x2b: {  	[tilespmem:s24], [sflag:$0x1] =	stream.linear.gather [hbm4b:s23+s9], $0x800, $0x38;
	[tilespmem:$0x14480] =	vst v63  }
0x2c: {  	s26 =	simm.s32 $0x2000;
	s28 =	sld [smem:$0x7E9]  }
0x2d: {  	[tilespmem:s26], [sflag:$0x1] =	stream.linear.gather [hbm4b:s25+s9], $0x800, $0x38;
	[tilespmem:$0x14480] =	vst v63  }
0x2e: {  	s29 =	simm.s32 $0x2800;
	s30 =	sld [smem:$0x7EA]  }
0x2f: {  	[tilespmem:s29], [sflag:$0x1] =	stream.linear.gather [hbm4b:s28+s9], $0x800, $0x38;
	[tilespmem:$0x14480] =	vst v63  }
0x30: {  	s31 =	simm.s32 $0x3000;
	s2 =	sld [smem:$0x7EB]  }
0x31: {  	[tilespmem:s31], [sflag:$0x1] =	stream.linear.gather [hbm4b:s30+s9], $0x800, $0x38;
	[tilespmem:$0x14480] =	vst v63  }
0x32: {  	s3 =	simm.s32 $0x3800;
	s4 =	sld [smem:$0x7EC]  }
0x33: {  	[tilespmem:s3], [sflag:$0x1] =	stream.linear.gather [hbm4b:s2+s9], $0x800, $0x38;
	[tilespmem:$0x14480] =	vst v63  }
0x34: {  	s5 =	simm.s32 $0x4000;
	s6 =	sld [smem:$0x7ED]  }
0x35: {  	[tilespmem:s5], [sflag:$0x1] =	stream.linear.gather [hbm4b:s4+s9], $0x800, $0x38;
	[tilespmem:$0x14480] =	vst v63  }
0x36: {  	s7 =	simm.s32 $0x4800;
	s8 =	sld [smem:$0x7EE]  }
0x37: {  	[tilespmem:s7], [sflag:$0x1] =	stream.linear.gather [hbm4b:s6+s9], $0x800, $0x38;
	[tilespmem:$0x14480] =	vst v63  }
0x38: {  	s10 =	simm.s32 $0x5000;
	s11 =	sld [smem:$0x7EF]  }
0x39: {  	[tilespmem:s10], [sflag:$0x1] =	stream.linear.gather [hbm4b:s8+s9], $0x800, $0x38;
	[tilespmem:$0x14480] =	vst v63  }
0x3a: {  	s14 =	simm.s32 $0x5800;
	s15 =	sld [smem:$0x7F0]  }
0x3b: {  	[tilespmem:s14], [sflag:$0x1] =	stream.linear.gather [hbm4b:s11+s9], $0x800, $0x38;
	[tilespmem:$0x14480] =	vst v63  }
0x3c: {  	s16 =	simm.s32 $0x6000;
	s17 =	sld [smem:$0x7F1]  }
0x3d: {  	[tilespmem:s16], [sflag:$0x1] =	stream.linear.gather [hbm4b:s15+s9], $0x800, $0x38;
	[tilespmem:$0x14480] =	vst v63  }
0x3e: {  	s18 =	simm.s32 $0x6800;
	s19 =	sld [smem:$0x7F2]  }
0x3f: {  	[tilespmem:s18], [sflag:$0x1] =	stream.linear.gather [hbm4b:s17+s9], $0x800, $0x38;
	[tilespmem:$0x14480] =	vst v63  }
0x40: {  	s20 =	simm.s32 $0x7000;
	s21 =	sld [smem:$0x7F6]  }
0x41: {  	[tilespmem:s20], [sflag:$0x1] =	stream.linear.gather [hbm4b:s19+s9], $0x800, $0x38;
	[tilespmem:$0x14480] =	vst v63  }
0x42: {  	s22 =	simm.s32 $0x7800;
	s23 =	sld [smem:$0x7F7]  }
0x43: {  	[tilespmem:s22], [sflag:$0x1] =	stream.linear.gather [hbm4b:s21+s9], $0x800, $0x38;
	[tilespmem:$0x14480] =	vst v63  }
0x44: {  	s24 =	simm.s32 $0x8000;
	s25 =	sld [smem:$0x7F8]  }
0x45: {  	v5 =	vimm.f32 $0.0e+00;
	[tilespmem:s24], [sflag:$0x1] =	stream.linear.gather [hbm4b:s23+s9], $0x800, $0x38;
	[tilespmem:$0x14480] =	vst v63  }
0x46: {  	v4 =	vimm.f32 $0.0e+00;
	v7 =	vimm.f32 $0.0e+00;
	v6 =	vimm.f32 $0.0e+00;
	s26 =	simm.s32 $0x8800;
	s28 =	sld [smem:$0x7F9]  }
0x47: {  	v9 =	vimm.f32 $0.0e+00;
	v8 =	vimm.f32 $0.0e+00;
	v10 =	vimm.f32 $0.0e+00;
	[tilespmem:s26], [sflag:$0x1] =	stream.linear.gather [hbm4b:s25+s9], $0x800, $0x38;
	[tilespmem:$0x14480] =	vst v63  }
0x48: {  	v11 =	vimm.f32 $0.0e+00;
	v12 =	vimm.f32 $0.0e+00;
	v15 =	vimm.f32 $0.0e+00;
	s29 =	simm.s32 $0x9000;
	s30 =	sld [smem:$0x7F3]  }
0x49: {  	v16 =	vimm.f32 $0.0e+00;
	v13 =	vimm.f32 $0.0e+00;
	v19 =	vimm.f32 $0.0e+00;
	[tilespmem:s29], [sflag:$0x1] =	stream.linear.gather [hbm4b:s28+s9], $0x800, $0x38;
	[tilespmem:$0x14480] =	vst v63  }
0x4a: {  	[smem:$0x7E4] =	sst s1;
	v17 =	vimm.f32 $0.0e+00;
	v14 =	vimm.f32 $0.0e+00;
	v20 =	vimm.f32 $0.0e+00;
	s31 =	simm.s32 $0x13000;
	s5 =	simm.s32 $0x0  }
0x4b: {  	v21 =	vimm.f32 $0.0e+00;
	v18 =	vimm.f32 $0.0e+00;
	v22 =	vimm.f32 $0.0e+00;
	[tilespmem:s31], [sflag:$0x1] =	stream.linear.gather [hbm4b:s30+s9], $0x800, $0x38;
	[tilespmem:$0x14480] =	vst v63  }
.LBB2_2:
0x4c: {  	s0 =	sand.u32 $0x1, s5  }
0x4d: {  	p1 =	seq.s32 s0, $0x0  }
.Ltmp0:
0x4e: {  	_ = 	snop;
	(pc) =	sbr.rel @!p1 .LBB2_3-.Ltmp0, $1  }
0x4f: {  	_ =	sdelay $0x3  }
0x50: {  	[tilespmem:$0x14000] =	vst v0  }
0x51: {  	[tilespmem:$0x14180] =	vst v0  }
0x52: {  	[tilespmem:$0x14010] =	vst v0  }
0x53: {  	[tilespmem:$0x14190] =	vst v0  }
0x54: {  	[tilespmem:$0x14020] =	vst v0  }
0x55: {  	[tilespmem:$0x141A0] =	vst v0  }
0x56: {  	[tilespmem:$0x14030] =	vst v0  }
0x57: {  	[tilespmem:$0x141B0] =	vst v0  }
0x58: {  	[tilespmem:$0x14040] =	vst v0  }
0x59: {  	[tilespmem:$0x141C0] =	vst v0  }
0x5a: {  	[tilespmem:$0x14050] =	vst v0  }
0x5b: {  	[tilespmem:$0x141D0] =	vst v0  }
0x5c: {  	[tilespmem:$0x14060] =	vst v0  }
0x5d: {  	[tilespmem:$0x141E0] =	vst v0  }
0x5e: {  	[tilespmem:$0x14070] =	vst v0  }
0x5f: {  	[tilespmem:$0x141F0] =	vst v0  }
0x60: {  	[tilespmem:$0x14080] =	vst v0  }
0x61: {  	[tilespmem:$0x14200] =	vst v0  }
0x62: {  	[tilespmem:$0x14090] =	vst v0  }
0x63: {  	[tilespmem:$0x14210] =	vst v0  }
0x64: {  	[tilespmem:$0x140A0] =	vst v0  }
0x65: {  	[tilespmem:$0x14220] =	vst v0  }
0x66: {  	[tilespmem:$0x140B0] =	vst v0  }
0x67: {  	[tilespmem:$0x14230] =	vst v0  }
0x68: {  	[tilespmem:$0x140C0] =	vst v0  }
0x69: {  	[tilespmem:$0x14240] =	vst v0  }
0x6a: {  	[tilespmem:$0x140D0] =	vst v0  }
0x6b: {  	[tilespmem:$0x14250] =	vst v0  }
0x6c: {  	[tilespmem:$0x140E0] =	vst v0  }
0x6d: {  	[tilespmem:$0x14260] =	vst v0  }
0x6e: {  	[tilespmem:$0x140F0] =	vst v0  }
0x6f: {  	[tilespmem:$0x14270] =	vst v0  }
0x70: {  	[tilespmem:$0x14100] =	vst v0;
	s1 =	sshrl.u32 s5, $0x1  }
0x71: {  	[tilespmem:$0x14280] =	vst v0;
	s3 =	rddreg [dreg:$0x1f];
	s1 =	smul.u32 $0x4C0000, s1  }
0x72: {  	[tilespmem:$0x14110] =	vst v0;
	s2 =	sld [smem:$0x7FA]  }
0x73: {  	[tilespmem:$0x14290] =	vst v0;
	s1 =	sor.u32 s3, s1  }
0x74: {  	[tilespmem:$0x14120] =	vst v0;
	s15 =	rddreg [dreg:$0x0];
	s1 =	sshrl.u32 s1, $0x3  }
0x75: {  	[tilespmem:$0x142A0] =	vst v0;
	s4 =	simm.s32 $0x9800;
	s2 =	sadd.s32 s1, s2;
	s1 =	sadd.s32 s15, s1  }
0x76: {  	[tilespmem:s4], [sflag:$0x2] =	stream.linear.gather [hbm4b:s2+s9], $0x800, $0x38;
	[tilespmem:$0x14480] =	vst v63  }
0x77: {  	s16 =	simm.s32 $0xA000;
	s2 =	sadd.s32 $0x8100, s1  }
0x78: {  	[tilespmem:s16], [sflag:$0x2] =	stream.linear.gather [hbm4b:s2+s9], $0x800, $0x38;
	[tilespmem:$0x14480] =	vst v63  }
0x79: {  	s18 =	simm.s32 $0xA800;
	s17 =	sadd.s32 $0x10100, s1  }
0x7a: {  	[tilespmem:s18], [sflag:$0x2] =	stream.linear.gather [hbm4b:s17+s9], $0x800, $0x38;
	[tilespmem:$0x14480] =	vst v63  }
0x7b: {  	s20 =	simm.s32 $0xB000;
	s19 =	sadd.s32 $0x18100, s1  }
0x7c: {  	[tilespmem:s20], [sflag:$0x2] =	stream.linear.gather [hbm4b:s19+s9], $0x800, $0x38;
	[tilespmem:$0x14480] =	vst v63  }
0x7d: {  	s22 =	simm.s32 $0xB800;
	s21 =	sadd.s32 $0x20100, s1  }
0x7e: {  	[tilespmem:s22], [sflag:$0x2] =	stream.linear.gather [hbm4b:s21+s9], $0x800, $0x38;
	[tilespmem:$0x14480] =	vst v63  }
0x7f: {  	s24 =	simm.s32 $0xC000;
	s23 =	sadd.s32 $0x28100, s1  }
0x80: {  	[tilespmem:s24], [sflag:$0x2] =	stream.linear.gather [hbm4b:s23+s9], $0x800, $0x38;
	[tilespmem:$0x14480] =	vst v63  }
0x81: {  	s26 =	simm.s32 $0xC800;
	s25 =	sadd.s32 $0x30100, s1  }
0x82: {  	[tilespmem:s26], [sflag:$0x2] =	stream.linear.gather [hbm4b:s25+s9], $0x800, $0x38;
	[tilespmem:$0x14480] =	vst v63  }
0x83: {  	s29 =	simm.s32 $0xD000;
	s28 =	sadd.s32 $0x38100, s1  }
0x84: {  	[tilespmem:s29], [sflag:$0x2] =	stream.linear.gather [hbm4b:s28+s9], $0x800, $0x38;
	[tilespmem:$0x14480] =	vst v63  }
0x85: {  	s31 =	simm.s32 $0xD800;
	s30 =	sadd.s32 $0x40100, s1  }
0x86: {  	[tilespmem:s31], [sflag:$0x2] =	stream.linear.gather [hbm4b:s30+s9], $0x800, $0x38;
	[tilespmem:$0x14480] =	vst v63  }
0x87: {  	s7 =	simm.s32 $0xE000;
	s6 =	sadd.s32 $0x48100, s1  }
0x88: {  	[tilespmem:s7], [sflag:$0x2] =	stream.linear.gather [hbm4b:s6+s9], $0x800, $0x38;
	[tilespmem:$0x14480] =	vst v63  }
0x89: {  	s10 =	simm.s32 $0xE800;
	s8 =	sadd.s32 $0x50100, s1  }
0x8a: {  	[tilespmem:s10], [sflag:$0x2] =	stream.linear.gather [hbm4b:s8+s9], $0x800, $0x38;
	[tilespmem:$0x14480] =	vst v63  }
0x8b: {  	s14 =	simm.s32 $0xF000;
	s11 =	sadd.s32 $0x58100, s1  }
0x8c: {  	[tilespmem:s14], [sflag:$0x2] =	stream.linear.gather [hbm4b:s11+s9], $0x800, $0x38;
	[tilespmem:$0x14480] =	vst v63  }
0x8d: {  	s15 =	sadd.s32 $0x60100, s1;
	s16 =	simm.s32 $0xF800  }
0x8e: {  	[tilespmem:s16], [sflag:$0x2] =	stream.linear.gather [hbm4b:s15+s9], $0x800, $0x38;
	[tilespmem:$0x14480] =	vst v63  }
0x8f: {  	s17 =	sadd.s32 $0x68100, s1;
	s18 =	simm.s32 $0x10000  }
0x90: {  	[tilespmem:s18], [sflag:$0x2] =	stream.linear.gather [hbm4b:s17+s9], $0x800, $0x38;
	[tilespmem:$0x14480] =	vst v63  }
0x91: {  	s19 =	sadd.s32 $0x70100, s1;
	s20 =	simm.s32 $0x10800  }
0x92: {  	[tilespmem:s20], [sflag:$0x2] =	stream.linear.gather [hbm4b:s19+s9], $0x800, $0x38;
	[tilespmem:$0x14480] =	vst v63  }
0x93: {  	s21 =	sadd.s32 $0x78100, s1;
	s22 =	simm.s32 $0x11000  }
0x94: {  	[tilespmem:s22], [sflag:$0x2] =	stream.linear.gather [hbm4b:s21+s9], $0x800, $0x38;
	[tilespmem:$0x14480] =	vst v63  }
0x95: {  	s23 =	sadd.s32 $0x80100, s1;
	s24 =	simm.s32 $0x11800  }
0x96: {  	[tilespmem:s24], [sflag:$0x2] =	stream.linear.gather [hbm4b:s23+s9], $0x800, $0x38;
	[tilespmem:$0x14480] =	vst v63  }
0x97: {  	s25 =	sadd.s32 $0x88100, s1;
	s26 =	simm.s32 $0x12000  }
0x98: {  	[tilespmem:s26], [sflag:$0x2] =	stream.linear.gather [hbm4b:s25+s9], $0x800, $0x38;
	[tilespmem:$0x14480] =	vst v63  }
0x99: {  	s1 =	sadd.s32 $0x90100, s1;
	s28 =	simm.s32 $0x12800  }
0x9a: {  	[tilespmem:s28], [sflag:$0x2] =	stream.linear.gather [hbm4b:s1+s9], $0x800, $0x38;
	[tilespmem:$0x14480] =	vst v63  }
.Ltmp1:
0x9b: {  	s29 =	sshll.u32 s5, $0x11;
	s30 =	sld [smem:$0x7FB];
	(pc) =	sbr.rel .LBB2_5-.Ltmp1, $4  }
0x9c: {  	s1 =	sor.u32 s3, s29  }
0x9d: {  	p2 =	por $0x1, $0x1;
	s1 =	sshrl.u32 s1, $0x3  }
0x9e: {  	s31 =	simm.s32 $0x13800;
	s6 =	sor.u32 $0x1, s5;
	s1 =	sadd.s32 s1, s30  }
0x9f: {  	[tilespmem:s31], [sflag:$0x2] =	stream.linear.gather [hbm4b:s1+s9], $0x800, $0x38;
	[tilespmem:$0x14480] =	vst v63  }
.LBB2_3:
0xa0: {  	s6 =	sadd.s32 $0x1, s5;
	p2 =	sne.s32 s5, $0xF  }
.LBB2_5:
0xa1: {  	p0 =	seq.s32 s0, $0x1  }
0xa2: {  	p2 =	por !p2, !p0  }
.Ltmp2:
0xa3: {  	_ = 	snop;
	(pc) =	sbr.rel @p2 .LBB2_7-.Ltmp2, $2  }
0xa4: {  	_ =	sdelay $0x2  }
0xa5: {  	[smem:$0x7E3] =	sst s5  }
0xa6: {  	s1 =	sshrl.u32 s6, $0x1  }
0xa7: {  	s1 =	smul.u32 $0x4C0000, s1  }
0xa8: {  	s3 =	rddreg [dreg:$0x1f]  }
0xa9: {  	s1 =	sor.u32 s3, s1  }
0xaa: {  	s2 =	rddreg [dreg:$0x0];
	s1 =	sshrl.u32 s1, $0x3  }
0xab: {  	s1 =	sadd.s32 s2, s1  }
0xac: {  	[tilespmem:s9], [sflag:$0x1] =	stream.linear.gather [hbm4b:s1+s9], $0x800, $0x38;
	[tilespmem:$0x14480] =	vst v63  }
0xad: {  	s4 =	simm.s32 $0x800;
	s2 =	sadd.s32 $0x8000, s1  }
0xae: {  	[tilespmem:s4], [sflag:$0x1] =	stream.linear.gather [hbm4b:s2+s9], $0x800, $0x38;
	[tilespmem:$0x14480] =	vst v63  }
0xaf: {  	s18 =	simm.s32 $0x1000;
	s17 =	sadd.s32 $0x10000, s1  }
0xb0: {  	[tilespmem:s18], [sflag:$0x1] =	stream.linear.gather [hbm4b:s17+s9], $0x800, $0x38;
	[tilespmem:$0x14480] =	vst v63  }
0xb1: {  	s20 =	simm.s32 $0x1800;
	s19 =	sadd.s32 $0x18000, s1  }
0xb2: {  	[tilespmem:s20], [sflag:$0x1] =	stream.linear.gather [hbm4b:s19+s9], $0x800, $0x38;
	[tilespmem:$0x14480] =	vst v63  }
0xb3: {  	s22 =	simm.s32 $0x2000;
	s21 =	sadd.s32 $0x20000, s1  }
0xb4: {  	[tilespmem:s22], [sflag:$0x1] =	stream.linear.gather [hbm4b:s21+s9], $0x800, $0x38;
	[tilespmem:$0x14480] =	vst v63  }
0xb5: {  	s24 =	simm.s32 $0x2800;
	s23 =	sadd.s32 $0x28000, s1  }
0xb6: {  	[tilespmem:s24], [sflag:$0x1] =	stream.linear.gather [hbm4b:s23+s9], $0x800, $0x38;
	[tilespmem:$0x14480] =	vst v63  }
0xb7: {  	s26 =	simm.s32 $0x3000;
	s25 =	sadd.s32 $0x30000, s1  }
0xb8: {  	[tilespmem:s26], [sflag:$0x1] =	stream.linear.gather [hbm4b:s25+s9], $0x800, $0x38;
	[tilespmem:$0x14480] =	vst v63  }
0xb9: {  	s29 =	simm.s32 $0x3800;
	s28 =	sadd.s32 $0x38000, s1  }
0xba: {  	[tilespmem:s29], [sflag:$0x1] =	stream.linear.gather [hbm4b:s28+s9], $0x800, $0x38;
	[tilespmem:$0x14480] =	vst v63  }
0xbb: {  	s31 =	simm.s32 $0x4000;
	s30 =	sadd.s32 $0x40000, s1  }
0xbc: {  	[tilespmem:s31], [sflag:$0x1] =	stream.linear.gather [hbm4b:s30+s9], $0x800, $0x38;
	[tilespmem:$0x14480] =	vst v63  }
0xbd: {  	s7 =	simm.s32 $0x4800;
	s5 =	sadd.s32 $0x48000, s1  }
0xbe: {  	[tilespmem:s7], [sflag:$0x1] =	stream.linear.gather [hbm4b:s5+s9], $0x800, $0x38;
	[tilespmem:$0x14480] =	vst v63  }
0xbf: {  	s10 =	simm.s32 $0x5000;
	s8 =	sadd.s32 $0x50000, s1  }
0xc0: {  	[tilespmem:s10], [sflag:$0x1] =	stream.linear.gather [hbm4b:s8+s9], $0x800, $0x38;
	[tilespmem:$0x14480] =	vst v63  }
0xc1: {  	s14 =	simm.s32 $0x5800;
	s11 =	sadd.s32 $0x58000, s1  }
0xc2: {  	[tilespmem:s14], [sflag:$0x1] =	stream.linear.gather [hbm4b:s11+s9], $0x800, $0x38;
	[tilespmem:$0x14480] =	vst v63  }
0xc3: {  	s16 =	simm.s32 $0x6000;
	s15 =	sadd.s32 $0x60000, s1  }
0xc4: {  	[tilespmem:s16], [sflag:$0x1] =	stream.linear.gather [hbm4b:s15+s9], $0x800, $0x38;
	[tilespmem:$0x14480] =	vst v63  }
0xc5: {  	s17 =	sadd.s32 $0x68000, s1;
	s18 =	simm.s32 $0x6800  }
0xc6: {  	[tilespmem:s18], [sflag:$0x1] =	stream.linear.gather [hbm4b:s17+s9], $0x800, $0x38;
	[tilespmem:$0x14480] =	vst v63  }
0xc7: {  	s19 =	sadd.s32 $0x70000, s1;
	s20 =	simm.s32 $0x7000  }
0xc8: {  	[tilespmem:s20], [sflag:$0x1] =	stream.linear.gather [hbm4b:s19+s9], $0x800, $0x38;
	[tilespmem:$0x14480] =	vst v63  }
0xc9: {  	s21 =	sadd.s32 $0x78000, s1;
	s22 =	simm.s32 $0x7800  }
0xca: {  	[tilespmem:s22], [sflag:$0x1] =	stream.linear.gather [hbm4b:s21+s9], $0x800, $0x38;
	[tilespmem:$0x14480] =	vst v63  }
0xcb: {  	s23 =	sadd.s32 $0x80000, s1;
	s24 =	simm.s32 $0x8000  }
0xcc: {  	[tilespmem:s24], [sflag:$0x1] =	stream.linear.gather [hbm4b:s23+s9], $0x800, $0x38;
	[tilespmem:$0x14480] =	vst v63  }
0xcd: {  	s25 =	sadd.s32 $0x88000, s1;
	s26 =	simm.s32 $0x8800  }
0xce: {  	[tilespmem:s26], [sflag:$0x1] =	stream.linear.gather [hbm4b:s25+s9], $0x800, $0x38;
	[tilespmem:$0x14480] =	vst v63  }
0xcf: {  	s1 =	sadd.s32 $0x90000, s1;
	s28 =	simm.s32 $0x9000;
	s29 =	sshll.u32 s6, $0x11  }
0xd0: {  	[tilespmem:s28], [sflag:$0x1] =	stream.linear.gather [hbm4b:s1+s9], $0x800, $0x38;
	[tilespmem:$0x14480] =	vst v63  }
0xd1: {  	s1 =	sor.u32 s3, s29  }
0xd2: {  	s30 =	rddreg [dreg:$0x1];
	s1 =	sshrl.u32 s1, $0x3  }
0xd3: {  	s31 =	simm.s32 $0x13000;
	s1 =	sadd.s32 s30, s1  }
0xd4: {  	[tilespmem:s31], [sflag:$0x1] =	stream.linear.gather [hbm4b:s1+s9], $0x800, $0x38;
	[tilespmem:$0x14480] =	vst v63  }
.LBB2_7:
0xd5: {  	p2 =	sne.s32 s0, $0x0  }
0xd6: {  	[smem:$0x7E2] =	sst s6;
	s1 =	simm.s32 @!p2 $0x1  }
0xd7: {  	_ =	swait.ge @!p2 [sflag:s1], $0x9800  }
0xd8: {  	[sflag:s1] =	ssyncset.done @!p2 $0x0  }
0xd9: {  	[sflag:s1] =	ssyncadd.s32 @!p2 $0xFFFF6800  }
0xda: {  	_ =	swait.ge @!p2 [sflag:s1], $0x800  }
0xdb: {  	[sflag:s1] =	ssyncset.done @!p2 $0x0  }
0xdc: {  	[sflag:s1] =	ssyncadd.s32 @!p2 $0xFFFFF800;
	s1 =	simm.s32 @p0 $0x2  }
0xdd: {  	s2 =	smul.u32 $0x98, s0;
	_ =	swait.ge @p0 [sflag:s1], $0x9800  }
0xde: {  	s3 =	smul.u32 $0x26000, s0;
	s24 =	sshll.u32 s0, $0xB;
	[sflag:s1] =	ssyncset.done @p0 $0x0  }
0xdf: {  	s0 =	sor.u32 $0x13000, s24;
	[sflag:s1] =	ssyncadd.s32 @p0 $0xFFFF6800  }
0xe0: {  	s6 =	sshrl.u32 s3, $0x2;
	_ =	swait.ge @p0 [sflag:s1], $0x800;
	[dreg:$0x4] =	wrdreg s2  }
0xe1: {  	s25 =	sadd.s32 $0x800, s6;
	[dreg:$0x5] =	wrdreg s0  }
0xe2: {  	s26 =	sadd.s32 $0x1000, s6;
	[dreg:$0x6] =	wrdreg s25  }
0xe3: {  	s3 =	sadd.s32 $0x2000, s6;
	[dreg:$0x7] =	wrdreg s26  }
0xe4: {  	s4 =	sadd.s32 $0x2800, s6;
	[dreg:$0x9] =	wrdreg s3  }
0xe5: {  	s5 =	sadd.s32 $0x3000, s6;
	[dreg:$0xa] =	wrdreg s4  }
0xe6: {  	s7 =	sadd.s32 $0x3800, s6;
	[dreg:$0xb] =	wrdreg s5  }
0xe7: {  	s8 =	sadd.s32 $0x4000, s6;
	[dreg:$0xc] =	wrdreg s7  }
0xe8: {  	s10 =	sadd.s32 $0x4800, s6;
	[dreg:$0xd] =	wrdreg s8  }
0xe9: {  	s11 =	sadd.s32 $0x5000, s6;
	[dreg:$0xe] =	wrdreg s10  }
0xea: {  	s14 =	sadd.s32 $0x5800, s6;
	[dreg:$0xf] =	wrdreg s11  }
0xeb: {  	s15 =	sadd.s32 $0x6000, s6;
	[dreg:$0x10] =	wrdreg s14  }
0xec: {  	s17 =	sadd.s32 $0x6800, s6;
	[dreg:$0x11] =	wrdreg s15  }
0xed: {  	s20 =	sadd.s32 $0x7000, s6;
	[dreg:$0x12] =	wrdreg s17  }
0xee: {  	s21 =	sadd.s32 $0x7800, s6;
	[dreg:$0x13] =	wrdreg s20  }
0xef: {  	s22 =	sadd.s32 $0x8000, s6;
	[dreg:$0x14] =	wrdreg s21  }
0xf0: {  	s23 =	sadd.s32 $0x8800, s6;
	[dreg:$0x15] =	wrdreg s22  }
0xf1: {  	s24 =	sadd.s32 $0x9000, s6;
	[dreg:$0x16] =	wrdreg s23  }
0xf2: {  	s18 =	simm.s32 $0x0;
	s19 =	simm.s32 $0x0;
	[dreg:$0x17] =	wrdreg s24  }
0xf3: {  	s2 =	sadd.s32 $0x1800, s6;
	s0 =	sand.u32 $0x3FFFFF80, s18;
	[dreg:$0x18] =	wrdreg s6  }
0xf4: {  	s10 =	sand.u32 $0x400, s19;
	[sflag:s1] =	ssyncset.done @p0 $0x0;
	s16 =	rddreg [dreg:$0x5]  }
0xf5: {  	[dreg:$0x8] =	wrdreg s2;
	[sflag:s1] =	ssyncadd.s32 @p0 $0xFFFFF800;
	s1 =	sadd.s32 s0, s16  }
0xf6: {  	s11 =	sand.u32 $0x60, s19;
	s4 =	rddreg [dreg:$0x4];
	s1 =	sadd.s32 s10, s1  }
0xf7: {  	s26 =	rddreg [dreg:$0x17];
	s5 =	sadd.s32 s11, s1  }
0xf8: {  	s8 =	rddreg [dreg:$0xb];
	v3 =	vld [tilespmem:s5+$0x0]  }
0xf9: {  	s15 =	rddreg [dreg:$0xe]  }
0xfa: {  	s25 =	sand.u32 $0xE0, s19;
	s19 =	rddreg [dreg:$0x10];
	s4 =	sadd.s32 $0x0, s4  }
0xfb: {  	s20 =	rddreg [dreg:$0x11];
	v23 =	vmov s4  }
0xfc: {  	v24 =	vmov s25;
	s22 =	rddreg [dreg:$0x16];
	v25 =	vshrl.u32 v23, $0x3  }
0xfd: {  	s23 =	rddreg [dreg:$0x12];
	v24 =	vshll.u32 v24, $0x3;
	v26 =	vadd.s32 v25, v3  }
0xfe: {  	s7 =	sadd.s32 s0, s6;
	v27 =	vor.u32 s25, v1;
	s24 =	rddreg [dreg:$0x14];
	v24 =	vand.u32 $0x400, v24;
	v26 =	vshll.u32 v26, $0xB  }
0xff: {  	s3 =	sadd.s32 s10, s7;
	s7 =	rddreg [dreg:$0xd];
	v27 =	vand.u32 $0x6F, v27;
	s6 =	sadd.s32 s0, s8;
	v23 =	vshll.u32 v23, $0x7;
	v24 =	vor.u32 v24, v26  }
0x100: {  	s8 =	rddreg [dreg:$0xf];
	s2 =	sadd.s32 s0, s15;
	s14 =	sadd.s32 s11, s3;
	v35 =	vand.u32 $0x380, v23;
	v23 =	vor.u32 v27, v24  }
0x101: {  	s4 =	sadd.s32 s0, s26;
	s18 =	sadd.s32 s0, s7;
	s16 =	sadd.s32 s10, s6;
	v23 =	vor.u32 v35, v23  }
0x102: {  	s15 =	sadd.s32 s10, s2;
	s2 =	sadd.s32 s0, s23;
	s23 =	rddreg [dreg:$0xa]  }
0x103: {  	s21 =	sadd.s32 s0, s8;
	s7 =	sadd.s32 s0, s19;
	[dreg:$0x19] =	wrdreg s14  }
0x104: {  	s26 =	sadd.s32 s10, s4;
	s17 =	sadd.s32 s10, s18;
	s14 =	rddreg [dreg:$0x15]  }
0x105: {  	s6 =	sadd.s32 s10, s21;
	s4 =	sadd.s32 s0, s20;
	s20 =	rddreg [dreg:$0x13];
	v3 =	vshll.u32 v3, $0x4  }
0x106: {  	s19 =	sadd.s32 s10, s7;
	s8 =	sadd.s32 s10, s2;
	s21 =	rddreg [dreg:$0xc];
	v3 =	vor.u32 v1, v3;
	v23 =	vld.idx.msk [tilespmem:v23+s9+$0x0], $0xffff  }
0x107: {  	s23 =	sadd.s32 s0, s23;
	s5 =	sor.u32 $0x10, s25;
	s25 =	sadd.s32 s0, s22  }
0x108: {  	s7 =	sadd.s32 s0, s14;
	s20 =	sadd.s32 s0, s20;
	s21 =	sadd.s32 s0, s21  }
0x109: {  	s18 =	sadd.s32 s10, s25;
	s2 =	sadd.s32 s10, s7;
	s25 =	rddreg [dreg:$0x7]  }
0x10a: {  	s14 =	sand.u32 $0x70, s5;
	s30 =	sadd.s32 s10, s20;
	s20 =	rddreg [dreg:$0x9]  }
0x10b: {  	s22 =	sadd.s32 s11, s18;
	s1 =	sadd.s32 s14, s1;
	s31 =	sadd.s32 s14, s3;
	[tilespmem:v3+s12+$0x0] =	vst.idx.add.f32.msk $0xffff, v23  }
0x10c: {  	s3 =	sadd.s32 s11, s8;
	s29 =	sadd.s32 s14, s16;
	s28 =	sadd.s32 s14, s8;
	[tilespmem:v3+s13+$0x0] =	vst.idx.add.f32.msk $0xffff, v2  }
0x10d: {  	v32 =	vmov s5;
	v36 =	vor.u32 s5, v1;
	s5 =	sadd.s32 s11, s2;
	s9 =	sadd.s32 s10, s4;
	s4 =	sadd.s32 s0, s24;
	v3 =	vld [tilespmem:s22+$0x0]  }
0x10e: {  	s24 =	rddreg [dreg:$0x8];
	s7 =	sadd.s32 s10, s4;
	s12 =	sadd.s32 s11, s15;
	v37 =	vld [tilespmem:s1+$0x0]  }
0x10f: {  	s4 =	rddreg [dreg:$0x6];
	s13 =	sadd.s32 s0, s24;
	s24 =	sadd.s32 s11, s17;
	v26 =	vld [tilespmem:s12+$0x0]  }
0x110: {  	s22 =	smov.u32 s26;
	s1 =	sadd.s32 s0, s25;
	s12 =	sadd.s32 s0, s4;
	v28 =	vld [tilespmem:s24+$0x0]  }
0x111: {  	s4 =	sadd.s32 s0, s20;
	s0 =	sadd.s32 s11, s9;
	s25 =	sadd.s32 s11, s6;
	v33 =	vld [tilespmem:s3+$0x0]  }
0x112: {  	v22 =	vpsel p1, $0x0, v22;
	s24 =	sadd.s32 s11, s16;
	s16 =	sadd.s32 s11, s19;
	s20 =	sadd.s32 s10, s21;
	v27 =	vld [tilespmem:s25+$0x0]  }
0x113: {  	v21 =	vpsel p1, $0x0, v21;
	v16 =	vpsel p1, $0x0, v16;
	v12 =	vpsel p1, $0x0, v12;
	s21 =	sadd.s32 s11, s26;
	s26 =	sadd.s32 s14, s6;
	s3 =	sadd.s32 s11, s7;
	v31 =	vld [tilespmem:s24+$0x0]  }
0x114: {  	v11 =	vpsel p1, $0x0, v11;
	v10 =	vpsel p1, $0x0, v10;
	v32 =	vshll.u32 v32, $0x3;
	s25 =	sadd.s32 s14, s17;
	v29 =	vld [tilespmem:s16+$0x0];
	s17 =	sadd.s32 s14, s15;
	s24 =	sadd.s32 s11, s20  }
0x115: {  	v36 =	vand.u32 $0x7F, v36;
	v32 =	vand.u32 $0x400, v32;
	v24 =	vpsel p1, $0x0, v18;
	v23 =	vld [tilespmem:s21+$0x0];
	s21 =	sadd.s32 s14, s9;
	s15 =	sadd.s32 s10, s23;
	s16 =	sadd.s32 s11, s30  }
0x116: {  	v18 =	vpsel p1, $0x0, v20;
	v20 =	vpsel p1, $0x0, v14;
	v14 =	vpsel p1, $0x0, v17;
	v30 =	vld [tilespmem:s0+$0x0];
	s0 =	sadd.s32 s14, s30;
	s30 =	sadd.s32 s10, s13;
	s6 =	sadd.s32 s10, s1  }
0x117: {  	v17 =	vpsel p1, $0x0, v19;
	v19 =	vpsel p1, $0x0, v13;
	s9 =	sadd.s32 s10, s12;
	[dreg:$0x1a] =	wrdreg s17;
	v34 =	vld [tilespmem:s24+$0x0];
	s17 =	sadd.s32 s11, s15;
	v25 =	vadd.s32 v25, v37  }
0x118: {  	v13 =	vpsel p1, $0x0, v15;
	s1 =	sadd.s32 s14, s7;
	s24 =	sadd.s32 s14, s20;
	s20 =	sadd.s32 s11, s6;
	v15 =	vld [tilespmem:s17+$0x0];
	v37 =	vshll.u32 v37, $0x4;
	v25 =	vshll.u32 v25, $0xB  }
0x119: {  	s23 =	sadd.s32 s14, s2;
	[dreg:$0x1b] =	wrdreg s25;
	s25 =	sadd.s32 s14, s19;
	v40 =	vld [tilespmem:s20+$0x0];
	v38 =	vor.u32 v32, v25;
	v25 =	vpsel p1, $0x0, v8;
	v8 =	vpsel p1, $0x0, v9  }
0x11a: {  	s8 =	sadd.s32 s14, s15;
	s19 =	sadd.s32 s11, s30;
	s15 =	simm.s32 $0x0;
	v32 =	vld [tilespmem:s16+$0x0];
	v9 =	vpsel p1, $0x0, v6;
	v6 =	vpsel p1, $0x0, v7;
	v38 =	vor.u32 v36, v38  }
0x11b: {  	s2 =	sadd.s32 s11, s9;
	s17 =	simm.s32 $0x20;
	v7 =	vpsel p1, $0x0, v4;
	v4 =	vpsel p1, $0x0, v5;
	s16 =	simm.s32 $0x100;
	v36 =	vld [tilespmem:s19+$0x0];
	v35 =	vor.u32 v35, v38  }
.LBB2_8:
0x11c: {  	_ =	sdelay $0x1  }
0x11d: {  	s15 =	sadd.s32 $0x2, s15;
	s7 =	rddreg [dreg:$0x5];
	s12 =	sadd.s32 s10, s4;
	v38 =	vld [tilespmem:s3+$0x0]  }
0x11e: {  	s13 =	simm.s32 $0x0;
	s3 =	sadd.s32 s14, s18;
	v39 =	vld [tilespmem:s5+$0x0];
	s5 =	rddreg [dreg:$0x18]  }
0x11f: {  	v37 =	vor.u32 v1, v37;
	v35 =	vld.idx.msk [tilespmem:v35+s13+$0x0], $0xffff;
	s19 =	sshll.u32 s15, $0x3;
	s13 =	rddreg [dreg:$0x4];
	s10 =	sadd.s32 s11, s12  }
0x120: {  	v43 =	vld [tilespmem:s2+$0x0];
	s18 =	sshrl.u32 s15, $0x4;
	s11 =	sand.u32 $0x60, s17;
	s19 =	sand.u32 $0x3FFFFF80, s19  }
0x121: {  	v41 =	vld [tilespmem:s10+$0x0];
	s10 =	sand.u32 $0x400, s16;
	s4 =	sadd.s32 s13, s18;
	s2 =	sadd.s32 s19, s5  }
0x122: {  	s18 =	rddreg [dreg:$0x19];
	s7 =	sadd.s32 s19, s7;
	s2 =	sadd.s32 s10, s2  }
0x123: {  	v44 =	vmov s4;
	v45 =	vld [tilespmem:s18+$0x0];
	s18 =	simm.s32 $0x14180;
	s4 =	sadd.s32 s14, s22;
	s22 =	sadd.s32 s11, s2  }
0x124: {  	s7 =	sadd.s32 s10, s7;
	[tilespmem:v37+s18+$0x0] =	vst.idx.add.f32.msk $0xffff, v35;
	[dreg:$0x19] =	wrdreg s22;
	s22 =	simm.s32 $0x14000  }
0x125: {  	s13 =	sadd.s32 s11, s7;
	[tilespmem:v37+s22+$0x0] =	vst.idx.add.f32.msk $0xffff, v2  }
0x126: {  	s6 =	sadd.s32 s14, s6;
	v53 =	vld [tilespmem:s13+$0x0]  }
0x127: {  	s18 =	sadd.s32 s14, s30;
	v48 =	vld [tilespmem:s6+$0x0]  }
0x128: {  	s20 =	sand.u32 $0xE0, s17;
	v55 =	vld [tilespmem:s18+$0x0]  }
0x129: {  	s9 =	sadd.s32 s14, s9;
	v5 =	vmov s20;
	v57 =	vor.u32 s20, v1;
	s5 =	sor.u32 $0x10, s20;
	s20 =	rddreg [dreg:$0x1b];
	v49 =	vld [tilespmem:s31+$0x0]  }
0x12a: {  	s13 =	sadd.s32 s14, s12;
	v50 =	vld [tilespmem:s9+$0x0];
	s14 =	rddreg [dreg:$0x17]  }
0x12b: {  	v60 =	vld [tilespmem:s8+$0x0];
	s18 =	rddreg [dreg:$0xb]  }
0x12c: {  	v42 =	vshll.u32 v5, $0x3;
	v54 =	vshrl.u32 v44, $0x3;
	v62 =	vld [tilespmem:s24+$0x0];
	s9 =	rddreg [dreg:$0xd]  }
0x12d: {  	v16 =	vadd.f32 v28, v16;
	p1 =	slt.u32 s15, $0x7E;
	s17 =	sadd.s32 $0x20, s17;
	v42 =	vand.u32 $0x400, v42;
	s24 =	rddreg [dreg:$0xe];
	v63 =	vld [tilespmem:s26+$0x0];
	v58 =	vadd.s32 v54, v53  }
0x12e: {  	s16 =	sadd.s32 $0x100, s16;
	v14 =	vadd.f32 v15, v14;
	v46 =	vshll.u32 v44, $0x7;
	v28 =	vld [tilespmem:s25+$0x0];
	s25 =	rddreg [dreg:$0x11];
	s26 =	simm.s32 $0x0;
	v51 =	vshll.u32 v58, $0xB  }
0x12f: {  	v20 =	vadd.f32 v41, v20;
	v41 =	vand.u32 $0x6F, v57;
	v15 =	vld [tilespmem:s20+$0x0];
	s6 =	sadd.s32 s19, s14;
	s14 =	rddreg [dreg:$0x1a];
	s8 =	sadd.s32 s19, s18;
	v42 =	vor.u32 v42, v51  }
0x130: {  	v13 =	vadd.f32 v26, v13;
	v59 =	vand.u32 $0x380, v46;
	v26 =	vld [tilespmem:s21+$0x0];
	s18 =	rddreg [dreg:$0xf];
	s20 =	sadd.s32 s19, s9;
	s24 =	sadd.s32 s19, s24;
	v41 =	vor.u32 v41, v42  }
0x131: {  	v10 =	vadd.f32 v30, v10;
	v30 =	vld [tilespmem:s0+$0x0];
	s12 =	sadd.s32 s19, s25;
	s25 =	rddreg [dreg:$0x15];
	s6 =	sadd.s32 s10, s6;
	v41 =	vor.u32 v59, v41  }
0x132: {  	v17 =	vadd.f32 v31, v17;
	v31 =	vld [tilespmem:s14+$0x0];
	s8 =	sadd.s32 s10, s8;
	s14 =	rddreg [dreg:$0x10];
	s9 =	sadd.s32 s10, s24  }
0x133: {  	v56 =	vld [tilespmem:s13+$0x0];
	s13 =	sadd.s32 s19, s18;
	s18 =	rddreg [dreg:$0x16];
	s0 =	sadd.s32 s10, s12  }
0x134: {  	v11 =	vadd.f32 v29, v11;
	v47 =	vmov s5;
	v61 =	vld [tilespmem:s29+$0x0];
	s25 =	sadd.s32 s19, s25;
	s12 =	simm.s32 $0x14180;
	[dreg:$0x1c] =	wrdreg s6  }
0x135: {  	v35 =	vshll.u32 v47, $0x3;
	s6 =	sadd.s32 s10, s20;
	s21 =	sadd.s32 s10, s13;
	s14 =	sadd.s32 s19, s14;
	v47 =	vshll.u32 v53, $0x4;
	v16 =	vadd.f32 v15, v16;
	v15 =	vld [tilespmem:s28+$0x0]  }
0x136: {  	v12 =	vadd.f32 v27, v12;
	s20 =	rddreg [dreg:$0x12];
	s18 =	sadd.s32 s19, s18;
	s24 =	sadd.s32 s10, s14;
	v29 =	vor.u32 v1, v47;
	v27 =	vld.idx.msk [tilespmem:v41+s26+$0x0], $0xffff  }
0x137: {  	s14 =	sadd.s32 s19, s20;
	s20 =	rddreg [dreg:$0x13];
	s18 =	sadd.s32 s10, s18;
	v11 =	vadd.f32 v28, v11;
	v28 =	vld [tilespmem:s1+$0x0]  }
0x138: {  	v25 =	vadd.f32 v33, v25;
	v10 =	vadd.f32 v26, v10;
	v26 =	vld [tilespmem:s23+$0x0];
	s28 =	sadd.s32 s10, s14;
	s13 =	sadd.s32 s11, s18;
	s23 =	sadd.s32 s10, s25  }
0x139: {  	s14 =	sand.u32 $0x70, s5;
	s25 =	sadd.s32 s19, s20;
	s20 =	sadd.s32 s11, s0;
	v13 =	vadd.f32 v31, v13;
	v31 =	vld [tilespmem:s4+$0x0]  }
0x13a: {  	v5 =	vor.u32 s5, v1;
	s5 =	sadd.s32 s11, s23;
	s30 =	sadd.s32 s10, s25;
	s25 =	sadd.s32 s11, s21;
	v25 =	vadd.f32 v15, v25;
	v15 =	vld [tilespmem:s3+$0x0]  }
0x13b: {  	s31 =	sadd.s32 s14, s2;
	s29 =	sadd.s32 s14, s8;
	s26 =	rddreg [dreg:$0x14];
	[tilespmem:v29+s12+$0x0] =	vst.idx.add.f32.msk $0xffff, v27  }
0x13c: {  	s2 =	rddreg [dreg:$0xa];
	s23 =	sadd.s32 s14, s23;
	s26 =	sadd.s32 s19, s26;
	[tilespmem:v29+s22+$0x0] =	vst.idx.add.f32.msk $0xffff, v2  }
0x13d: {  	v7 =	vadd.f32 v3, v7;
	s2 =	sadd.s32 s19, s2;
	s1 =	sadd.s32 s10, s26;
	s26 =	sadd.s32 s14, s7;
	v3 =	vld [tilespmem:s13+$0x0]  }
0x13e: {  	v4 =	vadd.f32 v23, v4;
	s4 =	sadd.s32 s11, s30;
	s2 =	sadd.s32 s10, s2;
	s7 =	sadd.s32 s11, s28;
	v23 =	vld [tilespmem:s26+$0x0]  }
0x13f: {  	s28 =	sadd.s32 s14, s28;
	s3 =	sadd.s32 s11, s1;
	s22 =	sadd.s32 s11, s24;
	v27 =	vld [tilespmem:s25+$0x0]  }
0x140: {  	v19 =	vadd.f32 v34, v19;
	v9 =	vadd.f32 v38, v9;
	s1 =	sadd.s32 s14, s1;
	s12 =	rddreg [dreg:$0xc];
	s13 =	sadd.s32 s11, s9;
	v29 =	vld [tilespmem:s22+$0x0]  }
0x141: {  	v21 =	vadd.f32 v40, v21;
	v6 =	vadd.f32 v39, v6;
	s26 =	sadd.s32 s11, s6;
	s25 =	sadd.s32 s14, s24;
	s22 =	rddreg [dreg:$0x1c];
	v33 =	vld [tilespmem:s7+$0x0]  }
0x142: {  	v18 =	vadd.f32 v36, v18;
	v9 =	vadd.f32 v28, v9;
	v28 =	vld [tilespmem:s26+$0x0];
	s26 =	sadd.s32 s14, s6;
	s6 =	sadd.s32 s14, s9;
	s9 =	sadd.s32 s11, s8  }
0x143: {  	v8 =	vadd.f32 v32, v8;
	v6 =	vadd.f32 v26, v6;
	v26 =	vld [tilespmem:s13+$0x0];
	s13 =	sadd.s32 s19, s12;
	s8 =	sadd.s32 s11, s22;
	[dreg:$0x1b] =	wrdreg s26  }
0x144: {  	v24 =	vadd.f32 v43, v24;
	v22 =	vadd.f32 v45, v22;
	v32 =	vld [tilespmem:s4+$0x0];
	[dreg:$0x1a] =	wrdreg s6;
	s26 =	sadd.s32 s14, s21;
	s24 =	sadd.s32 s10, s13  }
0x145: {  	v5 =	vand.u32 $0x7F, v5;
	v21 =	vadd.f32 v48, v21;
	v4 =	vadd.f32 v31, v4;
	v31 =	vld [tilespmem:s9+$0x0];
	s21 =	sadd.s32 s14, s0;
	s9 =	rddreg [dreg:$0x8];
	s12 =	sadd.s32 s11, s24  }
0x146: {  	v8 =	vadd.f32 v30, v8;
	v7 =	vadd.f32 v15, v7;
	s6 =	rddreg [dreg:$0x7];
	s13 =	sadd.s32 s11, s2;
	s0 =	sadd.s32 s14, s30;
	v34 =	vld [tilespmem:s12+$0x0];
	v15 =	vadd.s32 v54, v23  }
.Ltmp3:
0x147: {  	v30 =	vand.u32 $0x400, v35;
	s24 =	sadd.s32 s14, s24;
	s6 =	sadd.s32 s19, s6;
	v37 =	vshll.u32 v23, $0x4;
	v23 =	vld [tilespmem:s8+$0x0];
	v15 =	vshll.u32 v15, $0xB;
	(pc) =	sbr.rel @p1 .LBB2_8-.Ltmp3, $4  }
0x148: {  	v18 =	vadd.f32 v55, v18;
	v22 =	vadd.f32 v49, v22;
	s12 =	rddreg [dreg:$0x6];
	s6 =	sadd.s32 s10, s6;
	v15 =	vor.u32 v30, v15;
	v30 =	vld [tilespmem:s20+$0x0];
	s20 =	sadd.s32 s19, s9  }
0x149: {  	v24 =	vadd.f32 v50, v24;
	v14 =	vadd.f32 v60, v14;
	s9 =	sadd.s32 s19, s12;
	v5 =	vor.u32 v5, v15;
	v15 =	vld [tilespmem:s13+$0x0];
	s30 =	sadd.s32 s10, s20;
	s20 =	sadd.s32 s11, s6  }
0x14a: {  	v17 =	vadd.f32 v61, v17;
	v19 =	vadd.f32 v62, v19;
	s13 =	rddreg [dreg:$0x9];
	s9 =	sadd.s32 s10, s9;
	s12 =	sadd.s32 s11, s30;
	v40 =	vld [tilespmem:s20+$0x0]  }
0x14b: {  	v12 =	vadd.f32 v63, v12;
	v20 =	vadd.f32 v56, v20;
	s8 =	sadd.s32 s14, s2;
	v35 =	vor.u32 v59, v5;
	s2 =	sadd.s32 s11, s9;
	s4 =	sadd.s32 s19, s13;
	v36 =	vld [tilespmem:s12+$0x0]  }
0x14c: {  	_ =	sdelay $0x2  }
0x14d: {  	s4 =	sadd.s32 s10, s4;
	v5 =	vld [tilespmem:s3+$0x0];
	s10 =	simm.s32 $0x0  }
0x14e: {  	v37 =	vor.u32 v1, v37;
	v35 =	vld.idx.msk [tilespmem:v35+s10+$0x0], $0xffff  }
0x14f: {  	v39 =	vld [tilespmem:s5+$0x0]  }
0x150: {  	v41 =	vld [tilespmem:s2+$0x0];
	s12 =	rddreg [dreg:$0x19]  }
0x151: {  	s11 =	sadd.s32 s11, s4;
	v42 =	vld [tilespmem:s12+$0x0]  }
0x152: {  	s13 =	simm.s32 $0x14180;
	v38 =	vld [tilespmem:s11+$0x0]  }
0x153: {  	s15 =	simm.s32 $0x14000;
	[tilespmem:v37+s13+$0x0] =	vst.idx.add.f32.msk $0xffff, v35  }
0x154: {  	s16 =	sadd.s32 s14, s6;
	[tilespmem:v37+s15+$0x0] =	vst.idx.add.f32.msk $0xffff, v2  }
0x155: {  	s17 =	sadd.s32 s14, s30;
	v35 =	vld [tilespmem:s16+$0x0]  }
0x156: {  	s19 =	sadd.s32 s14, s4;
	v37 =	vld [tilespmem:s17+$0x0]  }
0x157: {  	v43 =	vld [tilespmem:s19+$0x0]  }
0x158: {  	s20 =	sadd.s32 s14, s9;
	v44 =	vld [tilespmem:s31+$0x0]  }
0x159: {  	v45 =	vld [tilespmem:s20+$0x0]  }
0x15a: {  	v46 =	vld [tilespmem:s8+$0x0]  }
0x15b: {  	v47 =	vld [tilespmem:s29+$0x0]  }
0x15c: {  	v48 =	vld [tilespmem:s24+$0x0]  }
0x15d: {  	v51 =	vld [tilespmem:s26+$0x0]  }
0x15e: {  	v52 =	vld [tilespmem:s25+$0x0]  }
0x15f: {  	v53 =	vld [tilespmem:s21+$0x0]  }
0x160: {  	v54 =	vld [tilespmem:s28+$0x0]  }
0x161: {  	v55 =	vld [tilespmem:s0+$0x0]  }
0x162: {  	v58 =	vld [tilespmem:s1+$0x0]  }
0x163: {  	s30 =	sadd.s32 s14, s18;
	v22 =	vadd.f32 v42, v22;
	v59 =	vld [tilespmem:s23+$0x0]  }
0x164: {  	v31 =	vadd.f32 v31, v17;
	v24 =	vadd.f32 v41, v24;
	s24 =	rddreg [dreg:$0x1b];
	v60 =	vld [tilespmem:s30+$0x0]  }
0x165: {  	v21 =	vadd.f32 v40, v21;
	s29 =	rddreg [dreg:$0x1a];
	v49 =	vld [tilespmem:s24+$0x0];
	v22 =	vadd.f32 v44, v22  }
0x166: {  	v36 =	vadd.f32 v36, v18;
	s31 =	sadd.s32 s14, s22;
	v50 =	vld [tilespmem:s29+$0x0];
	v18 =	vadd.f32 v45, v24  }
0x167: {  	v38 =	vadd.f32 v38, v20;
	v61 =	vld [tilespmem:s31+$0x0];
	v21 =	vadd.f32 v35, v21;
	[tilespmem:$0x14300] =	vst @p0 v22  }
0x168: {  	v15 =	vadd.f32 v15, v14;
	v20 =	vadd.f32 v37, v36;
	[tilespmem:$0x14310] =	vst @p0 v18  }
0x169: {  	v34 =	vadd.f32 v34, v19;
	v14 =	vadd.f32 v43, v38;
	[tilespmem:$0x14320] =	vst @p0 v21  }
0x16a: {  	v26 =	vadd.f32 v26, v13;
	v17 =	vadd.f32 v46, v15;
	[tilespmem:$0x14330] =	vst @p0 v20  }
0x16b: {  	v12 =	vadd.f32 v27, v12;
	v19 =	vadd.f32 v47, v31;
	[tilespmem:$0x14340] =	vst @p0 v14  }
0x16c: {  	v11 =	vadd.f32 v29, v11;
	v13 =	vadd.f32 v48, v34;
	[tilespmem:$0x14350] =	vst @p0 v17  }
0x16d: {  	v10 =	vadd.f32 v30, v10;
	v12 =	vadd.f32 v51, v12;
	[tilespmem:$0x14360] =	vst @p0 v19  }
0x16e: {  	v25 =	vadd.f32 v33, v25;
	v11 =	vadd.f32 v52, v11;
	[tilespmem:$0x14370] =	vst @p0 v13  }
0x16f: {  	v62 =	vadd.f32 v32, v8;
	v10 =	vadd.f32 v53, v10;
	[tilespmem:$0x143A0] =	vst @p0 v12  }
0x170: {  	v5 =	vadd.f32 v5, v9;
	v8 =	vadd.f32 v54, v25;
	[tilespmem:$0x143B0] =	vst @p0 v11  }
0x171: {  	v63 =	vadd.f32 v39, v6;
	v9 =	vadd.f32 v55, v62;
	[tilespmem:$0x143C0] =	vst @p0 v10  }
0x172: {  	v3 =	vadd.f32 v3, v7;
	s0 =	sld [smem:$0x7E3];
	v6 =	vadd.f32 v58, v5;
	[tilespmem:$0x143D0] =	vst @p0 v8  }
0x173: {  	v15 =	vadd.f32 v28, v16;
	v7 =	vadd.f32 v59, v63;
	[tilespmem:$0x143E0] =	vst @p0 v9  }
0x174: {  	s1 =	sld [smem:$0x7FC];
	v5 =	vadd.f32 v23, v4;
	v4 =	vadd.f32 v60, v3;
	[tilespmem:$0x143F0] =	vst @p0 v6  }
0x175: {  	s0 =	sshll.u32 @p0 s0, $0x6;
	v16 =	vadd.f32 v49, v15;
	[tilespmem:$0x14400] =	vst @p0 v7  }
0x176: {  	s0 =	sand.u32 @p0 $0x380, s0;
	v15 =	vadd.f32 v50, v26;
	[tilespmem:$0x14410] =	vst @p0 v4  }
0x177: {  	s1 =	sor.u32 @p0 s1, s0;
	v5 =	vadd.f32 v61, v5;
	[tilespmem:$0x14380] =	vst @p0 v16  }
0x178: {  	s6 =	rddreg [dreg:$0x1d];
	s2 =	simm.s32 @p0 $0x80;
	s1 =	sshrl.u32 @p0 s1, $0x3;
	[tilespmem:$0x14390] =	vst @p0 v15  }
0x179: {  	s3 =	simm.s32 @p0 $0x400;
	s4 =	simm.s32 @p0 $0x14300;
	s1 =	sadd.s32 @p0 s6, s1;
	[tilespmem:$0x14420] =	vst @p0 v5  }
0x17a: {  	[hbm4b:s1+s2] =	stream.strided.scatter @p0 [tilespmem:s4], [sflag:$0x4], $0x180, s3, s2, $0x38;
	[tilespmem:$0x14480] =	vst v63  }
0x17b: {  	s1 =	simm.s32 @p0 $0x4  }
0x17c: {  	_ =	swait.ge @p0 [sflag:s1], $0x180  }
0x17d: {  	s4 =	sld [smem:$0x7F4];
	_ =	sdelay $0x2  }
0x17e: {  	s4 =	sor.u32 @p0 s4, s0  }
0x17f: {  	[sflag:s1] =	ssyncset.done @p0 $0x0;
	s4 =	sshrl.u32 @p0 s4, $0x3  }
0x180: {  	s5 =	simm.s32 @p0 $0x14000;
	[sflag:s1] =	ssyncadd.s32 @p0 $0xFFFFFE80;
	s4 =	sadd.s32 @p0 s6, s4  }
0x181: {  	[hbm4b:s4+s2] =	stream.strided.scatter @p0 [tilespmem:s5], [sflag:$0x4], $0x180, s3, s2, $0x38;
	[tilespmem:$0x14480] =	vst v63  }
0x182: {  	_ =	swait.ge @p0 [sflag:s1], $0x180  }
0x183: {  	s4 =	sld [smem:$0x7FD];
	_ =	sdelay $0x2  }
0x184: {  	s0 =	sor.u32 @p0 s4, s0  }
0x185: {  	[sflag:s1] =	ssyncset.done @p0 $0x0;
	s0 =	sshrl.u32 @p0 s0, $0x3  }
0x186: {  	[sflag:s1] =	ssyncadd.s32 @p0 $0xFFFFFE80;
	s1 =	simm.s32 @p0 $0x14180;
	s0 =	sadd.s32 @p0 s6, s0  }
0x187: {  	[hbm4b:s0+s2] =	stream.strided.scatter @p0 [tilespmem:s1], [sflag:$0x3], $0x180, s3, s2, $0x38;
	[tilespmem:$0x14480] =	vst v63  }
0x188: {  	s0 =	simm.s32 @p0 $0x3  }
0x189: {  	_ =	swait.ge @p0 [sflag:s0], $0x180  }
0x18a: {  	s5 =	sld [smem:$0x7E2];
	_ =	sdelay $0x2  }
0x18b: {  	p1 =	slt.u32 s5, $0x10  }
.Ltmp4:
0x18c: {  	_ = 	snop;
	(pc) =	sbr.rel @p1 .LBB2_2-.Ltmp4, $3  }
0x18d: {  	_ =	sdelay $0x1  }
0x18e: {  	s9 =	simm.s32 $0x0;
	[sflag:s0] =	ssyncset.done @p0 $0x0  }
0x18f: {  	s12 =	simm.s32 $0x14180;
	s13 =	simm.s32 $0x14000;
	[sflag:s0] =	ssyncadd.s32 @p0 $0xFFFFFE80  }
0x190: {  	s1 =	sld [smem:$0x7E4]  }
0x191: {  	s0 =	sld [smem:$0x7F5];
	_ =	sdelay $0x1  }
0x192: {  	s1 =	sadd.s32 $0x1, s1  }
0x193: {  	p0 =	sne.s32 s1, s0  }
.Ltmp5:
0x194: {  	_ = 	snop;
	(pc) =	sbr.rel @p0 .LBB2_1-.Ltmp5, $1  }
0x195: {  	_ =	sdelay $0x3  }
0x196: {  	_ =	sfence.sel $0x180000  }
0x197: {  	[bflag:$0x0] =	sbarrier.arrive $0xFFFF  }
0x198: {  	_ =	strace $0x90000047  }
0x199: {  	s0 =	stileid.u32;
	[bflag:$0x2] =	sbarrier.arrive $0xFFFF  }
0x19a: {  	p0 =	sne.s32 s0, $0x0;
	s0 =	rddreg [dreg:$0x3]  }
0x19b: {  	s0 =	sadd.s32 @!p0 $0x100000, s0  }
0x19c: {  	[sflag:s0] =	ssyncadd.tile.s32 @!p0 $0x1;
	_ =	shalt  }
.Lfunc_end2:
_tile_overlayer_lowered:
.L_overlay_start_2:
0x19d: {  	(tag) =	ssettag $0x2  }
0x19e: {  	s0 =	rddreg [dreg:$0x0];
	s2 =	stileid.u32  }
0x19f: {  	s1 =	rddreg [dreg:$0x1];
	p0 =	sne.s32 s2, $0x0  }
0x1a0: {  	s3 =	rddreg [dreg:$0x2];
	[bflag:$0x3] =	sbarrier.arrive $0xFFFF;
	s2 =	simm.s32 @!p0 $0x1C03  }
0x1a1: {  	[timem:s3], [sflag:s2] =	dma.local @!p0 [hbm:s0], s1  }
0x1a2: {  	s0 =	simm.s32 @!p0 $0x3  }
0x1a3: {  	_ =	swait.ge @!p0 [sflag:s0], s1  }
0x1a4: {  	s1 =	ssub.s32 @!p0 $0x0, s1;
	[sflag:s0] =	ssyncset.done @!p0 $0x0  }
0x1a5: {  	[sflag:s0] =	ssyncadd.s32 @!p0 s1  }
0x1a6: {  	[bflag:$0x3] =	sbarrier.arrive $0xFFFF  }
0x1a7: {  	_ =	shalt  }

</sc_bundles>
